<compile_context>
chip_gen: v7x
topology: tpu7x:2x2x1
jax: 0.10.2.dev20260603
libtpu: 0.0.44.dev20260713+nightly
codegen_flags: <defaults>
</compile_context>

<pallas_src>
import functools

import jax
import jax.numpy as jnp
from jax import lax
from jax.experimental import pallas as pl
from jax.experimental.pallas import tpu as pltpu
from jax.experimental.pallas import tpu_sc as plsc

N = 50000
E = 800000
H = 8
D = 8
HID = 64
OUT = 8

NS = 16
NC = 2
EPT = E // NS
CH = 80
NCHUNK = EPT // CH
SB = 25
NP = 50048
ROWS_PT = NP // NS
AW = 16
SW = 16

BN = 2000
GRID = N // BN


def _proj_body(xd_ref, xi_ref, wd_ref, bd_ref, wi_ref, bi_ref, as_ref,
               ad_ref, tabs_ref, tabd_ref):
    hd = jnp.dot(xd_ref[...], wd_ref[...],
                 preferred_element_type=jnp.float32) + bd_ref[...]
    hi = jnp.dot(xi_ref[...], wi_ref[...],
                 preferred_element_type=jnp.float32) + bi_ref[...]
    a_s = jnp.dot(hi, as_ref[...], preferred_element_type=jnp.float32)
    a_d = jnp.dot(hd, ad_ref[...], preferred_element_type=jnp.float32)
    z7 = jnp.zeros((BN, 7), jnp.float32)
    z8 = jnp.zeros((BN, 8), jnp.float32)
    for h in range(H):
        tabs_ref[h] = jnp.concatenate(
            [hi[:, 8 * h:8 * h + 8], a_s[:, h:h + 1], z7], axis=1)
    tabd_ref[...] = jnp.concatenate([a_d, z8], axis=1)


def _phase1(xd8, xi8, wd8, bd, wi8, bi, As, Ad):
    full = lambda *shape: pl.BlockSpec(shape, lambda i: (0,) * len(shape))
    return pl.pallas_call(
        _proj_body,
        grid=(GRID,),
        in_specs=[
            pl.BlockSpec((BN, 8), lambda i: (i, 0)),
            pl.BlockSpec((BN, 8), lambda i: (i, 0)),
            full(8, HID), full(1, HID), full(8, HID), full(1, HID),
            full(HID, H), full(HID, H),
        ],
        out_specs=[
            pl.BlockSpec((H, BN, SW), lambda i: (0, i, 0)),
            pl.BlockSpec((BN, 16), lambda i: (i, 0)),
        ],
        out_shape=[
            jax.ShapeDtypeStruct((H, N, SW), jnp.float32),
            jax.ShapeDtypeStruct((N, 16), jnp.float32),
        ],
    )(xd8, xi8, wd8, bd, wi8, bi, As, Ad)


def _sc_body(r, soff_hbm, dst_hbm, tabs_hbm, tabd_hbm, zeros_hbm, out_hbm,
             soff_v, dst_v, hs_v, ad_v, msg_v, acc_sh, sem_a, sem_b):
    c = lax.axis_index("c")
    s = lax.axis_index("s")
    pltpu.sync_copy(zeros_hbm, acc_sh.at[pl.ds(s * ROWS_PT, ROWS_PT)])
    plsc.subcore_barrier()

    iota16 = lax.iota(jnp.int32, 16)
    zero16 = jnp.zeros((16,), jnp.int32)

    def superchunk(m, carry0):
        pltpu.sync_copy(soff_hbm.at[c, s, m], soff_v)
        pltpu.sync_copy(dst_hbm.at[s, m], dst_v)

        def chunk(k, carry):
            g1 = pltpu.async_copy(tabs_hbm.at[soff_v.at[k]], hs_v, sem_a)
            g2 = pltpu.async_copy(tabd_hbm.at[dst_v.at[k]], ad_v, sem_b)
            g1.wait()
            g2.wait()

            def grp(i, carry2):
                eidx = i * 16 + iota16
                a_s16 = plsc.load_gather(hs_v, [eidx, zero16 + 8])
                a_d16 = plsc.load_gather(ad_v, [eidx, zero16 + (4 * c + r)])
                al = a_s16 + a_d16
                al = jnp.maximum(al, 0.2 * al)
                ex = jnp.exp(al)
                plsc.store_scatter(msg_v, [eidx, zero16 + 8], ex)
                for dd in range(8):
                    hv = plsc.load_gather(hs_v, [eidx, zero16 + dd])
                    plsc.store_scatter(msg_v, [eidx, zero16 + dd], ex * hv)
                return carry2

            lax.fori_loop(0, CH // 16, grp, 0)
            pltpu.sync_copy(msg_v, acc_sh.at[dst_v.at[k]], add=True)
            return carry

        lax.fori_loop(0, SB, chunk, 0)
        return carry0

    lax.fori_loop(0, NCHUNK // SB, superchunk, 0)
    plsc.subcore_barrier()
    pltpu.sync_copy(acc_sh.at[pl.ds(s * ROWS_PT, ROWS_PT)], out_hbm.at[c, s])


def _phase2(r, soff, dst2d, tabs, tabd, zeros):
    mesh = plsc.VectorSubcoreMesh(core_axis_name="c", subcore_axis_name="s")
    run = functools.partial(
        pl.kernel,
        mesh=mesh,
        compiler_params=pltpu.CompilerParams(
            needs_layout_passes=False, use_tc_tiling_on_sc=False),
        out_type=jax.ShapeDtypeStruct((NC, NS, ROWS_PT, AW), jnp.float32),
        scratch_types=[
            pltpu.VMEM((SB, CH), jnp.int32),
            pltpu.VMEM((SB, CH), jnp.int32),
            pltpu.VMEM((CH, SW), jnp.float32),
            pltpu.VMEM((CH, 16), jnp.float32),
            pltpu.VMEM((CH, AW), jnp.float32),
            pltpu.VMEM_SHARED((NP, AW), jnp.float32),
            pltpu.SemaphoreType.DMA,
            pltpu.SemaphoreType.DMA,
        ],
    )(functools.partial(_sc_body, r))
    return run(soff, dst2d, tabs, tabd, zeros)


def _final_body(*refs):
    part_refs, (wl_ref, bl_ref, e8_ref, out_ref) = refs[:8], refs[8:]
    parts = [p[...] for p in part_refs]
    num = jnp.concatenate([p[:, :8] for p in parts], axis=1)
    den = jnp.concatenate([p[:, 8:9] for p in parts], axis=1)
    mult = jnp.dot(1.0 / (den + 1e-16), e8_ref[...],
                   preferred_element_type=jnp.float32)
    o = jnp.maximum(num * mult, 0.0)
    out_ref[...] = jnp.dot(o, wl_ref[...],
                           preferred_element_type=jnp.float32) + bl_ref[...]


def _phase3(parts, wlin, blin, e8):
    full = lambda *shape: pl.BlockSpec(shape, lambda i: (0,) * len(shape))
    return pl.pallas_call(
        _final_body,
        grid=(GRID,),
        in_specs=[pl.BlockSpec((BN, AW), lambda i: (i, 0))] * 8 + [
            full(HID, OUT), full(1, OUT), full(H, HID),
        ],
        out_specs=pl.BlockSpec((BN, OUT), lambda i: (i, 0)),
        out_shape=jax.ShapeDtypeStruct((N, OUT), jnp.float32),
    )(*parts, wlin, blin, e8)


def kernel(x_domain, x_ip, edge_index_d2i, edge_index_i2d,
           Wp_domain, bp_domain, Wp_ip, bp_ip,
           att_src_d2i, att_dst_d2i, att_src_i2d, att_dst_i2d,
           Wk, bk, q, Wlin, blin):
    f32 = jnp.float32
    xd8 = jnp.pad(x_domain, ((0, 0), (0, 1)))
    xi8 = jnp.pad(x_ip, ((0, 0), (0, 1)))
    wd8 = jnp.pad(Wp_domain, ((0, 1), (0, 0)))
    wi8 = jnp.pad(Wp_ip, ((0, 1), (0, 0)))
    bd = bp_domain.reshape(1, HID)
    bi = bp_ip.reshape(1, HID)
    eye8 = jnp.eye(H, dtype=f32)
    As = (att_src_i2d[:, :, None] * eye8[:, None, :]).reshape(HID, H)
    Ad = (att_dst_i2d[:, :, None] * eye8[:, None, :]).reshape(HID, H)

    src = edge_index_i2d[0]
    dst = edge_index_i2d[1]
    soffs = [jnp.stack([src + r * N, src + (4 + r) * N]
                       ).reshape(NC, NS, NCHUNK // SB, SB, CH)
             for r in range(4)]
    dst2d = dst.reshape(NS, NCHUNK // SB, SB, CH)
    zeros = jnp.zeros((ROWS_PT, AW), f32)

    tabs_pre, tabd = _phase1(xd8, xi8, wd8, bd, wi8, bi, As, Ad)
    tabs = tabs_pre.reshape(H * N, SW)

    nds = [_phase2(r, soffs[r], dst2d, tabs, tabd, zeros).reshape(NC, NP, AW)
           for r in range(4)]

    parts = [nds[h % 4][h // 4, :N] for h in range(H)]
    e8 = jnp.kron(eye8, jnp.ones((1, D), f32))
    return _phase3(parts, Wlin, blin.reshape(1, OUT), e8)

# --- scband reference (transcript-rebuilt; emitter-appended) ---
"""Pipeline reference for scband-han-1322849928003 (READ-ONLY COPY).

The authoritative reference and input builder live on the scoring server;
editing this copy changes nothing except your own understanding.
"""

import jax, jax.numpy as jnp
import numpy as np

N = 50000
E = 800000
IN = 7
HID = 64
H = 8
D = 8
OUT = 8


def setup_inputs(seed: int = 0) -> dict:
    key = jax.random.key(seed)
    ks = jax.random.split(key, 20)
    inp = {}
    inp['x_domain'] = jax.random.normal(ks[0], (N, IN), jnp.float32)
    inp['x_ip'] = jax.random.normal(ks[1], (N, IN), jnp.float32)
    inp['edge_index_d2i'] = jax.random.randint(ks[2], (2, E), 0, N, jnp.int32)
    inp['edge_index_i2d'] = jax.random.randint(ks[3], (2, E), 0, N, jnp.int32)
    # HANConv parameters (one layer). Per-node-type input projections (in=7 -> hidden=64).
    inp['Wp_domain'] = 0.1 * jax.random.normal(ks[4], (IN, HID), jnp.float32)
    inp['bp_domain'] = 0.1 * jax.random.normal(ks[5], (HID,), jnp.float32)
    inp['Wp_ip'] = 0.1 * jax.random.normal(ks[6], (IN, HID), jnp.float32)
    inp['bp_ip'] = 0.1 * jax.random.normal(ks[7], (HID,), jnp.float32)
    # Per-edge-type GAT-style attention vectors [H, D]
    inp['att_src_d2i'] = 0.1 * jax.random.normal(ks[8], (H, D), jnp.float32)
    inp['att_dst_d2i'] = 0.1 * jax.random.normal(ks[9], (H, D), jnp.float32)
    inp['att_src_i2d'] = 0.1 * jax.random.normal(ks[10], (H, D), jnp.float32)
    inp['att_dst_i2d'] = 0.1 * jax.random.normal(ks[11], (H, D), jnp.float32)
    # Semantic-level attention: k_lin (hidden->hidden) and query vector q
    inp['Wk'] = 0.1 * jax.random.normal(ks[12], (HID, HID), jnp.float32)
    inp['bk'] = 0.1 * jax.random.normal(ks[13], (HID,), jnp.float32)
    inp['q'] = 0.1 * jax.random.normal(ks[14], (HID,), jnp.float32)
    # Final output Linear(hidden -> out_channels)
    inp['Wlin'] = 0.1 * jax.random.normal(ks[15], (HID, OUT), jnp.float32)
    inp['blin'] = 0.1 * jax.random.normal(ks[16], (OUT,), jnp.float32)
    return inp


def _edge_attention(h_src, h_dst, att_s, att_d, ei, n_dst):
    # GAT-style attention for one edge type; dropout disabled (eval mode).
    src, dst = ei[0], ei[1]
    a_s = (h_src * att_s[None]).sum(-1)  # [N, H]
    a_d = (h_dst * att_d[None]).sum(-1)  # [N, H]
    alpha = jax.nn.leaky_relu(a_s[src] + a_d[dst], 0.2)  # [E, H]
    m = jax.ops.segment_max(alpha, dst, num_segments=n_dst)
    m = jnp.where(jnp.isfinite(m), m, 0.0)
    ex = jnp.exp(alpha - m[dst])
    den = jax.ops.segment_sum(ex, dst, num_segments=n_dst)
    att = ex / (den[dst] + 1e-16)
    msg = att[:, :, None] * h_src[src]  # [E, H, D]
    out = jax.ops.segment_sum(msg, dst, num_segments=n_dst)
    return jax.nn.relu(out.reshape(n_dst, H * D))


def _semantic(outs, Wk, bk, q):
    stacked = jnp.stack(outs)  # [M, N, F]
    w = jnp.tanh(stacked @ Wk + bk[None, None, :]).mean(axis=1)  # [M, F]
    score = (w * q[None, :]).sum(-1)  # [M]
    attn = jax.nn.softmax(score, axis=0)
    return (attn[:, None, None] * stacked).sum(0)


def reference(x_domain, x_ip, edge_index_d2i, edge_index_i2d,
              Wp_domain, bp_domain, Wp_ip, bp_ip,
              att_src_d2i, att_dst_d2i, att_src_i2d, att_dst_i2d,
              Wk, bk, q, Wlin, blin):
    hd = (x_domain @ Wp_domain + bp_domain).reshape(N, H, D)
    hi = (x_ip @ Wp_ip + bp_ip).reshape(N, H, D)
    # edge type ('domain','to','ip'): messages into ip nodes (unused by final output but part of forward)
    out_ip = _edge_attention(hd, hi, att_src_d2i, att_dst_d2i, edge_index_d2i, N)
    # edge type ('ip','rev_to','domain'): messages into domain nodes
    out_dom = _edge_attention(hi, hd, att_src_i2d, att_dst_i2d, edge_index_i2d, N)
    dom = _semantic([out_dom], Wk, bk, q)
    return dom @ Wlin + blin

if __name__ == "__main__":
    import jax
    _d = setup_inputs()
    print(jax.jit(kernel)(*tuple(_d.values())))

</pallas_src>

<mosaic_0001>
#map = affine_map<(d0, d1) -> (0, 0, 0, 0, 0)>
#map1 = affine_map<(d0, d1) -> (0, 0, 0, 0)>
#map2 = affine_map<(d0, d1) -> (0, 0)>
module attributes {stable_mosaic.version = 14 : i64} {
  func.func @_sc_body(%arg0: i32, %arg1: i32, %arg2: memref<2x16x25x25x80xi32, #tpu.memory_space<hbm>>, %arg3: memref<16x25x25x80xi32, #tpu.memory_space<hbm>>, %arg4: memref<400000x16xf32, #tpu.memory_space<hbm>>, %arg5: memref<50000x16xf32, #tpu.memory_space<hbm>>, %arg6: memref<3128x16xf32, #tpu.memory_space<hbm>>, %arg7: memref<2x16x3128x16xf32, #tpu.memory_space<hbm>>, %arg8: memref<25x80xi32, #tpu.memory_space<vmem>>, %arg9: memref<25x80xi32, #tpu.memory_space<vmem>>, %arg10: memref<80x16xf32, #tpu.memory_space<vmem>>, %arg11: memref<80x16xf32, #tpu.memory_space<vmem>>, %arg12: memref<80x16xf32, #tpu.memory_space<vmem>>, %arg13: memref<50048x16xf32, #tpu.memory_space<vmem_shared>>, %arg14: memref<!tpu.dma_semaphore, #tpu.memory_space<semaphore_mem>>, %arg15: memref<!tpu.dma_semaphore, #tpu.memory_space<semaphore_mem>>) attributes {dimension_semantics = [#tpu.dimension_semantics<core_parallel>, #tpu.dimension_semantics<subcore_parallel>], iteration_bounds = array<i64: 2, 16>, scalar_prefetch = 0 : i64, scratch_operands = 8 : i64, tpu.core_type = #tpu.core_type<sc_vector_subcore>, window_params = [{transform_indices = #map}, {transform_indices = #map1}, {transform_indices = #map2}, {transform_indices = #map2}, {transform_indices = #map2}, {transform_indices = #map1}]} {
    %mul3A = arith.constant 3128 : i32
    %mul3A_0 = arith.muli %arg1, %mul3A : i32
    "tpu.region"() ({
      %run_scoped3A = tpu.sem_alloc : memref<!tpu.dma_semaphore, #tpu.memory_space<semaphore_mem>>
      %dma_start3A = arith.constant 0 : i32
      %dma_start3A_10 = tpu.memref_slice %arg13[%mul3A_0, %dma_start3A] : memref<50048x16xf32, #tpu.memory_space<vmem_shared>> -> memref<3128x16xf32, #tpu.memory_space<vmem_shared>>
      tpu.enqueue_dma source(%arg6 : memref<3128x16xf32, #tpu.memory_space<hbm>>) target(%dma_start3A_10 : memref<3128x16xf32, #tpu.memory_space<vmem_shared>>) target_semaphore(%run_scoped3A : memref<!tpu.dma_semaphore, #tpu.memory_space<semaphore_mem>>)
      %dma_wait3A = arith.constant 0 : i32
      %dma_wait3A_11 = tpu.memref_slice %arg13[%mul3A_0, %dma_wait3A] : memref<50048x16xf32, #tpu.memory_space<vmem_shared>> -> memref<3128x16xf32, #tpu.memory_space<vmem_shared>>
      tpu.wait_dma2 semaphore(%run_scoped3A : memref<!tpu.dma_semaphore, #tpu.memory_space<semaphore_mem>>) src(%arg6 : memref<3128x16xf32, #tpu.memory_space<hbm>>) dst(%dma_wait3A_11 : memref<3128x16xf32, #tpu.memory_space<vmem_shared>>)
      tpu.yield
    }) : () -> ()
    %barrier3A = arith.constant 0 : index
    tpu.barrier barrier_id(%barrier3A)
    %iota3A = tpu.iota {dimensions = array<i32: 0>} : vector<16xi32>
    %broadcast_in_dim3A = arith.constant 0 : i32
    %broadcast_in_dim3A_1 = vector.broadcast %broadcast_in_dim3A : i32 to vector<16xi32>
    %scan3A = arith.constant 0 : i32
    %scan3A_2 = arith.constant 0 : i32
    %scan3A_3 = arith.constant 25 : i32
    %scan3A_4 = arith.addi %scan3A_2, %scan3A_3 : i32
    %scan3A_5 = arith.constant 1 : i32
    scf.for %scan3A_10 = %scan3A_2 to %scan3A_4 step %scan3A_5  : i32 {
      "tpu.region"() ({
        %run_scoped3A = tpu.sem_alloc : memref<!tpu.dma_semaphore, #tpu.memory_space<semaphore_mem>>
        %dma_start3A = arith.constant 0 : i32
        %dma_start3A_17 = arith.constant 0 : i32
        %dma_start3A_18 = tpu.memref_slice %arg2[%arg0, %arg1, %scan3A_10, %dma_start3A, %dma_start3A_17] : memref<2x16x25x25x80xi32, #tpu.memory_space<hbm>> -> memref<1x1x1x25x80xi32, #tpu.memory_space<hbm>>
        %dma_start3A_19 = tpu.memref_squeeze %dma_start3A_18 : memref<1x1x1x25x80xi32, #tpu.memory_space<hbm>> -> memref<25x80xi32, #tpu.memory_space<hbm>>
        %dma_start3A_20 = arith.constant 0 : i32
        %dma_start3A_21 = arith.constant 0 : i32
        %dma_start3A_22 = tpu.memref_slice %arg2[%arg0, %arg1, %scan3A_10, %dma_start3A_20, %dma_start3A_21] : memref<2x16x25x25x80xi32, #tpu.memory_space<hbm>> -> memref<1x1x1x25x80xi32, #tpu.memory_space<hbm>>
        %dma_start3A_23 = tpu.memref_squeeze %dma_start3A_22 : memref<1x1x1x25x80xi32, #tpu.memory_space<hbm>> -> memref<25x80xi32, #tpu.memory_space<hbm>>
        tpu.enqueue_dma source(%dma_start3A_23 : memref<25x80xi32, #tpu.memory_space<hbm>>) target(%arg8 : memref<25x80xi32, #tpu.memory_space<vmem>>) target_semaphore(%run_scoped3A : memref<!tpu.dma_semaphore, #tpu.memory_space<semaphore_mem>>)
        %dma_wait3A = arith.constant 0 : i32
        %dma_wait3A_24 = arith.constant 0 : i32
        %dma_wait3A_25 = tpu.memref_slice %arg2[%arg0, %arg1, %scan3A_10, %dma_wait3A, %dma_wait3A_24] : memref<2x16x25x25x80xi32, #tpu.memory_space<hbm>> -> memref<1x1x1x25x80xi32, #tpu.memory_space<hbm>>
        %dma_wait3A_26 = tpu.memref_squeeze %dma_wait3A_25 : memref<1x1x1x25x80xi32, #tpu.memory_space<hbm>> -> memref<25x80xi32, #tpu.memory_space<hbm>>
        %dma_wait3A_27 = arith.constant 0 : i32
        %dma_wait3A_28 = arith.constant 0 : i32
        %dma_wait3A_29 = tpu.memref_slice %arg2[%arg0, %arg1, %scan3A_10, %dma_wait3A_27, %dma_wait3A_28] : memref<2x16x25x25x80xi32, #tpu.memory_space<hbm>> -> memref<1x1x1x25x80xi32, #tpu.memory_space<hbm>>
        %dma_wait3A_30 = tpu.memref_squeeze %dma_wait3A_29 : memref<1x1x1x25x80xi32, #tpu.memory_space<hbm>> -> memref<25x80xi32, #tpu.memory_space<hbm>>
        tpu.wait_dma2 semaphore(%run_scoped3A : memref<!tpu.dma_semaphore, #tpu.memory_space<semaphore_mem>>) src(%dma_wait3A_30 : memref<25x80xi32, #tpu.memory_space<hbm>>) dst(%arg8 : memref<25x80xi32, #tpu.memory_space<vmem>>)
        tpu.yield
      }) : () -> ()
      "tpu.region"() ({
        %run_scoped3A = tpu.sem_alloc : memref<!tpu.dma_semaphore, #tpu.memory_space<semaphore_mem>>
        %dma_start3A = arith.constant 0 : i32
        %dma_start3A_17 = arith.constant 0 : i32
        %dma_start3A_18 = tpu.memref_slice %arg3[%arg1, %scan3A_10, %dma_start3A, %dma_start3A_17] : memref<16x25x25x80xi32, #tpu.memory_space<hbm>> -> memref<1x1x25x80xi32, #tpu.memory_space<hbm>>
        %dma_start3A_19 = tpu.memref_squeeze %dma_start3A_18 : memref<1x1x25x80xi32, #tpu.memory_space<hbm>> -> memref<25x80xi32, #tpu.memory_space<hbm>>
        %dma_start3A_20 = arith.constant 0 : i32
        %dma_start3A_21 = arith.constant 0 : i32
        %dma_start3A_22 = tpu.memref_slice %arg3[%arg1, %scan3A_10, %dma_start3A_20, %dma_start3A_21] : memref<16x25x25x80xi32, #tpu.memory_space<hbm>> -> memref<1x1x25x80xi32, #tpu.memory_space<hbm>>
        %dma_start3A_23 = tpu.memref_squeeze %dma_start3A_22 : memref<1x1x25x80xi32, #tpu.memory_space<hbm>> -> memref<25x80xi32, #tpu.memory_space<hbm>>
        tpu.enqueue_dma source(%dma_start3A_23 : memref<25x80xi32, #tpu.memory_space<hbm>>) target(%arg9 : memref<25x80xi32, #tpu.memory_space<vmem>>) target_semaphore(%run_scoped3A : memref<!tpu.dma_semaphore, #tpu.memory_space<semaphore_mem>>)
        %dma_wait3A = arith.constant 0 : i32
        %dma_wait3A_24 = arith.constant 0 : i32
        %dma_wait3A_25 = tpu.memref_slice %arg3[%arg1, %scan3A_10, %dma_wait3A, %dma_wait3A_24] : memref<16x25x25x80xi32, #tpu.memory_space<hbm>> -> memref<1x1x25x80xi32, #tpu.memory_space<hbm>>
        %dma_wait3A_26 = tpu.memref_squeeze %dma_wait3A_25 : memref<1x1x25x80xi32, #tpu.memory_space<hbm>> -> memref<25x80xi32, #tpu.memory_space<hbm>>
        %dma_wait3A_27 = arith.constant 0 : i32
        %dma_wait3A_28 = arith.constant 0 : i32
        %dma_wait3A_29 = tpu.memref_slice %arg3[%arg1, %scan3A_10, %dma_wait3A_27, %dma_wait3A_28] : memref<16x25x25x80xi32, #tpu.memory_space<hbm>> -> memref<1x1x25x80xi32, #tpu.memory_space<hbm>>
        %dma_wait3A_30 = tpu.memref_squeeze %dma_wait3A_29 : memref<1x1x25x80xi32, #tpu.memory_space<hbm>> -> memref<25x80xi32, #tpu.memory_space<hbm>>
        tpu.wait_dma2 semaphore(%run_scoped3A : memref<!tpu.dma_semaphore, #tpu.memory_space<semaphore_mem>>) src(%dma_wait3A_30 : memref<25x80xi32, #tpu.memory_space<hbm>>) dst(%arg9 : memref<25x80xi32, #tpu.memory_space<vmem>>)
        tpu.yield
      }) : () -> ()
      %scan3A_11 = arith.constant 0 : i32
      %scan3A_12 = arith.constant 0 : i32
      %scan3A_13 = arith.constant 25 : i32
      %scan3A_14 = arith.addi %scan3A_12, %scan3A_13 : i32
      %scan3A_15 = arith.constant 1 : i32
      scf.for %scan3A_17 = %scan3A_12 to %scan3A_14 step %scan3A_15  : i32 {
        %dma_start3A = arith.constant 0 : i32
        %dma_start3A_18 = tpu.memref_slice %arg8[%scan3A_17, %dma_start3A] : memref<25x80xi32, #tpu.memory_space<vmem>> -> memref<1x80xi32, #tpu.memory_space<vmem>>
        %dma_start3A_19 = tpu.memref_squeeze %dma_start3A_18 : memref<1x80xi32, #tpu.memory_space<vmem>> -> memref<80xi32, #tpu.memory_space<vmem>>
        %dma_start3A_20 = arith.constant 0 : i32
        %dma_start3A_21 = arith.constant 0 : i32
        %dma_start3A_22 = tpu.memref_slice %arg4[%dma_start3A_20, %dma_start3A_21] : memref<400000x16xf32, #tpu.memory_space<hbm>> -> memref<400000x16xf32, #tpu.memory_space<hbm>>
        tpu.enqueue_indirect_dma source(%dma_start3A_22 : memref<400000x16xf32, #tpu.memory_space<hbm>>) target(%arg10 : memref<80x16xf32, #tpu.memory_space<vmem>>) offsets(%dma_start3A_19 : memref<80xi32, #tpu.memory_space<vmem>>) semaphore(%arg14 : memref<!tpu.dma_semaphore, #tpu.memory_space<semaphore_mem>>)
        %dma_start3A_23 = arith.constant 0 : i32
        %dma_start3A_24 = tpu.memref_slice %arg9[%scan3A_17, %dma_start3A_23] : memref<25x80xi32, #tpu.memory_space<vmem>> -> memref<1x80xi32, #tpu.memory_space<vmem>>
        %dma_start3A_25 = tpu.memref_squeeze %dma_start3A_24 : memref<1x80xi32, #tpu.memory_space<vmem>> -> memref<80xi32, #tpu.memory_space<vmem>>
        %dma_start3A_26 = arith.constant 0 : i32
        %dma_start3A_27 = arith.constant 0 : i32
        %dma_start3A_28 = tpu.memref_slice %arg5[%dma_start3A_26, %dma_start3A_27] : memref<50000x16xf32, #tpu.memory_space<hbm>> -> memref<50000x16xf32, #tpu.memory_space<hbm>>
        tpu.enqueue_indirect_dma source(%dma_start3A_28 : memref<50000x16xf32, #tpu.memory_space<hbm>>) target(%arg11 : memref<80x16xf32, #tpu.memory_space<vmem>>) offsets(%dma_start3A_25 : memref<80xi32, #tpu.memory_space<vmem>>) semaphore(%arg15 : memref<!tpu.dma_semaphore, #tpu.memory_space<semaphore_mem>>)
        %dma_wait3A = arith.constant 0 : i32
        %dma_wait3A_29 = tpu.memref_slice %arg8[%scan3A_17, %dma_wait3A] : memref<25x80xi32, #tpu.memory_space<vmem>> -> memref<1x80xi32, #tpu.memory_space<vmem>>
        %dma_wait3A_30 = tpu.memref_squeeze %dma_wait3A_29 : memref<1x80xi32, #tpu.memory_space<vmem>> -> memref<80xi32, #tpu.memory_space<vmem>>
        %dma_wait3A_31 = arith.constant 0 : i32
        %dma_wait3A_32 = arith.constant 0 : i32
        %dma_wait3A_33 = tpu.memref_slice %arg4[%dma_wait3A_31, %dma_wait3A_32] : memref<400000x16xf32, #tpu.memory_space<hbm>> -> memref<400000x16xf32, #tpu.memory_space<hbm>>
        tpu.wait_indirect_dma semaphore(%arg14 : memref<!tpu.dma_semaphore, #tpu.memory_space<semaphore_mem>>) src(%dma_wait3A_33 : memref<400000x16xf32, #tpu.memory_space<hbm>>) dst(%arg10 : memref<80x16xf32, #tpu.memory_space<vmem>>)
        %dma_wait3A_34 = arith.constant 0 : i32
        %dma_wait3A_35 = tpu.memref_slice %arg9[%scan3A_17, %dma_wait3A_34] : memref<25x80xi32, #tpu.memory_space<vmem>> -> memref<1x80xi32, #tpu.memory_space<vmem>>
        %dma_wait3A_36 = tpu.memref_squeeze %dma_wait3A_35 : memref<1x80xi32, #tpu.memory_space<vmem>> -> memref<80xi32, #tpu.memory_space<vmem>>
        %dma_wait3A_37 = arith.constant 0 : i32
        %dma_wait3A_38 = arith.constant 0 : i32
        %dma_wait3A_39 = tpu.memref_slice %arg5[%dma_wait3A_37, %dma_wait3A_38] : memref<50000x16xf32, #tpu.memory_space<hbm>> -> memref<50000x16xf32, #tpu.memory_space<hbm>>
        tpu.wait_indirect_dma semaphore(%arg15 : memref<!tpu.dma_semaphore, #tpu.memory_space<semaphore_mem>>) src(%dma_wait3A_39 : memref<50000x16xf32, #tpu.memory_space<hbm>>) dst(%arg11 : memref<80x16xf32, #tpu.memory_space<vmem>>)
        %scan3A_40 = arith.constant 0 : i32
        %scan3A_41 = arith.constant 0 : i32
        %scan3A_42 = arith.constant 5 : i32
        %scan3A_43 = arith.addi %scan3A_41, %scan3A_42 : i32
        %scan3A_44 = arith.constant 1 : i32
        scf.for %scan3A_46 = %scan3A_41 to %scan3A_43 step %scan3A_44  : i32 {
          %mul3A_47 = arith.constant 16 : i32
          %mul3A_48 = arith.muli %scan3A_46, %mul3A_47 : i32
          %add3A = vector.broadcast %mul3A_48 : i32 to vector<16xi32>
          %add3A_49 = arith.addi %add3A, %iota3A : vector<16xi32>
          %add3A_50 = arith.constant 8 : i32
          %add3A_51 = vector.broadcast %add3A_50 : i32 to vector<16xi32>
          %add3A_52 = arith.addi %broadcast_in_dim3A_1, %add3A_51 : vector<16xi32>
          %gather3A = tpu.vector_load_idx %arg10[%add3A_49, %add3A_52] : memref<80x16xf32, #tpu.memory_space<vmem>>[vector<16xi32>, vector<16xi32>], vector<16xf32>,
          %mul3A_53 = arith.constant 4 : i32
          %mul3A_54 = arith.muli %mul3A_53, %arg0 : i32
          %add3A_55 = arith.constant 0 : i32
          %add3A_56 = arith.addi %mul3A_54, %add3A_55 : i32
          %add3A_57 = vector.broadcast %add3A_56 : i32 to vector<16xi32>
          %add3A_58 = arith.addi %broadcast_in_dim3A_1, %add3A_57 : vector<16xi32>
          %gather3A_59 = tpu.vector_load_idx %arg11[%add3A_49, %add3A_58] : memref<80x16xf32, #tpu.memory_space<vmem>>[vector<16xi32>, vector<16xi32>], vector<16xf32>,
          %add3A_60 = arith.addf %gather3A, %gather3A_59 : vector<16xf32>
          %mul3A_61 = arith.constant 2.000000e-01 : f32
          %mul3A_62 = vector.broadcast %mul3A_61 : f32 to vector<16xf32>
          %mul3A_63 = arith.mulf %mul3A_62, %add3A_60 : vector<16xf32>
          %max3A = arith.maximumf %add3A_60, %mul3A_63 : vector<16xf32>
          %exp3A = math.exp %max3A : vector<16xf32>
          %add3A_64 = arith.constant 8 : i32
          %add3A_65 = vector.broadcast %add3A_64 : i32 to vector<16xi32>
          %add3A_66 = arith.addi %broadcast_in_dim3A_1, %add3A_65 : vector<16xi32>
          tpu.vector_store_idx %arg12[%add3A_49, %add3A_66], %exp3A : memref<80x16xf32, #tpu.memory_space<vmem>>[vector<16xi32>, vector<16xi32>], vector<16xf32>,
          %add3A_67 = arith.constant 0 : i32
          %add3A_68 = vector.broadcast %add3A_67 : i32 to vector<16xi32>
          %add3A_69 = arith.addi %broadcast_in_dim3A_1, %add3A_68 : vector<16xi32>
          %gather3A_70 = tpu.vector_load_idx %arg10[%add3A_49, %add3A_69] : memref<80x16xf32, #tpu.memory_space<vmem>>[vector<16xi32>, vector<16xi32>], vector<16xf32>,
          %add3A_71 = arith.constant 0 : i32
          %add3A_72 = vector.broadcast %add3A_71 : i32 to vector<16xi32>
          %add3A_73 = arith.addi %broadcast_in_dim3A_1, %add3A_72 : vector<16xi32>
          %mul3A_74 = arith.mulf %exp3A, %gather3A_70 : vector<16xf32>
          tpu.vector_store_idx %arg12[%add3A_49, %add3A_73], %mul3A_74 : memref<80x16xf32, #tpu.memory_space<vmem>>[vector<16xi32>, vector<16xi32>], vector<16xf32>,
          %add3A_75 = arith.constant 1 : i32
          %add3A_76 = vector.broadcast %add3A_75 : i32 to vector<16xi32>
          %add3A_77 = arith.addi %broadcast_in_dim3A_1, %add3A_76 : vector<16xi32>
          %gather3A_78 = tpu.vector_load_idx %arg10[%add3A_49, %add3A_77] : memref<80x16xf32, #tpu.memory_space<vmem>>[vector<16xi32>, vector<16xi32>], vector<16xf32>,
          %add3A_79 = arith.constant 1 : i32
          %add3A_80 = vector.broadcast %add3A_79 : i32 to vector<16xi32>
          %add3A_81 = arith.addi %broadcast_in_dim3A_1, %add3A_80 : vector<16xi32>
          %mul3A_82 = arith.mulf %exp3A, %gather3A_78 : vector<16xf32>
          tpu.vector_store_idx %arg12[%add3A_49, %add3A_81], %mul3A_82 : memref<80x16xf32, #tpu.memory_space<vmem>>[vector<16xi32>, vector<16xi32>], vector<16xf32>,
          %add3A_83 = arith.constant 2 : i32
          %add3A_84 = vector.broadcast %add3A_83 : i32 to vector<16xi32>
          %add3A_85 = arith.addi %broadcast_in_dim3A_1, %add3A_84 : vector<16xi32>
          %gather3A_86 = tpu.vector_load_idx %arg10[%add3A_49, %add3A_85] : memref<80x16xf32, #tpu.memory_space<vmem>>[vector<16xi32>, vector<16xi32>], vector<16xf32>,
          %add3A_87 = arith.constant 2 : i32
          %add3A_88 = vector.broadcast %add3A_87 : i32 to vector<16xi32>
          %add3A_89 = arith.addi %broadcast_in_dim3A_1, %add3A_88 : vector<16xi32>
          %mul3A_90 = arith.mulf %exp3A, %gather3A_86 : vector<16xf32>
          tpu.vector_store_idx %arg12[%add3A_49, %add3A_89], %mul3A_90 : memref<80x16xf32, #tpu.memory_space<vmem>>[vector<16xi32>, vector<16xi32>], vector<16xf32>,
          %add3A_91 = arith.constant 3 : i32
          %add3A_92 = vector.broadcast %add3A_91 : i32 to vector<16xi32>
          %add3A_93 = arith.addi %broadcast_in_dim3A_1, %add3A_92 : vector<16xi32>
          %gather3A_94 = tpu.vector_load_idx %arg10[%add3A_49, %add3A_93] : memref<80x16xf32, #tpu.memory_space<vmem>>[vector<16xi32>, vector<16xi32>], vector<16xf32>,
          %add3A_95 = arith.constant 3 : i32
          %add3A_96 = vector.broadcast %add3A_95 : i32 to vector<16xi32>
          %add3A_97 = arith.addi %broadcast_in_dim3A_1, %add3A_96 : vector<16xi32>
          %mul3A_98 = arith.mulf %exp3A, %gather3A_94 : vector<16xf32>
          tpu.vector_store_idx %arg12[%add3A_49, %add3A_97], %mul3A_98 : memref<80x16xf32, #tpu.memory_space<vmem>>[vector<16xi32>, vector<16xi32>], vector<16xf32>,
          %add3A_99 = arith.constant 4 : i32
          %add3A_100 = vector.broadcast %add3A_99 : i32 to vector<16xi32>
          %add3A_101 = arith.addi %broadcast_in_dim3A_1, %add3A_100 : vector<16xi32>
          %gather3A_102 = tpu.vector_load_idx %arg10[%add3A_49, %add3A_101] : memref<80x16xf32, #tpu.memory_space<vmem>>[vector<16xi32>, vector<16xi32>], vector<16xf32>,
          %add3A_103 = arith.constant 4 : i32
          %add3A_104 = vector.broadcast %add3A_103 : i32 to vector<16xi32>
          %add3A_105 = arith.addi %broadcast_in_dim3A_1, %add3A_104 : vector<16xi32>
          %mul3A_106 = arith.mulf %exp3A, %gather3A_102 : vector<16xf32>
          tpu.vector_store_idx %arg12[%add3A_49, %add3A_105], %mul3A_106 : memref<80x16xf32, #tpu.memory_space<vmem>>[vector<16xi32>, vector<16xi32>], vector<16xf32>,
          %add3A_107 = arith.constant 5 : i32
          %add3A_108 = vector.broadcast %add3A_107 : i32 to vector<16xi32>
          %add3A_109 = arith.addi %broadcast_in_dim3A_1, %add3A_108 : vector<16xi32>
          %gather3A_110 = tpu.vector_load_idx %arg10[%add3A_49, %add3A_109] : memref<80x16xf32, #tpu.memory_space<vmem>>[vector<16xi32>, vector<16xi32>], vector<16xf32>,
          %add3A_111 = arith.constant 5 : i32
          %add3A_112 = vector.broadcast %add3A_111 : i32 to vector<16xi32>
          %add3A_113 = arith.addi %broadcast_in_dim3A_1, %add3A_112 : vector<16xi32>
          %mul3A_114 = arith.mulf %exp3A, %gather3A_110 : vector<16xf32>
          tpu.vector_store_idx %arg12[%add3A_49, %add3A_113], %mul3A_114 : memref<80x16xf32, #tpu.memory_space<vmem>>[vector<16xi32>, vector<16xi32>], vector<16xf32>,
          %add3A_115 = arith.constant 6 : i32
          %add3A_116 = vector.broadcast %add3A_115 : i32 to vector<16xi32>
          %add3A_117 = arith.addi %broadcast_in_dim3A_1, %add3A_116 : vector<16xi32>
          %gather3A_118 = tpu.vector_load_idx %arg10[%add3A_49, %add3A_117] : memref<80x16xf32, #tpu.memory_space<vmem>>[vector<16xi32>, vector<16xi32>], vector<16xf32>,
          %add3A_119 = arith.constant 6 : i32
          %add3A_120 = vector.broadcast %add3A_119 : i32 to vector<16xi32>
          %add3A_121 = arith.addi %broadcast_in_dim3A_1, %add3A_120 : vector<16xi32>
          %mul3A_122 = arith.mulf %exp3A, %gather3A_118 : vector<16xf32>
          tpu.vector_store_idx %arg12[%add3A_49, %add3A_121], %mul3A_122 : memref<80x16xf32, #tpu.memory_space<vmem>>[vector<16xi32>, vector<16xi32>], vector<16xf32>,
          %add3A_123 = arith.constant 7 : i32
          %add3A_124 = vector.broadcast %add3A_123 : i32 to vector<16xi32>
          %add3A_125 = arith.addi %broadcast_in_dim3A_1, %add3A_124 : vector<16xi32>
          %gather3A_126 = tpu.vector_load_idx %arg10[%add3A_49, %add3A_125] : memref<80x16xf32, #tpu.memory_space<vmem>>[vector<16xi32>, vector<16xi32>], vector<16xf32>,
          %add3A_127 = arith.constant 7 : i32
          %add3A_128 = vector.broadcast %add3A_127 : i32 to vector<16xi32>
          %add3A_129 = arith.addi %broadcast_in_dim3A_1, %add3A_128 : vector<16xi32>
          %mul3A_130 = arith.mulf %exp3A, %gather3A_126 : vector<16xf32>
          tpu.vector_store_idx %arg12[%add3A_49, %add3A_129], %mul3A_130 : memref<80x16xf32, #tpu.memory_space<vmem>>[vector<16xi32>, vector<16xi32>], vector<16xf32>,
        }
        %scan3A_45 = arith.constant 5 : i32
        "tpu.region"() ({
          %run_scoped3A = tpu.sem_alloc : memref<!tpu.dma_semaphore, #tpu.memory_space<semaphore_mem>>
          %dma_start3A_46 = arith.constant 0 : i32
          %dma_start3A_47 = tpu.memref_slice %arg9[%scan3A_17, %dma_start3A_46] : memref<25x80xi32, #tpu.memory_space<vmem>> -> memref<1x80xi32, #tpu.memory_space<vmem>>
          %dma_start3A_48 = tpu.memref_squeeze %dma_start3A_47 : memref<1x80xi32, #tpu.memory_space<vmem>> -> memref<80xi32, #tpu.memory_space<vmem>>
          %dma_start3A_49 = arith.constant 0 : i32
          %dma_start3A_50 = arith.constant 0 : i32
          %dma_start3A_51 = tpu.memref_slice %arg13[%dma_start3A_49, %dma_start3A_50] : memref<50048x16xf32, #tpu.memory_space<vmem_shared>> -> memref<50048x16xf32, #tpu.memory_space<vmem_shared>>
          tpu.enqueue_indirect_dma source(%arg12 : memref<80x16xf32, #tpu.memory_space<vmem>>) target(%dma_start3A_51 : memref<50048x16xf32, #tpu.memory_space<vmem_shared>>) offsets(%dma_start3A_48 : memref<80xi32, #tpu.memory_space<vmem>>) semaphore(%run_scoped3A : memref<!tpu.dma_semaphore, #tpu.memory_space<semaphore_mem>>) {add = true}
          %dma_wait3A_52 = arith.constant 0 : i32
          %dma_wait3A_53 = tpu.memref_slice %arg9[%scan3A_17, %dma_wait3A_52] : memref<25x80xi32, #tpu.memory_space<vmem>> -> memref<1x80xi32, #tpu.memory_space<vmem>>
          %dma_wait3A_54 = tpu.memref_squeeze %dma_wait3A_53 : memref<1x80xi32, #tpu.memory_space<vmem>> -> memref<80xi32, #tpu.memory_space<vmem>>
          %dma_wait3A_55 = arith.constant 0 : i32
          %dma_wait3A_56 = arith.constant 0 : i32
          %dma_wait3A_57 = tpu.memref_slice %arg13[%dma_wait3A_55, %dma_wait3A_56] : memref<50048x16xf32, #tpu.memory_space<vmem_shared>> -> memref<50048x16xf32, #tpu.memory_space<vmem_shared>>
          tpu.wait_indirect_dma semaphore(%run_scoped3A : memref<!tpu.dma_semaphore, #tpu.memory_space<semaphore_mem>>) src(%arg12 : memref<80x16xf32, #tpu.memory_space<vmem>>) dst(%dma_wait3A_57 : memref<50048x16xf32, #tpu.memory_space<vmem_shared>>)
          tpu.yield
        }) : () -> ()
      }
      %scan3A_16 = arith.constant 25 : i32
    }
    %scan3A_6 = arith.constant 25 : i32
    %barrier3A_7 = arith.constant 0 : index
    tpu.barrier barrier_id(%barrier3A_7)
    %mul3A_8 = arith.constant 3128 : i32
    %mul3A_9 = arith.muli %arg1, %mul3A_8 : i32
    "tpu.region"() ({
      %run_scoped3A = tpu.sem_alloc : memref<!tpu.dma_semaphore, #tpu.memory_space<semaphore_mem>>
      %dma_start3A = arith.constant 0 : i32
      %dma_start3A_10 = arith.constant 0 : i32
      %dma_start3A_11 = tpu.memref_slice %arg7[%arg0, %arg1, %dma_start3A, %dma_start3A_10] : memref<2x16x3128x16xf32, #tpu.memory_space<hbm>> -> memref<1x1x3128x16xf32, #tpu.memory_space<hbm>>
      %dma_start3A_12 = tpu.memref_squeeze %dma_start3A_11 : memref<1x1x3128x16xf32, #tpu.memory_space<hbm>> -> memref<3128x16xf32, #tpu.memory_space<hbm>>
      %dma_start3A_13 = arith.constant 0 : i32
      %dma_start3A_14 = tpu.memref_slice %arg13[%mul3A_9, %dma_start3A_13] : memref<50048x16xf32, #tpu.memory_space<vmem_shared>> -> memref<3128x16xf32, #tpu.memory_space<vmem_shared>>
      tpu.enqueue_dma source(%dma_start3A_14 : memref<3128x16xf32, #tpu.memory_space<vmem_shared>>) target(%dma_start3A_12 : memref<3128x16xf32, #tpu.memory_space<hbm>>) target_semaphore(%run_scoped3A : memref<!tpu.dma_semaphore, #tpu.memory_space<semaphore_mem>>)
      %dma_wait3A = arith.constant 0 : i32
      %dma_wait3A_15 = arith.constant 0 : i32
      %dma_wait3A_16 = tpu.memref_slice %arg7[%arg0, %arg1, %dma_wait3A, %dma_wait3A_15] : memref<2x16x3128x16xf32, #tpu.memory_space<hbm>> -> memref<1x1x3128x16xf32, #tpu.memory_space<hbm>>
      %dma_wait3A_17 = tpu.memref_squeeze %dma_wait3A_16 : memref<1x1x3128x16xf32, #tpu.memory_space<hbm>> -> memref<3128x16xf32, #tpu.memory_space<hbm>>
      %dma_wait3A_18 = arith.constant 0 : i32
      %dma_wait3A_19 = tpu.memref_slice %arg13[%mul3A_9, %dma_wait3A_18] : memref<50048x16xf32, #tpu.memory_space<vmem_shared>> -> memref<3128x16xf32, #tpu.memory_space<vmem_shared>>
      tpu.wait_dma2 semaphore(%run_scoped3A : memref<!tpu.dma_semaphore, #tpu.memory_space<semaphore_mem>>) src(%dma_wait3A_19 : memref<3128x16xf32, #tpu.memory_space<vmem_shared>>) dst(%dma_wait3A_17 : memref<3128x16xf32, #tpu.memory_space<hbm>>)
      tpu.yield
    }) : () -> ()
    return
  }
}

#map = affine_map<(d0, d1) -> (0, 0, 0, 0, 0)>
#map1 = affine_map<(d0, d1) -> (0, 0, 0, 0)>
#map2 = affine_map<(d0, d1) -> (0, 0)>
module attributes {stable_mosaic.version = 14 : i64} {
  func.func @_sc_body(%arg0: i32, %arg1: i32, %arg2: memref<2x16x25x25x80xi32, #tpu.memory_space<hbm>>, %arg3: memref<16x25x25x80xi32, #tpu.memory_space<hbm>>, %arg4: memref<400000x16xf32, #tpu.memory_space<hbm>>, %arg5: memref<50000x16xf32, #tpu.memory_space<hbm>>, %arg6: memref<3128x16xf32, #tpu.memory_space<hbm>>, %arg7: memref<2x16x3128x16xf32, #tpu.memory_space<hbm>>, %arg8: memref<25x80xi32, #tpu.memory_space<vmem>>, %arg9: memref<25x80xi32, #tpu.memory_space<vmem>>, %arg10: memref<80x16xf32, #tpu.memory_space<vmem>>, %arg11: memref<80x16xf32, #tpu.memory_space<vmem>>, %arg12: memref<80x16xf32, #tpu.memory_space<vmem>>, %arg13: memref<50048x16xf32, #tpu.memory_space<vmem_shared>>, %arg14: memref<!tpu.dma_semaphore, #tpu.memory_space<semaphore_mem>>, %arg15: memref<!tpu.dma_semaphore, #tpu.memory_space<semaphore_mem>>) attributes {dimension_semantics = [#tpu.dimension_semantics<core_parallel>, #tpu.dimension_semantics<subcore_parallel>], iteration_bounds = array<i64: 2, 16>, scalar_prefetch = 0 : i64, scratch_operands = 8 : i64, tpu.core_type = #tpu.core_type<sc_vector_subcore>, window_params = [{transform_indices = #map}, {transform_indices = #map1}, {transform_indices = #map2}, {transform_indices = #map2}, {transform_indices = #map2}, {transform_indices = #map1}]} {
    %mul3A = arith.constant 3128 : i32
    %mul3A_0 = arith.muli %arg1, %mul3A : i32
    "tpu.region"() ({
      %run_scoped3A = tpu.sem_alloc : memref<!tpu.dma_semaphore, #tpu.memory_space<semaphore_mem>>
      %dma_start3A = arith.constant 0 : i32
      %dma_start3A_10 = tpu.memref_slice %arg13[%mul3A_0, %dma_start3A] : memref<50048x16xf32, #tpu.memory_space<vmem_shared>> -> memref<3128x16xf32, #tpu.memory_space<vmem_shared>>
      tpu.enqueue_dma source(%arg6 : memref<3128x16xf32, #tpu.memory_space<hbm>>) target(%dma_start3A_10 : memref<3128x16xf32, #tpu.memory_space<vmem_shared>>) target_semaphore(%run_scoped3A : memref<!tpu.dma_semaphore, #tpu.memory_space<semaphore_mem>>)
      %dma_wait3A = arith.constant 0 : i32
      %dma_wait3A_11 = tpu.memref_slice %arg13[%mul3A_0, %dma_wait3A] : memref<50048x16xf32, #tpu.memory_space<vmem_shared>> -> memref<3128x16xf32, #tpu.memory_space<vmem_shared>>
      tpu.wait_dma2 semaphore(%run_scoped3A : memref<!tpu.dma_semaphore, #tpu.memory_space<semaphore_mem>>) src(%arg6 : memref<3128x16xf32, #tpu.memory_space<hbm>>) dst(%dma_wait3A_11 : memref<3128x16xf32, #tpu.memory_space<vmem_shared>>)
      tpu.yield
    }) : () -> ()
    %barrier3A = arith.constant 0 : index
    tpu.barrier barrier_id(%barrier3A)
    %iota3A = tpu.iota {dimensions = array<i32: 0>} : vector<16xi32>
    %broadcast_in_dim3A = arith.constant 0 : i32
    %broadcast_in_dim3A_1 = vector.broadcast %broadcast_in_dim3A : i32 to vector<16xi32>
    %scan3A = arith.constant 0 : i32
    %scan3A_2 = arith.constant 0 : i32
    %scan3A_3 = arith.constant 25 : i32
    %scan3A_4 = arith.addi %scan3A_2, %scan3A_3 : i32
    %scan3A_5 = arith.constant 1 : i32
    scf.for %scan3A_10 = %scan3A_2 to %scan3A_4 step %scan3A_5  : i32 {
      "tpu.region"() ({
        %run_scoped3A = tpu.sem_alloc : memref<!tpu.dma_semaphore, #tpu.memory_space<semaphore_mem>>
        %dma_start3A = arith.constant 0 : i32
        %dma_start3A_17 = arith.constant 0 : i32
        %dma_start3A_18 = tpu.memref_slice %arg2[%arg0, %arg1, %scan3A_10, %dma_start3A, %dma_start3A_17] : memref<2x16x25x25x80xi32, #tpu.memory_space<hbm>> -> memref<1x1x1x25x80xi32, #tpu.memory_space<hbm>>
        %dma_start3A_19 = tpu.memref_squeeze %dma_start3A_18 : memref<1x1x1x25x80xi32, #tpu.memory_space<hbm>> -> memref<25x80xi32, #tpu.memory_space<hbm>>
        %dma_start3A_20 = arith.constant 0 : i32
        %dma_start3A_21 = arith.constant 0 : i32
        %dma_start3A_22 = tpu.memref_slice %arg2[%arg0, %arg1, %scan3A_10, %dma_start3A_20, %dma_start3A_21] : memref<2x16x25x25x80xi32, #tpu.memory_space<hbm>> -> memref<1x1x1x25x80xi32, #tpu.memory_space<hbm>>
        %dma_start3A_23 = tpu.memref_squeeze %dma_start3A_22 : memref<1x1x1x25x80xi32, #tpu.memory_space<hbm>> -> memref<25x80xi32, #tpu.memory_space<hbm>>
        tpu.enqueue_dma source(%dma_start3A_23 : memref<25x80xi32, #tpu.memory_space<hbm>>) target(%arg8 : memref<25x80xi32, #tpu.memory_space<vmem>>) target_semaphore(%run_scoped3A : memref<!tpu.dma_semaphore, #tpu.memory_space<semaphore_mem>>)
        %dma_wait3A = arith.constant 0 : i32
        %dma_wait3A_24 = arith.constant 0 : i32
        %dma_wait3A_25 = tpu.memref_slice %arg2[%arg0, %arg1, %scan3A_10, %dma_wait3A, %dma_wait3A_24] : memref<2x16x25x25x80xi32, #tpu.memory_space<hbm>> -> memref<1x1x1x25x80xi32, #tpu.memory_space<hbm>>
        %dma_wait3A_26 = tpu.memref_squeeze %dma_wait3A_25 : memref<1x1x1x25x80xi32, #tpu.memory_space<hbm>> -> memref<25x80xi32, #tpu.memory_space<hbm>>
        %dma_wait3A_27 = arith.constant 0 : i32
        %dma_wait3A_28 = arith.constant 0 : i32
        %dma_wait3A_29 = tpu.memref_slice %arg2[%arg0, %arg1, %scan3A_10, %dma_wait3A_27, %dma_wait3A_28] : memref<2x16x25x25x80xi32, #tpu.memory_space<hbm>> -> memref<1x1x1x25x80xi32, #tpu.memory_space<hbm>>
        %dma_wait3A_30 = tpu.memref_squeeze %dma_wait3A_29 : memref<1x1x1x25x80xi32, #tpu.memory_space<hbm>> -> memref<25x80xi32, #tpu.memory_space<hbm>>
        tpu.wait_dma2 semaphore(%run_scoped3A : memref<!tpu.dma_semaphore, #tpu.memory_space<semaphore_mem>>) src(%dma_wait3A_30 : memref<25x80xi32, #tpu.memory_space<hbm>>) dst(%arg8 : memref<25x80xi32, #tpu.memory_space<vmem>>)
        tpu.yield
      }) : () -> ()
      "tpu.region"() ({
        %run_scoped3A = tpu.sem_alloc : memref<!tpu.dma_semaphore, #tpu.memory_space<semaphore_mem>>
        %dma_start3A = arith.constant 0 : i32
        %dma_start3A_17 = arith.constant 0 : i32
        %dma_start3A_18 = tpu.memref_slice %arg3[%arg1, %scan3A_10, %dma_start3A, %dma_start3A_17] : memref<16x25x25x80xi32, #tpu.memory_space<hbm>> -> memref<1x1x25x80xi32, #tpu.memory_space<hbm>>
        %dma_start3A_19 = tpu.memref_squeeze %dma_start3A_18 : memref<1x1x25x80xi32, #tpu.memory_space<hbm>> -> memref<25x80xi32, #tpu.memory_space<hbm>>
        %dma_start3A_20 = arith.constant 0 : i32
        %dma_start3A_21 = arith.constant 0 : i32
        %dma_start3A_22 = tpu.memref_slice %arg3[%arg1, %scan3A_10, %dma_start3A_20, %dma_start3A_21] : memref<16x25x25x80xi32, #tpu.memory_space<hbm>> -> memref<1x1x25x80xi32, #tpu.memory_space<hbm>>
        %dma_start3A_23 = tpu.memref_squeeze %dma_start3A_22 : memref<1x1x25x80xi32, #tpu.memory_space<hbm>> -> memref<25x80xi32, #tpu.memory_space<hbm>>
        tpu.enqueue_dma source(%dma_start3A_23 : memref<25x80xi32, #tpu.memory_space<hbm>>) target(%arg9 : memref<25x80xi32, #tpu.memory_space<vmem>>) target_semaphore(%run_scoped3A : memref<!tpu.dma_semaphore, #tpu.memory_space<semaphore_mem>>)
        %dma_wait3A = arith.constant 0 : i32
        %dma_wait3A_24 = arith.constant 0 : i32
        %dma_wait3A_25 = tpu.memref_slice %arg3[%arg1, %scan3A_10, %dma_wait3A, %dma_wait3A_24] : memref<16x25x25x80xi32, #tpu.memory_space<hbm>> -> memref<1x1x25x80xi32, #tpu.memory_space<hbm>>
        %dma_wait3A_26 = tpu.memref_squeeze %dma_wait3A_25 : memref<1x1x25x80xi32, #tpu.memory_space<hbm>> -> memref<25x80xi32, #tpu.memory_space<hbm>>
        %dma_wait3A_27 = arith.constant 0 : i32
        %dma_wait3A_28 = arith.constant 0 : i32
        %dma_wait3A_29 = tpu.memref_slice %arg3[%arg1, %scan3A_10, %dma_wait3A_27, %dma_wait3A_28] : memref<16x25x25x80xi32, #tpu.memory_space<hbm>> -> memref<1x1x25x80xi32, #tpu.memory_space<hbm>>
        %dma_wait3A_30 = tpu.memref_squeeze %dma_wait3A_29 : memref<1x1x25x80xi32, #tpu.memory_space<hbm>> -> memref<25x80xi32, #tpu.memory_space<hbm>>
        tpu.wait_dma2 semaphore(%run_scoped3A : memref<!tpu.dma_semaphore, #tpu.memory_space<semaphore_mem>>) src(%dma_wait3A_30 : memref<25x80xi32, #tpu.memory_space<hbm>>) dst(%arg9 : memref<25x80xi32, #tpu.memory_space<vmem>>)
        tpu.yield
      }) : () -> ()
      %scan3A_11 = arith.constant 0 : i32
      %scan3A_12 = arith.constant 0 : i32
      %scan3A_13 = arith.constant 25 : i32
      %scan3A_14 = arith.addi %scan3A_12, %scan3A_13 : i32
      %scan3A_15 = arith.constant 1 : i32
      scf.for %scan3A_17 = %scan3A_12 to %scan3A_14 step %scan3A_15  : i32 {
        %dma_start3A = arith.constant 0 : i32
        %dma_start3A_18 = tpu.memref_slice %arg8[%scan3A_17, %dma_start3A] : memref<25x80xi32, #tpu.memory_space<vmem>> -> memref<1x80xi32, #tpu.memory_space<vmem>>
        %dma_start3A_19 = tpu.memref_squeeze %dma_start3A_18 : memref<1x80xi32, #tpu.memory_space<vmem>> -> memref<80xi32, #tpu.memory_space<vmem>>
        %dma_start3A_20 = arith.constant 0 : i32
        %dma_start3A_21 = arith.constant 0 : i32
        %dma_start3A_22 = tpu.memref_slice %arg4[%dma_start3A_20, %dma_start3A_21] : memref<400000x16xf32, #tpu.memory_space<hbm>> -> memref<400000x16xf32, #tpu.memory_space<hbm>>
        tpu.enqueue_indirect_dma source(%dma_start3A_22 : memref<400000x16xf32, #tpu.memory_space<hbm>>) target(%arg10 : memref<80x16xf32, #tpu.memory_space<vmem>>) offsets(%dma_start3A_19 : memref<80xi32, #tpu.memory_space<vmem>>) semaphore(%arg14 : memref<!tpu.dma_semaphore, #tpu.memory_space<semaphore_mem>>)
        %dma_start3A_23 = arith.constant 0 : i32
        %dma_start3A_24 = tpu.memref_slice %arg9[%scan3A_17, %dma_start3A_23] : memref<25x80xi32, #tpu.memory_space<vmem>> -> memref<1x80xi32, #tpu.memory_space<vmem>>
        %dma_start3A_25 = tpu.memref_squeeze %dma_start3A_24 : memref<1x80xi32, #tpu.memory_space<vmem>> -> memref<80xi32, #tpu.memory_space<vmem>>
        %dma_start3A_26 = arith.constant 0 : i32
        %dma_start3A_27 = arith.constant 0 : i32
        %dma_start3A_28 = tpu.memref_slice %arg5[%dma_start3A_26, %dma_start3A_27] : memref<50000x16xf32, #tpu.memory_space<hbm>> -> memref<50000x16xf32, #tpu.memory_space<hbm>>
        tpu.enqueue_indirect_dma source(%dma_start3A_28 : memref<50000x16xf32, #tpu.memory_space<hbm>>) target(%arg11 : memref<80x16xf32, #tpu.memory_space<vmem>>) offsets(%dma_start3A_25 : memref<80xi32, #tpu.memory_space<vmem>>) semaphore(%arg15 : memref<!tpu.dma_semaphore, #tpu.memory_space<semaphore_mem>>)
        %dma_wait3A = arith.constant 0 : i32
        %dma_wait3A_29 = tpu.memref_slice %arg8[%scan3A_17, %dma_wait3A] : memref<25x80xi32, #tpu.memory_space<vmem>> -> memref<1x80xi32, #tpu.memory_space<vmem>>
        %dma_wait3A_30 = tpu.memref_squeeze %dma_wait3A_29 : memref<1x80xi32, #tpu.memory_space<vmem>> -> memref<80xi32, #tpu.memory_space<vmem>>
        %dma_wait3A_31 = arith.constant 0 : i32
        %dma_wait3A_32 = arith.constant 0 : i32
        %dma_wait3A_33 = tpu.memref_slice %arg4[%dma_wait3A_31, %dma_wait3A_32] : memref<400000x16xf32, #tpu.memory_space<hbm>> -> memref<400000x16xf32, #tpu.memory_space<hbm>>
        tpu.wait_indirect_dma semaphore(%arg14 : memref<!tpu.dma_semaphore, #tpu.memory_space<semaphore_mem>>) src(%dma_wait3A_33 : memref<400000x16xf32, #tpu.memory_space<hbm>>) dst(%arg10 : memref<80x16xf32, #tpu.memory_space<vmem>>)
        %dma_wait3A_34 = arith.constant 0 : i32
        %dma_wait3A_35 = tpu.memref_slice %arg9[%scan3A_17, %dma_wait3A_34] : memref<25x80xi32, #tpu.memory_space<vmem>> -> memref<1x80xi32, #tpu.memory_space<vmem>>
        %dma_wait3A_36 = tpu.memref_squeeze %dma_wait3A_35 : memref<1x80xi32, #tpu.memory_space<vmem>> -> memref<80xi32, #tpu.memory_space<vmem>>
        %dma_wait3A_37 = arith.constant 0 : i32
        %dma_wait3A_38 = arith.constant 0 : i32
        %dma_wait3A_39 = tpu.memref_slice %arg5[%dma_wait3A_37, %dma_wait3A_38] : memref<50000x16xf32, #tpu.memory_space<hbm>> -> memref<50000x16xf32, #tpu.memory_space<hbm>>
        tpu.wait_indirect_dma semaphore(%arg15 : memref<!tpu.dma_semaphore, #tpu.memory_space<semaphore_mem>>) src(%dma_wait3A_39 : memref<50000x16xf32, #tpu.memory_space<hbm>>) dst(%arg11 : memref<80x16xf32, #tpu.memory_space<vmem>>)
        %scan3A_40 = arith.constant 0 : i32
        %scan3A_41 = arith.constant 0 : i32
        %scan3A_42 = arith.constant 5 : i32
        %scan3A_43 = arith.addi %scan3A_41, %scan3A_42 : i32
        %scan3A_44 = arith.constant 1 : i32
        scf.for %scan3A_46 = %scan3A_41 to %scan3A_43 step %scan3A_44  : i32 {
          %mul3A_47 = arith.constant 16 : i32
          %mul3A_48 = arith.muli %scan3A_46, %mul3A_47 : i32
          %add3A = vector.broadcast %mul3A_48 : i32 to vector<16xi32>
          %add3A_49 = arith.addi %add3A, %iota3A : vector<16xi32>
          %add3A_50 = arith.constant 8 : i32
          %add3A_51 = vector.broadcast %add3A_50 : i32 to vector<16xi32>
          %add3A_52 = arith.addi %broadcast_in_dim3A_1, %add3A_51 : vector<16xi32>
          %gather3A = tpu.vector_load_idx %arg10[%add3A_49, %add3A_52] : memref<80x16xf32, #tpu.memory_space<vmem>>[vector<16xi32>, vector<16xi32>], vector<16xf32>,
          %mul3A_53 = arith.constant 4 : i32
          %mul3A_54 = arith.muli %mul3A_53, %arg0 : i32
          %add3A_55 = arith.constant 1 : i32
          %add3A_56 = arith.addi %mul3A_54, %add3A_55 : i32
          %add3A_57 = vector.broadcast %add3A_56 : i32 to vector<16xi32>
          %add3A_58 = arith.addi %broadcast_in_dim3A_1, %add3A_57 : vector<16xi32>
          %gather3A_59 = tpu.vector_load_idx %arg11[%add3A_49, %add3A_58] : memref<80x16xf32, #tpu.memory_space<vmem>>[vector<16xi32>, vector<16xi32>], vector<16xf32>,
          %add3A_60 = arith.addf %gather3A, %gather3A_59 : vector<16xf32>
          %mul3A_61 = arith.constant 2.000000e-01 : f32
          %mul3A_62 = vector.broadcast %mul3A_61 : f32 to vector<16xf32>
          %mul3A_63 = arith.mulf %mul3A_62, %add3A_60 : vector<16xf32>
          %max3A = arith.maximumf %add3A_60, %mul3A_63 : vector<16xf32>
          %exp3A = math.exp %max3A : vector<16xf32>
          %add3A_64 = arith.constant 8 : i32
          %add3A_65 = vector.broadcast %add3A_64 : i32 to vector<16xi32>
          %add3A_66 = arith.addi %broadcast_in_dim3A_1, %add3A_65 : vector<16xi32>
          tpu.vector_store_idx %arg12[%add3A_49, %add3A_66], %exp3A : memref<80x16xf32, #tpu.memory_space<vmem>>[vector<16xi32>, vector<16xi32>], vector<16xf32>,
          %add3A_67 = arith.constant 0 : i32
          %add3A_68 = vector.broadcast %add3A_67 : i32 to vector<16xi32>
          %add3A_69 = arith.addi %broadcast_in_dim3A_1, %add3A_68 : vector<16xi32>
          %gather3A_70 = tpu.vector_load_idx %arg10[%add3A_49, %add3A_69] : memref<80x16xf32, #tpu.memory_space<vmem>>[vector<16xi32>, vector<16xi32>], vector<16xf32>,
          %add3A_71 = arith.constant 0 : i32
          %add3A_72 = vector.broadcast %add3A_71 : i32 to vector<16xi32>
          %add3A_73 = arith.addi %broadcast_in_dim3A_1, %add3A_72 : vector<16xi32>
          %mul3A_74 = arith.mulf %exp3A, %gather3A_70 : vector<16xf32>
          tpu.vector_store_idx %arg12[%add3A_49, %add3A_73], %mul3A_74 : memref<80x16xf32, #tpu.memory_space<vmem>>[vector<16xi32>, vector<16xi32>], vector<16xf32>,
          %add3A_75 = arith.constant 1 : i32
          %add3A_76 = vector.broadcast %add3A_75 : i32 to vector<16xi32>
          %add3A_77 = arith.addi %broadcast_in_dim3A_1, %add3A_76 : vector<16xi32>
          %gather3A_78 = tpu.vector_load_idx %arg10[%add3A_49, %add3A_77] : memref<80x16xf32, #tpu.memory_space<vmem>>[vector<16xi32>, vector<16xi32>], vector<16xf32>,
          %add3A_79 = arith.constant 1 : i32
          %add3A_80 = vector.broadcast %add3A_79 : i32 to vector<16xi32>
          %add3A_81 = arith.addi %broadcast_in_dim3A_1, %add3A_80 : vector<16xi32>
          %mul3A_82 = arith.mulf %exp3A, %gather3A_78 : vector<16xf32>
          tpu.vector_store_idx %arg12[%add3A_49, %add3A_81], %mul3A_82 : memref<80x16xf32, #tpu.memory_space<vmem>>[vector<16xi32>, vector<16xi32>], vector<16xf32>,
          %add3A_83 = arith.constant 2 : i32
          %add3A_84 = vector.broadcast %add3A_83 : i32 to vector<16xi32>
          %add3A_85 = arith.addi %broadcast_in_dim3A_1, %add3A_84 : vector<16xi32>
          %gather3A_86 = tpu.vector_load_idx %arg10[%add3A_49, %add3A_85] : memref<80x16xf32, #tpu.memory_space<vmem>>[vector<16xi32>, vector<16xi32>], vector<16xf32>,
          %add3A_87 = arith.constant 2 : i32
          %add3A_88 = vector.broadcast %add3A_87 : i32 to vector<16xi32>
          %add3A_89 = arith.addi %broadcast_in_dim3A_1, %add3A_88 : vector<16xi32>
          %mul3A_90 = arith.mulf %exp3A, %gather3A_86 : vector<16xf32>
          tpu.vector_store_idx %arg12[%add3A_49, %add3A_89], %mul3A_90 : memref<80x16xf32, #tpu.memory_space<vmem>>[vector<16xi32>, vector<16xi32>], vector<16xf32>,
          %add3A_91 = arith.constant 3 : i32
          %add3A_92 = vector.broadcast %add3A_91 : i32 to vector<16xi32>
          %add3A_93 = arith.addi %broadcast_in_dim3A_1, %add3A_92 : vector<16xi32>
          %gather3A_94 = tpu.vector_load_idx %arg10[%add3A_49, %add3A_93] : memref<80x16xf32, #tpu.memory_space<vmem>>[vector<16xi32>, vector<16xi32>], vector<16xf32>,
          %add3A_95 = arith.constant 3 : i32
          %add3A_96 = vector.broadcast %add3A_95 : i32 to vector<16xi32>
          %add3A_97 = arith.addi %broadcast_in_dim3A_1, %add3A_96 : vector<16xi32>
          %mul3A_98 = arith.mulf %exp3A, %gather3A_94 : vector<16xf32>
          tpu.vector_store_idx %arg12[%add3A_49, %add3A_97], %mul3A_98 : memref<80x16xf32, #tpu.memory_space<vmem>>[vector<16xi32>, vector<16xi32>], vector<16xf32>,
          %add3A_99 = arith.constant 4 : i32
          %add3A_100 = vector.broadcast %add3A_99 : i32 to vector<16xi32>
          %add3A_101 = arith.addi %broadcast_in_dim3A_1, %add3A_100 : vector<16xi32>
          %gather3A_102 = tpu.vector_load_idx %arg10[%add3A_49, %add3A_101] : memref<80x16xf32, #tpu.memory_space<vmem>>[vector<16xi32>, vector<16xi32>], vector<16xf32>,
          %add3A_103 = arith.constant 4 : i32
          %add3A_104 = vector.broadcast %add3A_103 : i32 to vector<16xi32>
          %add3A_105 = arith.addi %broadcast_in_dim3A_1, %add3A_104 : vector<16xi32>
          %mul3A_106 = arith.mulf %exp3A, %gather3A_102 : vector<16xf32>
          tpu.vector_store_idx %arg12[%add3A_49, %add3A_105], %mul3A_106 : memref<80x16xf32, #tpu.memory_space<vmem>>[vector<16xi32>, vector<16xi32>], vector<16xf32>,
          %add3A_107 = arith.constant 5 : i32
          %add3A_108 = vector.broadcast %add3A_107 : i32 to vector<16xi32>
          %add3A_109 = arith.addi %broadcast_in_dim3A_1, %add3A_108 : vector<16xi32>
          %gather3A_110 = tpu.vector_load_idx %arg10[%add3A_49, %add3A_109] : memref<80x16xf32, #tpu.memory_space<vmem>>[vector<16xi32>, vector<16xi32>], vector<16xf32>,
          %add3A_111 = arith.constant 5 : i32
          %add3A_112 = vector.broadcast %add3A_111 : i32 to vector<16xi32>
          %add3A_113 = arith.addi %broadcast_in_dim3A_1, %add3A_112 : vector<16xi32>
          %mul3A_114 = arith.mulf %exp3A, %gather3A_110 : vector<16xf32>
          tpu.vector_store_idx %arg12[%add3A_49, %add3A_113], %mul3A_114 : memref<80x16xf32, #tpu.memory_space<vmem>>[vector<16xi32>, vector<16xi32>], vector<16xf32>,
          %add3A_115 = arith.constant 6 : i32
          %add3A_116 = vector.broadcast %add3A_115 : i32 to vector<16xi32>
          %add3A_117 = arith.addi %broadcast_in_dim3A_1, %add3A_116 : vector<16xi32>
          %gather3A_118 = tpu.vector_load_idx %arg10[%add3A_49, %add3A_117] : memref<80x16xf32, #tpu.memory_space<vmem>>[vector<16xi32>, vector<16xi32>], vector<16xf32>,
          %add3A_119 = arith.constant 6 : i32
          %add3A_120 = vector.broadcast %add3A_119 : i32 to vector<16xi32>
          %add3A_121 = arith.addi %broadcast_in_dim3A_1, %add3A_120 : vector<16xi32>
          %mul3A_122 = arith.mulf %exp3A, %gather3A_118 : vector<16xf32>
          tpu.vector_store_idx %arg12[%add3A_49, %add3A_121], %mul3A_122 : memref<80x16xf32, #tpu.memory_space<vmem>>[vector<16xi32>, vector<16xi32>], vector<16xf32>,
          %add3A_123 = arith.constant 7 : i32
          %add3A_124 = vector.broadcast %add3A_123 : i32 to vector<16xi32>
          %add3A_125 = arith.addi %broadcast_in_dim3A_1, %add3A_124 : vector<16xi32>
          %gather3A_126 = tpu.vector_load_idx %arg10[%add3A_49, %add3A_125] : memref<80x16xf32, #tpu.memory_space<vmem>>[vector<16xi32>, vector<16xi32>], vector<16xf32>,
          %add3A_127 = arith.constant 7 : i32
          %add3A_128 = vector.broadcast %add3A_127 : i32 to vector<16xi32>
          %add3A_129 = arith.addi %broadcast_in_dim3A_1, %add3A_128 : vector<16xi32>
          %mul3A_130 = arith.mulf %exp3A, %gather3A_126 : vector<16xf32>
          tpu.vector_store_idx %arg12[%add3A_49, %add3A_129], %mul3A_130 : memref<80x16xf32, #tpu.memory_space<vmem>>[vector<16xi32>, vector<16xi32>], vector<16xf32>,
        }
        %scan3A_45 = arith.constant 5 : i32
        "tpu.region"() ({
          %run_scoped3A = tpu.sem_alloc : memref<!tpu.dma_semaphore, #tpu.memory_space<semaphore_mem>>
          %dma_start3A_46 = arith.constant 0 : i32
          %dma_start3A_47 = tpu.memref_slice %arg9[%scan3A_17, %dma_start3A_46] : memref<25x80xi32, #tpu.memory_space<vmem>> -> memref<1x80xi32, #tpu.memory_space<vmem>>
          %dma_start3A_48 = tpu.memref_squeeze %dma_start3A_47 : memref<1x80xi32, #tpu.memory_space<vmem>> -> memref<80xi32, #tpu.memory_space<vmem>>
          %dma_start3A_49 = arith.constant 0 : i32
          %dma_start3A_50 = arith.constant 0 : i32
          %dma_start3A_51 = tpu.memref_slice %arg13[%dma_start3A_49, %dma_start3A_50] : memref<50048x16xf32, #tpu.memory_space<vmem_shared>> -> memref<50048x16xf32, #tpu.memory_space<vmem_shared>>
          tpu.enqueue_indirect_dma source(%arg12 : memref<80x16xf32, #tpu.memory_space<vmem>>) target(%dma_start3A_51 : memref<50048x16xf32, #tpu.memory_space<vmem_shared>>) offsets(%dma_start3A_48 : memref<80xi32, #tpu.memory_space<vmem>>) semaphore(%run_scoped3A : memref<!tpu.dma_semaphore, #tpu.memory_space<semaphore_mem>>) {add = true}
          %dma_wait3A_52 = arith.constant 0 : i32
          %dma_wait3A_53 = tpu.memref_slice %arg9[%scan3A_17, %dma_wait3A_52] : memref<25x80xi32, #tpu.memory_space<vmem>> -> memref<1x80xi32, #tpu.memory_space<vmem>>
          %dma_wait3A_54 = tpu.memref_squeeze %dma_wait3A_53 : memref<1x80xi32, #tpu.memory_space<vmem>> -> memref<80xi32, #tpu.memory_space<vmem>>
          %dma_wait3A_55 = arith.constant 0 : i32
          %dma_wait3A_56 = arith.constant 0 : i32
          %dma_wait3A_57 = tpu.memref_slice %arg13[%dma_wait3A_55, %dma_wait3A_56] : memref<50048x16xf32, #tpu.memory_space<vmem_shared>> -> memref<50048x16xf32, #tpu.memory_space<vmem_shared>>
          tpu.wait_indirect_dma semaphore(%run_scoped3A : memref<!tpu.dma_semaphore, #tpu.memory_space<semaphore_mem>>) src(%arg12 : memref<80x16xf32, #tpu.memory_space<vmem>>) dst(%dma_wait3A_57 : memref<50048x16xf32, #tpu.memory_space<vmem_shared>>)
          tpu.yield
        }) : () -> ()
      }
      %scan3A_16 = arith.constant 25 : i32
    }
    %scan3A_6 = arith.constant 25 : i32
    %barrier3A_7 = arith.constant 0 : index
    tpu.barrier barrier_id(%barrier3A_7)
    %mul3A_8 = arith.constant 3128 : i32
    %mul3A_9 = arith.muli %arg1, %mul3A_8 : i32
    "tpu.region"() ({
      %run_scoped3A = tpu.sem_alloc : memref<!tpu.dma_semaphore, #tpu.memory_space<semaphore_mem>>
      %dma_start3A = arith.constant 0 : i32
      %dma_start3A_10 = arith.constant 0 : i32
      %dma_start3A_11 = tpu.memref_slice %arg7[%arg0, %arg1, %dma_start3A, %dma_start3A_10] : memref<2x16x3128x16xf32, #tpu.memory_space<hbm>> -> memref<1x1x3128x16xf32, #tpu.memory_space<hbm>>
      %dma_start3A_12 = tpu.memref_squeeze %dma_start3A_11 : memref<1x1x3128x16xf32, #tpu.memory_space<hbm>> -> memref<3128x16xf32, #tpu.memory_space<hbm>>
      %dma_start3A_13 = arith.constant 0 : i32
      %dma_start3A_14 = tpu.memref_slice %arg13[%mul3A_9, %dma_start3A_13] : memref<50048x16xf32, #tpu.memory_space<vmem_shared>> -> memref<3128x16xf32, #tpu.memory_space<vmem_shared>>
      tpu.enqueue_dma source(%dma_start3A_14 : memref<3128x16xf32, #tpu.memory_space<vmem_shared>>) target(%dma_start3A_12 : memref<3128x16xf32, #tpu.memory_space<hbm>>) target_semaphore(%run_scoped3A : memref<!tpu.dma_semaphore, #tpu.memory_space<semaphore_mem>>)
      %dma_wait3A = arith.constant 0 : i32
      %dma_wait3A_15 = arith.constant 0 : i32
      %dma_wait3A_16 = tpu.memref_slice %arg7[%arg0, %arg1, %dma_wait3A, %dma_wait3A_15] : memref<2x16x3128x16xf32, #tpu.memory_space<hbm>> -> memref<1x1x3128x16xf32, #tpu.memory_space<hbm>>
      %dma_wait3A_17 = tpu.memref_squeeze %dma_wait3A_16 : memref<1x1x3128x16xf32, #tpu.memory_space<hbm>> -> memref<3128x16xf32, #tpu.memory_space<hbm>>
      %dma_wait3A_18 = arith.constant 0 : i32
      %dma_wait3A_19 = tpu.memref_slice %arg13[%mul3A_9, %dma_wait3A_18] : memref<50048x16xf32, #tpu.memory_space<vmem_shared>> -> memref<3128x16xf32, #tpu.memory_space<vmem_shared>>
      tpu.wait_dma2 semaphore(%run_scoped3A : memref<!tpu.dma_semaphore, #tpu.memory_space<semaphore_mem>>) src(%dma_wait3A_19 : memref<3128x16xf32, #tpu.memory_space<vmem_shared>>) dst(%dma_wait3A_17 : memref<3128x16xf32, #tpu.memory_space<hbm>>)
      tpu.yield
    }) : () -> ()
    return
  }
}

#map = affine_map<(d0, d1) -> (0, 0, 0, 0, 0)>
#map1 = affine_map<(d0, d1) -> (0, 0, 0, 0)>
#map2 = affine_map<(d0, d1) -> (0, 0)>
module attributes {stable_mosaic.version = 14 : i64} {
  func.func @_sc_body(%arg0: i32, %arg1: i32, %arg2: memref<2x16x25x25x80xi32, #tpu.memory_space<hbm>>, %arg3: memref<16x25x25x80xi32, #tpu.memory_space<hbm>>, %arg4: memref<400000x16xf32, #tpu.memory_space<hbm>>, %arg5: memref<50000x16xf32, #tpu.memory_space<hbm>>, %arg6: memref<3128x16xf32, #tpu.memory_space<hbm>>, %arg7: memref<2x16x3128x16xf32, #tpu.memory_space<hbm>>, %arg8: memref<25x80xi32, #tpu.memory_space<vmem>>, %arg9: memref<25x80xi32, #tpu.memory_space<vmem>>, %arg10: memref<80x16xf32, #tpu.memory_space<vmem>>, %arg11: memref<80x16xf32, #tpu.memory_space<vmem>>, %arg12: memref<80x16xf32, #tpu.memory_space<vmem>>, %arg13: memref<50048x16xf32, #tpu.memory_space<vmem_shared>>, %arg14: memref<!tpu.dma_semaphore, #tpu.memory_space<semaphore_mem>>, %arg15: memref<!tpu.dma_semaphore, #tpu.memory_space<semaphore_mem>>) attributes {dimension_semantics = [#tpu.dimension_semantics<core_parallel>, #tpu.dimension_semantics<subcore_parallel>], iteration_bounds = array<i64: 2, 16>, scalar_prefetch = 0 : i64, scratch_operands = 8 : i64, tpu.core_type = #tpu.core_type<sc_vector_subcore>, window_params = [{transform_indices = #map}, {transform_indices = #map1}, {transform_indices = #map2}, {transform_indices = #map2}, {transform_indices = #map2}, {transform_indices = #map1}]} {
    %mul3A = arith.constant 3128 : i32
    %mul3A_0 = arith.muli %arg1, %mul3A : i32
    "tpu.region"() ({
      %run_scoped3A = tpu.sem_alloc : memref<!tpu.dma_semaphore, #tpu.memory_space<semaphore_mem>>
      %dma_start3A = arith.constant 0 : i32
      %dma_start3A_10 = tpu.memref_slice %arg13[%mul3A_0, %dma_start3A] : memref<50048x16xf32, #tpu.memory_space<vmem_shared>> -> memref<3128x16xf32, #tpu.memory_space<vmem_shared>>
      tpu.enqueue_dma source(%arg6 : memref<3128x16xf32, #tpu.memory_space<hbm>>) target(%dma_start3A_10 : memref<3128x16xf32, #tpu.memory_space<vmem_shared>>) target_semaphore(%run_scoped3A : memref<!tpu.dma_semaphore, #tpu.memory_space<semaphore_mem>>)
      %dma_wait3A = arith.constant 0 : i32
      %dma_wait3A_11 = tpu.memref_slice %arg13[%mul3A_0, %dma_wait3A] : memref<50048x16xf32, #tpu.memory_space<vmem_shared>> -> memref<3128x16xf32, #tpu.memory_space<vmem_shared>>
      tpu.wait_dma2 semaphore(%run_scoped3A : memref<!tpu.dma_semaphore, #tpu.memory_space<semaphore_mem>>) src(%arg6 : memref<3128x16xf32, #tpu.memory_space<hbm>>) dst(%dma_wait3A_11 : memref<3128x16xf32, #tpu.memory_space<vmem_shared>>)
      tpu.yield
    }) : () -> ()
    %barrier3A = arith.constant 0 : index
    tpu.barrier barrier_id(%barrier3A)
    %iota3A = tpu.iota {dimensions = array<i32: 0>} : vector<16xi32>
    %broadcast_in_dim3A = arith.constant 0 : i32
    %broadcast_in_dim3A_1 = vector.broadcast %broadcast_in_dim3A : i32 to vector<16xi32>
    %scan3A = arith.constant 0 : i32
    %scan3A_2 = arith.constant 0 : i32
    %scan3A_3 = arith.constant 25 : i32
    %scan3A_4 = arith.addi %scan3A_2, %scan3A_3 : i32
    %scan3A_5 = arith.constant 1 : i32
    scf.for %scan3A_10 = %scan3A_2 to %scan3A_4 step %scan3A_5  : i32 {
      "tpu.region"() ({
        %run_scoped3A = tpu.sem_alloc : memref<!tpu.dma_semaphore, #tpu.memory_space<semaphore_mem>>
        %dma_start3A = arith.constant 0 : i32
        %dma_start3A_17 = arith.constant 0 : i32
        %dma_start3A_18 = tpu.memref_slice %arg2[%arg0, %arg1, %scan3A_10, %dma_start3A, %dma_start3A_17] : memref<2x16x25x25x80xi32, #tpu.memory_space<hbm>> -> memref<1x1x1x25x80xi32, #tpu.memory_space<hbm>>
        %dma_start3A_19 = tpu.memref_squeeze %dma_start3A_18 : memref<1x1x1x25x80xi32, #tpu.memory_space<hbm>> -> memref<25x80xi32, #tpu.memory_space<hbm>>
        %dma_start3A_20 = arith.constant 0 : i32
        %dma_start3A_21 = arith.constant 0 : i32
        %dma_start3A_22 = tpu.memref_slice %arg2[%arg0, %arg1, %scan3A_10, %dma_start3A_20, %dma_start3A_21] : memref<2x16x25x25x80xi32, #tpu.memory_space<hbm>> -> memref<1x1x1x25x80xi32, #tpu.memory_space<hbm>>
        %dma_start3A_23 = tpu.memref_squeeze %dma_start3A_22 : memref<1x1x1x25x80xi32, #tpu.memory_space<hbm>> -> memref<25x80xi32, #tpu.memory_space<hbm>>
        tpu.enqueue_dma source(%dma_start3A_23 : memref<25x80xi32, #tpu.memory_space<hbm>>) target(%arg8 : memref<25x80xi32, #tpu.memory_space<vmem>>) target_semaphore(%run_scoped3A : memref<!tpu.dma_semaphore, #tpu.memory_space<semaphore_mem>>)
        %dma_wait3A = arith.constant 0 : i32
        %dma_wait3A_24 = arith.constant 0 : i32
        %dma_wait3A_25 = tpu.memref_slice %arg2[%arg0, %arg1, %scan3A_10, %dma_wait3A, %dma_wait3A_24] : memref<2x16x25x25x80xi32, #tpu.memory_space<hbm>> -> memref<1x1x1x25x80xi32, #tpu.memory_space<hbm>>
        %dma_wait3A_26 = tpu.memref_squeeze %dma_wait3A_25 : memref<1x1x1x25x80xi32, #tpu.memory_space<hbm>> -> memref<25x80xi32, #tpu.memory_space<hbm>>
        %dma_wait3A_27 = arith.constant 0 : i32
        %dma_wait3A_28 = arith.constant 0 : i32
        %dma_wait3A_29 = tpu.memref_slice %arg2[%arg0, %arg1, %scan3A_10, %dma_wait3A_27, %dma_wait3A_28] : memref<2x16x25x25x80xi32, #tpu.memory_space<hbm>> -> memref<1x1x1x25x80xi32, #tpu.memory_space<hbm>>
        %dma_wait3A_30 = tpu.memref_squeeze %dma_wait3A_29 : memref<1x1x1x25x80xi32, #tpu.memory_space<hbm>> -> memref<25x80xi32, #tpu.memory_space<hbm>>
        tpu.wait_dma2 semaphore(%run_scoped3A : memref<!tpu.dma_semaphore, #tpu.memory_space<semaphore_mem>>) src(%dma_wait3A_30 : memref<25x80xi32, #tpu.memory_space<hbm>>) dst(%arg8 : memref<25x80xi32, #tpu.memory_space<vmem>>)
        tpu.yield
      }) : () -> ()
      "tpu.region"() ({
        %run_scoped3A = tpu.sem_alloc : memref<!tpu.dma_semaphore, #tpu.memory_space<semaphore_mem>>
        %dma_start3A = arith.constant 0 : i32
        %dma_start3A_17 = arith.constant 0 : i32
        %dma_start3A_18 = tpu.memref_slice %arg3[%arg1, %scan3A_10, %dma_start3A, %dma_start3A_17] : memref<16x25x25x80xi32, #tpu.memory_space<hbm>> -> memref<1x1x25x80xi32, #tpu.memory_space<hbm>>
        %dma_start3A_19 = tpu.memref_squeeze %dma_start3A_18 : memref<1x1x25x80xi32, #tpu.memory_space<hbm>> -> memref<25x80xi32, #tpu.memory_space<hbm>>
        %dma_start3A_20 = arith.constant 0 : i32
        %dma_start3A_21 = arith.constant 0 : i32
        %dma_start3A_22 = tpu.memref_slice %arg3[%arg1, %scan3A_10, %dma_start3A_20, %dma_start3A_21] : memref<16x25x25x80xi32, #tpu.memory_space<hbm>> -> memref<1x1x25x80xi32, #tpu.memory_space<hbm>>
        %dma_start3A_23 = tpu.memref_squeeze %dma_start3A_22 : memref<1x1x25x80xi32, #tpu.memory_space<hbm>> -> memref<25x80xi32, #tpu.memory_space<hbm>>
        tpu.enqueue_dma source(%dma_start3A_23 : memref<25x80xi32, #tpu.memory_space<hbm>>) target(%arg9 : memref<25x80xi32, #tpu.memory_space<vmem>>) target_semaphore(%run_scoped3A : memref<!tpu.dma_semaphore, #tpu.memory_space<semaphore_mem>>)
        %dma_wait3A = arith.constant 0 : i32
        %dma_wait3A_24 = arith.constant 0 : i32
        %dma_wait3A_25 = tpu.memref_slice %arg3[%arg1, %scan3A_10, %dma_wait3A, %dma_wait3A_24] : memref<16x25x25x80xi32, #tpu.memory_space<hbm>> -> memref<1x1x25x80xi32, #tpu.memory_space<hbm>>
        %dma_wait3A_26 = tpu.memref_squeeze %dma_wait3A_25 : memref<1x1x25x80xi32, #tpu.memory_space<hbm>> -> memref<25x80xi32, #tpu.memory_space<hbm>>
        %dma_wait3A_27 = arith.constant 0 : i32
        %dma_wait3A_28 = arith.constant 0 : i32
        %dma_wait3A_29 = tpu.memref_slice %arg3[%arg1, %scan3A_10, %dma_wait3A_27, %dma_wait3A_28] : memref<16x25x25x80xi32, #tpu.memory_space<hbm>> -> memref<1x1x25x80xi32, #tpu.memory_space<hbm>>
        %dma_wait3A_30 = tpu.memref_squeeze %dma_wait3A_29 : memref<1x1x25x80xi32, #tpu.memory_space<hbm>> -> memref<25x80xi32, #tpu.memory_space<hbm>>
        tpu.wait_dma2 semaphore(%run_scoped3A : memref<!tpu.dma_semaphore, #tpu.memory_space<semaphore_mem>>) src(%dma_wait3A_30 : memref<25x80xi32, #tpu.memory_space<hbm>>) dst(%arg9 : memref<25x80xi32, #tpu.memory_space<vmem>>)
        tpu.yield
      }) : () -> ()
      %scan3A_11 = arith.constant 0 : i32
      %scan3A_12 = arith.constant 0 : i32
      %scan3A_13 = arith.constant 25 : i32
      %scan3A_14 = arith.addi %scan3A_12, %scan3A_13 : i32
      %scan3A_15 = arith.constant 1 : i32
      scf.for %scan3A_17 = %scan3A_12 to %scan3A_14 step %scan3A_15  : i32 {
        %dma_start3A = arith.constant 0 : i32
        %dma_start3A_18 = tpu.memref_slice %arg8[%scan3A_17, %dma_start3A] : memref<25x80xi32, #tpu.memory_space<vmem>> -> memref<1x80xi32, #tpu.memory_space<vmem>>
        %dma_start3A_19 = tpu.memref_squeeze %dma_start3A_18 : memref<1x80xi32, #tpu.memory_space<vmem>> -> memref<80xi32, #tpu.memory_space<vmem>>
        %dma_start3A_20 = arith.constant 0 : i32
        %dma_start3A_21 = arith.constant 0 : i32
        %dma_start3A_22 = tpu.memref_slice %arg4[%dma_start3A_20, %dma_start3A_21] : memref<400000x16xf32, #tpu.memory_space<hbm>> -> memref<400000x16xf32, #tpu.memory_space<hbm>>
        tpu.enqueue_indirect_dma source(%dma_start3A_22 : memref<400000x16xf32, #tpu.memory_space<hbm>>) target(%arg10 : memref<80x16xf32, #tpu.memory_space<vmem>>) offsets(%dma_start3A_19 : memref<80xi32, #tpu.memory_space<vmem>>) semaphore(%arg14 : memref<!tpu.dma_semaphore, #tpu.memory_space<semaphore_mem>>)
        %dma_start3A_23 = arith.constant 0 : i32
        %dma_start3A_24 = tpu.memref_slice %arg9[%scan3A_17, %dma_start3A_23] : memref<25x80xi32, #tpu.memory_space<vmem>> -> memref<1x80xi32, #tpu.memory_space<vmem>>
        %dma_start3A_25 = tpu.memref_squeeze %dma_start3A_24 : memref<1x80xi32, #tpu.memory_space<vmem>> -> memref<80xi32, #tpu.memory_space<vmem>>
        %dma_start3A_26 = arith.constant 0 : i32
        %dma_start3A_27 = arith.constant 0 : i32
        %dma_start3A_28 = tpu.memref_slice %arg5[%dma_start3A_26, %dma_start3A_27] : memref<50000x16xf32, #tpu.memory_space<hbm>> -> memref<50000x16xf32, #tpu.memory_space<hbm>>
        tpu.enqueue_indirect_dma source(%dma_start3A_28 : memref<50000x16xf32, #tpu.memory_space<hbm>>) target(%arg11 : memref<80x16xf32, #tpu.memory_space<vmem>>) offsets(%dma_start3A_25 : memref<80xi32, #tpu.memory_space<vmem>>) semaphore(%arg15 : memref<!tpu.dma_semaphore, #tpu.memory_space<semaphore_mem>>)
        %dma_wait3A = arith.constant 0 : i32
        %dma_wait3A_29 = tpu.memref_slice %arg8[%scan3A_17, %dma_wait3A] : memref<25x80xi32, #tpu.memory_space<vmem>> -> memref<1x80xi32, #tpu.memory_space<vmem>>
        %dma_wait3A_30 = tpu.memref_squeeze %dma_wait3A_29 : memref<1x80xi32, #tpu.memory_space<vmem>> -> memref<80xi32, #tpu.memory_space<vmem>>
        %dma_wait3A_31 = arith.constant 0 : i32
        %dma_wait3A_32 = arith.constant 0 : i32
        %dma_wait3A_33 = tpu.memref_slice %arg4[%dma_wait3A_31, %dma_wait3A_32] : memref<400000x16xf32, #tpu.memory_space<hbm>> -> memref<400000x16xf32, #tpu.memory_space<hbm>>
        tpu.wait_indirect_dma semaphore(%arg14 : memref<!tpu.dma_semaphore, #tpu.memory_space<semaphore_mem>>) src(%dma_wait3A_33 : memref<400000x16xf32, #tpu.memory_space<hbm>>) dst(%arg10 : memref<80x16xf32, #tpu.memory_space<vmem>>)
        %dma_wait3A_34 = arith.constant 0 : i32
        %dma_wait3A_35 = tpu.memref_slice %arg9[%scan3A_17, %dma_wait3A_34] : memref<25x80xi32, #tpu.memory_space<vmem>> -> memref<1x80xi32, #tpu.memory_space<vmem>>
        %dma_wait3A_36 = tpu.memref_squeeze %dma_wait3A_35 : memref<1x80xi32, #tpu.memory_space<vmem>> -> memref<80xi32, #tpu.memory_space<vmem>>
        %dma_wait3A_37 = arith.constant 0 : i32
        %dma_wait3A_38 = arith.constant 0 : i32
        %dma_wait3A_39 = tpu.memref_slice %arg5[%dma_wait3A_37, %dma_wait3A_38] : memref<50000x16xf32, #tpu.memory_space<hbm>> -> memref<50000x16xf32, #tpu.memory_space<hbm>>
        tpu.wait_indirect_dma semaphore(%arg15 : memref<!tpu.dma_semaphore, #tpu.memory_space<semaphore_mem>>) src(%dma_wait3A_39 : memref<50000x16xf32, #tpu.memory_space<hbm>>) dst(%arg11 : memref<80x16xf32, #tpu.memory_space<vmem>>)
        %scan3A_40 = arith.constant 0 : i32
        %scan3A_41 = arith.constant 0 : i32
        %scan3A_42 = arith.constant 5 : i32
        %scan3A_43 = arith.addi %scan3A_41, %scan3A_42 : i32
        %scan3A_44 = arith.constant 1 : i32
        scf.for %scan3A_46 = %scan3A_41 to %scan3A_43 step %scan3A_44  : i32 {
          %mul3A_47 = arith.constant 16 : i32
          %mul3A_48 = arith.muli %scan3A_46, %mul3A_47 : i32
          %add3A = vector.broadcast %mul3A_48 : i32 to vector<16xi32>
          %add3A_49 = arith.addi %add3A, %iota3A : vector<16xi32>
          %add3A_50 = arith.constant 8 : i32
          %add3A_51 = vector.broadcast %add3A_50 : i32 to vector<16xi32>
          %add3A_52 = arith.addi %broadcast_in_dim3A_1, %add3A_51 : vector<16xi32>
          %gather3A = tpu.vector_load_idx %arg10[%add3A_49, %add3A_52] : memref<80x16xf32, #tpu.memory_space<vmem>>[vector<16xi32>, vector<16xi32>], vector<16xf32>,
          %mul3A_53 = arith.constant 4 : i32
          %mul3A_54 = arith.muli %mul3A_53, %arg0 : i32
          %add3A_55 = arith.constant 2 : i32
          %add3A_56 = arith.addi %mul3A_54, %add3A_55 : i32
          %add3A_57 = vector.broadcast %add3A_56 : i32 to vector<16xi32>
          %add3A_58 = arith.addi %broadcast_in_dim3A_1, %add3A_57 : vector<16xi32>
          %gather3A_59 = tpu.vector_load_idx %arg11[%add3A_49, %add3A_58] : memref<80x16xf32, #tpu.memory_space<vmem>>[vector<16xi32>, vector<16xi32>], vector<16xf32>,
          %add3A_60 = arith.addf %gather3A, %gather3A_59 : vector<16xf32>
          %mul3A_61 = arith.constant 2.000000e-01 : f32
          %mul3A_62 = vector.broadcast %mul3A_61 : f32 to vector<16xf32>
          %mul3A_63 = arith.mulf %mul3A_62, %add3A_60 : vector<16xf32>
          %max3A = arith.maximumf %add3A_60, %mul3A_63 : vector<16xf32>
          %exp3A = math.exp %max3A : vector<16xf32>
          %add3A_64 = arith.constant 8 : i32
          %add3A_65 = vector.broadcast %add3A_64 : i32 to vector<16xi32>
          %add3A_66 = arith.addi %broadcast_in_dim3A_1, %add3A_65 : vector<16xi32>
          tpu.vector_store_idx %arg12[%add3A_49, %add3A_66], %exp3A : memref<80x16xf32, #tpu.memory_space<vmem>>[vector<16xi32>, vector<16xi32>], vector<16xf32>,
          %add3A_67 = arith.constant 0 : i32
          %add3A_68 = vector.broadcast %add3A_67 : i32 to vector<16xi32>
          %add3A_69 = arith.addi %broadcast_in_dim3A_1, %add3A_68 : vector<16xi32>
          %gather3A_70 = tpu.vector_load_idx %arg10[%add3A_49, %add3A_69] : memref<80x16xf32, #tpu.memory_space<vmem>>[vector<16xi32>, vector<16xi32>], vector<16xf32>,
          %add3A_71 = arith.constant 0 : i32
          %add3A_72 = vector.broadcast %add3A_71 : i32 to vector<16xi32>
          %add3A_73 = arith.addi %broadcast_in_dim3A_1, %add3A_72 : vector<16xi32>
          %mul3A_74 = arith.mulf %exp3A, %gather3A_70 : vector<16xf32>
          tpu.vector_store_idx %arg12[%add3A_49, %add3A_73], %mul3A_74 : memref<80x16xf32, #tpu.memory_space<vmem>>[vector<16xi32>, vector<16xi32>], vector<16xf32>,
          %add3A_75 = arith.constant 1 : i32
          %add3A_76 = vector.broadcast %add3A_75 : i32 to vector<16xi32>
          %add3A_77 = arith.addi %broadcast_in_dim3A_1, %add3A_76 : vector<16xi32>
          %gather3A_78 = tpu.vector_load_idx %arg10[%add3A_49, %add3A_77] : memref<80x16xf32, #tpu.memory_space<vmem>>[vector<16xi32>, vector<16xi32>], vector<16xf32>,
          %add3A_79 = arith.constant 1 : i32
          %add3A_80 = vector.broadcast %add3A_79 : i32 to vector<16xi32>
          %add3A_81 = arith.addi %broadcast_in_dim3A_1, %add3A_80 : vector<16xi32>
          %mul3A_82 = arith.mulf %exp3A, %gather3A_78 : vector<16xf32>
          tpu.vector_store_idx %arg12[%add3A_49, %add3A_81], %mul3A_82 : memref<80x16xf32, #tpu.memory_space<vmem>>[vector<16xi32>, vector<16xi32>], vector<16xf32>,
          %add3A_83 = arith.constant 2 : i32
          %add3A_84 = vector.broadcast %add3A_83 : i32 to vector<16xi32>
          %add3A_85 = arith.addi %broadcast_in_dim3A_1, %add3A_84 : vector<16xi32>
          %gather3A_86 = tpu.vector_load_idx %arg10[%add3A_49, %add3A_85] : memref<80x16xf32, #tpu.memory_space<vmem>>[vector<16xi32>, vector<16xi32>], vector<16xf32>,
          %add3A_87 = arith.constant 2 : i32
          %add3A_88 = vector.broadcast %add3A_87 : i32 to vector<16xi32>
          %add3A_89 = arith.addi %broadcast_in_dim3A_1, %add3A_88 : vector<16xi32>
          %mul3A_90 = arith.mulf %exp3A, %gather3A_86 : vector<16xf32>
          tpu.vector_store_idx %arg12[%add3A_49, %add3A_89], %mul3A_90 : memref<80x16xf32, #tpu.memory_space<vmem>>[vector<16xi32>, vector<16xi32>], vector<16xf32>,
          %add3A_91 = arith.constant 3 : i32
          %add3A_92 = vector.broadcast %add3A_91 : i32 to vector<16xi32>
          %add3A_93 = arith.addi %broadcast_in_dim3A_1, %add3A_92 : vector<16xi32>
          %gather3A_94 = tpu.vector_load_idx %arg10[%add3A_49, %add3A_93] : memref<80x16xf32, #tpu.memory_space<vmem>>[vector<16xi32>, vector<16xi32>], vector<16xf32>,
          %add3A_95 = arith.constant 3 : i32
          %add3A_96 = vector.broadcast %add3A_95 : i32 to vector<16xi32>
          %add3A_97 = arith.addi %broadcast_in_dim3A_1, %add3A_96 : vector<16xi32>
          %mul3A_98 = arith.mulf %exp3A, %gather3A_94 : vector<16xf32>
          tpu.vector_store_idx %arg12[%add3A_49, %add3A_97], %mul3A_98 : memref<80x16xf32, #tpu.memory_space<vmem>>[vector<16xi32>, vector<16xi32>], vector<16xf32>,
          %add3A_99 = arith.constant 4 : i32
          %add3A_100 = vector.broadcast %add3A_99 : i32 to vector<16xi32>
          %add3A_101 = arith.addi %broadcast_in_dim3A_1, %add3A_100 : vector<16xi32>
          %gather3A_102 = tpu.vector_load_idx %arg10[%add3A_49, %add3A_101] : memref<80x16xf32, #tpu.memory_space<vmem>>[vector<16xi32>, vector<16xi32>], vector<16xf32>,
          %add3A_103 = arith.constant 4 : i32
          %add3A_104 = vector.broadcast %add3A_103 : i32 to vector<16xi32>
          %add3A_105 = arith.addi %broadcast_in_dim3A_1, %add3A_104 : vector<16xi32>
          %mul3A_106 = arith.mulf %exp3A, %gather3A_102 : vector<16xf32>
          tpu.vector_store_idx %arg12[%add3A_49, %add3A_105], %mul3A_106 : memref<80x16xf32, #tpu.memory_space<vmem>>[vector<16xi32>, vector<16xi32>], vector<16xf32>,
          %add3A_107 = arith.constant 5 : i32
          %add3A_108 = vector.broadcast %add3A_107 : i32 to vector<16xi32>
          %add3A_109 = arith.addi %broadcast_in_dim3A_1, %add3A_108 : vector<16xi32>
          %gather3A_110 = tpu.vector_load_idx %arg10[%add3A_49, %add3A_109] : memref<80x16xf32, #tpu.memory_space<vmem>>[vector<16xi32>, vector<16xi32>], vector<16xf32>,
          %add3A_111 = arith.constant 5 : i32
          %add3A_112 = vector.broadcast %add3A_111 : i32 to vector<16xi32>
          %add3A_113 = arith.addi %broadcast_in_dim3A_1, %add3A_112 : vector<16xi32>
          %mul3A_114 = arith.mulf %exp3A, %gather3A_110 : vector<16xf32>
          tpu.vector_store_idx %arg12[%add3A_49, %add3A_113], %mul3A_114 : memref<80x16xf32, #tpu.memory_space<vmem>>[vector<16xi32>, vector<16xi32>], vector<16xf32>,
          %add3A_115 = arith.constant 6 : i32
          %add3A_116 = vector.broadcast %add3A_115 : i32 to vector<16xi32>
          %add3A_117 = arith.addi %broadcast_in_dim3A_1, %add3A_116 : vector<16xi32>
          %gather3A_118 = tpu.vector_load_idx %arg10[%add3A_49, %add3A_117] : memref<80x16xf32, #tpu.memory_space<vmem>>[vector<16xi32>, vector<16xi32>], vector<16xf32>,
          %add3A_119 = arith.constant 6 : i32
          %add3A_120 = vector.broadcast %add3A_119 : i32 to vector<16xi32>
          %add3A_121 = arith.addi %broadcast_in_dim3A_1, %add3A_120 : vector<16xi32>
          %mul3A_122 = arith.mulf %exp3A, %gather3A_118 : vector<16xf32>
          tpu.vector_store_idx %arg12[%add3A_49, %add3A_121], %mul3A_122 : memref<80x16xf32, #tpu.memory_space<vmem>>[vector<16xi32>, vector<16xi32>], vector<16xf32>,
          %add3A_123 = arith.constant 7 : i32
          %add3A_124 = vector.broadcast %add3A_123 : i32 to vector<16xi32>
          %add3A_125 = arith.addi %broadcast_in_dim3A_1, %add3A_124 : vector<16xi32>
          %gather3A_126 = tpu.vector_load_idx %arg10[%add3A_49, %add3A_125] : memref<80x16xf32, #tpu.memory_space<vmem>>[vector<16xi32>, vector<16xi32>], vector<16xf32>,
          %add3A_127 = arith.constant 7 : i32
          %add3A_128 = vector.broadcast %add3A_127 : i32 to vector<16xi32>
          %add3A_129 = arith.addi %broadcast_in_dim3A_1, %add3A_128 : vector<16xi32>
          %mul3A_130 = arith.mulf %exp3A, %gather3A_126 : vector<16xf32>
          tpu.vector_store_idx %arg12[%add3A_49, %add3A_129], %mul3A_130 : memref<80x16xf32, #tpu.memory_space<vmem>>[vector<16xi32>, vector<16xi32>], vector<16xf32>,
        }
        %scan3A_45 = arith.constant 5 : i32
        "tpu.region"() ({
          %run_scoped3A = tpu.sem_alloc : memref<!tpu.dma_semaphore, #tpu.memory_space<semaphore_mem>>
          %dma_start3A_46 = arith.constant 0 : i32
          %dma_start3A_47 = tpu.memref_slice %arg9[%scan3A_17, %dma_start3A_46] : memref<25x80xi32, #tpu.memory_space<vmem>> -> memref<1x80xi32, #tpu.memory_space<vmem>>
          %dma_start3A_48 = tpu.memref_squeeze %dma_start3A_47 : memref<1x80xi32, #tpu.memory_space<vmem>> -> memref<80xi32, #tpu.memory_space<vmem>>
          %dma_start3A_49 = arith.constant 0 : i32
          %dma_start3A_50 = arith.constant 0 : i32
          %dma_start3A_51 = tpu.memref_slice %arg13[%dma_start3A_49, %dma_start3A_50] : memref<50048x16xf32, #tpu.memory_space<vmem_shared>> -> memref<50048x16xf32, #tpu.memory_space<vmem_shared>>
          tpu.enqueue_indirect_dma source(%arg12 : memref<80x16xf32, #tpu.memory_space<vmem>>) target(%dma_start3A_51 : memref<50048x16xf32, #tpu.memory_space<vmem_shared>>) offsets(%dma_start3A_48 : memref<80xi32, #tpu.memory_space<vmem>>) semaphore(%run_scoped3A : memref<!tpu.dma_semaphore, #tpu.memory_space<semaphore_mem>>) {add = true}
          %dma_wait3A_52 = arith.constant 0 : i32
          %dma_wait3A_53 = tpu.memref_slice %arg9[%scan3A_17, %dma_wait3A_52] : memref<25x80xi32, #tpu.memory_space<vmem>> -> memref<1x80xi32, #tpu.memory_space<vmem>>
          %dma_wait3A_54 = tpu.memref_squeeze %dma_wait3A_53 : memref<1x80xi32, #tpu.memory_space<vmem>> -> memref<80xi32, #tpu.memory_space<vmem>>
          %dma_wait3A_55 = arith.constant 0 : i32
          %dma_wait3A_56 = arith.constant 0 : i32
          %dma_wait3A_57 = tpu.memref_slice %arg13[%dma_wait3A_55, %dma_wait3A_56] : memref<50048x16xf32, #tpu.memory_space<vmem_shared>> -> memref<50048x16xf32, #tpu.memory_space<vmem_shared>>
          tpu.wait_indirect_dma semaphore(%run_scoped3A : memref<!tpu.dma_semaphore, #tpu.memory_space<semaphore_mem>>) src(%arg12 : memref<80x16xf32, #tpu.memory_space<vmem>>) dst(%dma_wait3A_57 : memref<50048x16xf32, #tpu.memory_space<vmem_shared>>)
          tpu.yield
        }) : () -> ()
      }
      %scan3A_16 = arith.constant 25 : i32
    }
    %scan3A_6 = arith.constant 25 : i32
    %barrier3A_7 = arith.constant 0 : index
    tpu.barrier barrier_id(%barrier3A_7)
    %mul3A_8 = arith.constant 3128 : i32
    %mul3A_9 = arith.muli %arg1, %mul3A_8 : i32
    "tpu.region"() ({
      %run_scoped3A = tpu.sem_alloc : memref<!tpu.dma_semaphore, #tpu.memory_space<semaphore_mem>>
      %dma_start3A = arith.constant 0 : i32
      %dma_start3A_10 = arith.constant 0 : i32
      %dma_start3A_11 = tpu.memref_slice %arg7[%arg0, %arg1, %dma_start3A, %dma_start3A_10] : memref<2x16x3128x16xf32, #tpu.memory_space<hbm>> -> memref<1x1x3128x16xf32, #tpu.memory_space<hbm>>
      %dma_start3A_12 = tpu.memref_squeeze %dma_start3A_11 : memref<1x1x3128x16xf32, #tpu.memory_space<hbm>> -> memref<3128x16xf32, #tpu.memory_space<hbm>>
      %dma_start3A_13 = arith.constant 0 : i32
      %dma_start3A_14 = tpu.memref_slice %arg13[%mul3A_9, %dma_start3A_13] : memref<50048x16xf32, #tpu.memory_space<vmem_shared>> -> memref<3128x16xf32, #tpu.memory_space<vmem_shared>>
      tpu.enqueue_dma source(%dma_start3A_14 : memref<3128x16xf32, #tpu.memory_space<vmem_shared>>) target(%dma_start3A_12 : memref<3128x16xf32, #tpu.memory_space<hbm>>) target_semaphore(%run_scoped3A : memref<!tpu.dma_semaphore, #tpu.memory_space<semaphore_mem>>)
      %dma_wait3A = arith.constant 0 : i32
      %dma_wait3A_15 = arith.constant 0 : i32
      %dma_wait3A_16 = tpu.memref_slice %arg7[%arg0, %arg1, %dma_wait3A, %dma_wait3A_15] : memref<2x16x3128x16xf32, #tpu.memory_space<hbm>> -> memref<1x1x3128x16xf32, #tpu.memory_space<hbm>>
      %dma_wait3A_17 = tpu.memref_squeeze %dma_wait3A_16 : memref<1x1x3128x16xf32, #tpu.memory_space<hbm>> -> memref<3128x16xf32, #tpu.memory_space<hbm>>
      %dma_wait3A_18 = arith.constant 0 : i32
      %dma_wait3A_19 = tpu.memref_slice %arg13[%mul3A_9, %dma_wait3A_18] : memref<50048x16xf32, #tpu.memory_space<vmem_shared>> -> memref<3128x16xf32, #tpu.memory_space<vmem_shared>>
      tpu.wait_dma2 semaphore(%run_scoped3A : memref<!tpu.dma_semaphore, #tpu.memory_space<semaphore_mem>>) src(%dma_wait3A_19 : memref<3128x16xf32, #tpu.memory_space<vmem_shared>>) dst(%dma_wait3A_17 : memref<3128x16xf32, #tpu.memory_space<hbm>>)
      tpu.yield
    }) : () -> ()
    return
  }
}

#map = affine_map<(d0, d1) -> (0, 0, 0, 0, 0)>
#map1 = affine_map<(d0, d1) -> (0, 0, 0, 0)>
#map2 = affine_map<(d0, d1) -> (0, 0)>
module attributes {stable_mosaic.version = 14 : i64} {
  func.func @_sc_body(%arg0: i32, %arg1: i32, %arg2: memref<2x16x25x25x80xi32, #tpu.memory_space<hbm>>, %arg3: memref<16x25x25x80xi32, #tpu.memory_space<hbm>>, %arg4: memref<400000x16xf32, #tpu.memory_space<hbm>>, %arg5: memref<50000x16xf32, #tpu.memory_space<hbm>>, %arg6: memref<3128x16xf32, #tpu.memory_space<hbm>>, %arg7: memref<2x16x3128x16xf32, #tpu.memory_space<hbm>>, %arg8: memref<25x80xi32, #tpu.memory_space<vmem>>, %arg9: memref<25x80xi32, #tpu.memory_space<vmem>>, %arg10: memref<80x16xf32, #tpu.memory_space<vmem>>, %arg11: memref<80x16xf32, #tpu.memory_space<vmem>>, %arg12: memref<80x16xf32, #tpu.memory_space<vmem>>, %arg13: memref<50048x16xf32, #tpu.memory_space<vmem_shared>>, %arg14: memref<!tpu.dma_semaphore, #tpu.memory_space<semaphore_mem>>, %arg15: memref<!tpu.dma_semaphore, #tpu.memory_space<semaphore_mem>>) attributes {dimension_semantics = [#tpu.dimension_semantics<core_parallel>, #tpu.dimension_semantics<subcore_parallel>], iteration_bounds = array<i64: 2, 16>, scalar_prefetch = 0 : i64, scratch_operands = 8 : i64, tpu.core_type = #tpu.core_type<sc_vector_subcore>, window_params = [{transform_indices = #map}, {transform_indices = #map1}, {transform_indices = #map2}, {transform_indices = #map2}, {transform_indices = #map2}, {transform_indices = #map1}]} {
    %mul3A = arith.constant 3128 : i32
    %mul3A_0 = arith.muli %arg1, %mul3A : i32
    "tpu.region"() ({
      %run_scoped3A = tpu.sem_alloc : memref<!tpu.dma_semaphore, #tpu.memory_space<semaphore_mem>>
      %dma_start3A = arith.constant 0 : i32
      %dma_start3A_10 = tpu.memref_slice %arg13[%mul3A_0, %dma_start3A] : memref<50048x16xf32, #tpu.memory_space<vmem_shared>> -> memref<3128x16xf32, #tpu.memory_space<vmem_shared>>
      tpu.enqueue_dma source(%arg6 : memref<3128x16xf32, #tpu.memory_space<hbm>>) target(%dma_start3A_10 : memref<3128x16xf32, #tpu.memory_space<vmem_shared>>) target_semaphore(%run_scoped3A : memref<!tpu.dma_semaphore, #tpu.memory_space<semaphore_mem>>)
      %dma_wait3A = arith.constant 0 : i32
      %dma_wait3A_11 = tpu.memref_slice %arg13[%mul3A_0, %dma_wait3A] : memref<50048x16xf32, #tpu.memory_space<vmem_shared>> -> memref<3128x16xf32, #tpu.memory_space<vmem_shared>>
      tpu.wait_dma2 semaphore(%run_scoped3A : memref<!tpu.dma_semaphore, #tpu.memory_space<semaphore_mem>>) src(%arg6 : memref<3128x16xf32, #tpu.memory_space<hbm>>) dst(%dma_wait3A_11 : memref<3128x16xf32, #tpu.memory_space<vmem_shared>>)
      tpu.yield
    }) : () -> ()
    %barrier3A = arith.constant 0 : index
    tpu.barrier barrier_id(%barrier3A)
    %iota3A = tpu.iota {dimensions = array<i32: 0>} : vector<16xi32>
    %broadcast_in_dim3A = arith.constant 0 : i32
    %broadcast_in_dim3A_1 = vector.broadcast %broadcast_in_dim3A : i32 to vector<16xi32>
    %scan3A = arith.constant 0 : i32
    %scan3A_2 = arith.constant 0 : i32
    %scan3A_3 = arith.constant 25 : i32
    %scan3A_4 = arith.addi %scan3A_2, %scan3A_3 : i32
    %scan3A_5 = arith.constant 1 : i32
    scf.for %scan3A_10 = %scan3A_2 to %scan3A_4 step %scan3A_5  : i32 {
      "tpu.region"() ({
        %run_scoped3A = tpu.sem_alloc : memref<!tpu.dma_semaphore, #tpu.memory_space<semaphore_mem>>
        %dma_start3A = arith.constant 0 : i32
        %dma_start3A_17 = arith.constant 0 : i32
        %dma_start3A_18 = tpu.memref_slice %arg2[%arg0, %arg1, %scan3A_10, %dma_start3A, %dma_start3A_17] : memref<2x16x25x25x80xi32, #tpu.memory_space<hbm>> -> memref<1x1x1x25x80xi32, #tpu.memory_space<hbm>>
        %dma_start3A_19 = tpu.memref_squeeze %dma_start3A_18 : memref<1x1x1x25x80xi32, #tpu.memory_space<hbm>> -> memref<25x80xi32, #tpu.memory_space<hbm>>
        %dma_start3A_20 = arith.constant 0 : i32
        %dma_start3A_21 = arith.constant 0 : i32
        %dma_start3A_22 = tpu.memref_slice %arg2[%arg0, %arg1, %scan3A_10, %dma_start3A_20, %dma_start3A_21] : memref<2x16x25x25x80xi32, #tpu.memory_space<hbm>> -> memref<1x1x1x25x80xi32, #tpu.memory_space<hbm>>
        %dma_start3A_23 = tpu.memref_squeeze %dma_start3A_22 : memref<1x1x1x25x80xi32, #tpu.memory_space<hbm>> -> memref<25x80xi32, #tpu.memory_space<hbm>>
        tpu.enqueue_dma source(%dma_start3A_23 : memref<25x80xi32, #tpu.memory_space<hbm>>) target(%arg8 : memref<25x80xi32, #tpu.memory_space<vmem>>) target_semaphore(%run_scoped3A : memref<!tpu.dma_semaphore, #tpu.memory_space<semaphore_mem>>)
        %dma_wait3A = arith.constant 0 : i32
        %dma_wait3A_24 = arith.constant 0 : i32
        %dma_wait3A_25 = tpu.memref_slice %arg2[%arg0, %arg1, %scan3A_10, %dma_wait3A, %dma_wait3A_24] : memref<2x16x25x25x80xi32, #tpu.memory_space<hbm>> -> memref<1x1x1x25x80xi32, #tpu.memory_space<hbm>>
        %dma_wait3A_26 = tpu.memref_squeeze %dma_wait3A_25 : memref<1x1x1x25x80xi32, #tpu.memory_space<hbm>> -> memref<25x80xi32, #tpu.memory_space<hbm>>
        %dma_wait3A_27 = arith.constant 0 : i32
        %dma_wait3A_28 = arith.constant 0 : i32
        %dma_wait3A_29 = tpu.memref_slice %arg2[%arg0, %arg1, %scan3A_10, %dma_wait3A_27, %dma_wait3A_28] : memref<2x16x25x25x80xi32, #tpu.memory_space<hbm>> -> memref<1x1x1x25x80xi32, #tpu.memory_space<hbm>>
        %dma_wait3A_30 = tpu.memref_squeeze %dma_wait3A_29 : memref<1x1x1x25x80xi32, #tpu.memory_space<hbm>> -> memref<25x80xi32, #tpu.memory_space<hbm>>
        tpu.wait_dma2 semaphore(%run_scoped3A : memref<!tpu.dma_semaphore, #tpu.memory_space<semaphore_mem>>) src(%dma_wait3A_30 : memref<25x80xi32, #tpu.memory_space<hbm>>) dst(%arg8 : memref<25x80xi32, #tpu.memory_space<vmem>>)
        tpu.yield
      }) : () -> ()
      "tpu.region"() ({
        %run_scoped3A = tpu.sem_alloc : memref<!tpu.dma_semaphore, #tpu.memory_space<semaphore_mem>>
        %dma_start3A = arith.constant 0 : i32
        %dma_start3A_17 = arith.constant 0 : i32
        %dma_start3A_18 = tpu.memref_slice %arg3[%arg1, %scan3A_10, %dma_start3A, %dma_start3A_17] : memref<16x25x25x80xi32, #tpu.memory_space<hbm>> -> memref<1x1x25x80xi32, #tpu.memory_space<hbm>>
        %dma_start3A_19 = tpu.memref_squeeze %dma_start3A_18 : memref<1x1x25x80xi32, #tpu.memory_space<hbm>> -> memref<25x80xi32, #tpu.memory_space<hbm>>
        %dma_start3A_20 = arith.constant 0 : i32
        %dma_start3A_21 = arith.constant 0 : i32
        %dma_start3A_22 = tpu.memref_slice %arg3[%arg1, %scan3A_10, %dma_start3A_20, %dma_start3A_21] : memref<16x25x25x80xi32, #tpu.memory_space<hbm>> -> memref<1x1x25x80xi32, #tpu.memory_space<hbm>>
        %dma_start3A_23 = tpu.memref_squeeze %dma_start3A_22 : memref<1x1x25x80xi32, #tpu.memory_space<hbm>> -> memref<25x80xi32, #tpu.memory_space<hbm>>
        tpu.enqueue_dma source(%dma_start3A_23 : memref<25x80xi32, #tpu.memory_space<hbm>>) target(%arg9 : memref<25x80xi32, #tpu.memory_space<vmem>>) target_semaphore(%run_scoped3A : memref<!tpu.dma_semaphore, #tpu.memory_space<semaphore_mem>>)
        %dma_wait3A = arith.constant 0 : i32
        %dma_wait3A_24 = arith.constant 0 : i32
        %dma_wait3A_25 = tpu.memref_slice %arg3[%arg1, %scan3A_10, %dma_wait3A, %dma_wait3A_24] : memref<16x25x25x80xi32, #tpu.memory_space<hbm>> -> memref<1x1x25x80xi32, #tpu.memory_space<hbm>>
        %dma_wait3A_26 = tpu.memref_squeeze %dma_wait3A_25 : memref<1x1x25x80xi32, #tpu.memory_space<hbm>> -> memref<25x80xi32, #tpu.memory_space<hbm>>
        %dma_wait3A_27 = arith.constant 0 : i32
        %dma_wait3A_28 = arith.constant 0 : i32
        %dma_wait3A_29 = tpu.memref_slice %arg3[%arg1, %scan3A_10, %dma_wait3A_27, %dma_wait3A_28] : memref<16x25x25x80xi32, #tpu.memory_space<hbm>> -> memref<1x1x25x80xi32, #tpu.memory_space<hbm>>
        %dma_wait3A_30 = tpu.memref_squeeze %dma_wait3A_29 : memref<1x1x25x80xi32, #tpu.memory_space<hbm>> -> memref<25x80xi32, #tpu.memory_space<hbm>>
        tpu.wait_dma2 semaphore(%run_scoped3A : memref<!tpu.dma_semaphore, #tpu.memory_space<semaphore_mem>>) src(%dma_wait3A_30 : memref<25x80xi32, #tpu.memory_space<hbm>>) dst(%arg9 : memref<25x80xi32, #tpu.memory_space<vmem>>)
        tpu.yield
      }) : () -> ()
      %scan3A_11 = arith.constant 0 : i32
      %scan3A_12 = arith.constant 0 : i32
      %scan3A_13 = arith.constant 25 : i32
      %scan3A_14 = arith.addi %scan3A_12, %scan3A_13 : i32
      %scan3A_15 = arith.constant 1 : i32
      scf.for %scan3A_17 = %scan3A_12 to %scan3A_14 step %scan3A_15  : i32 {
        %dma_start3A = arith.constant 0 : i32
        %dma_start3A_18 = tpu.memref_slice %arg8[%scan3A_17, %dma_start3A] : memref<25x80xi32, #tpu.memory_space<vmem>> -> memref<1x80xi32, #tpu.memory_space<vmem>>
        %dma_start3A_19 = tpu.memref_squeeze %dma_start3A_18 : memref<1x80xi32, #tpu.memory_space<vmem>> -> memref<80xi32, #tpu.memory_space<vmem>>
        %dma_start3A_20 = arith.constant 0 : i32
        %dma_start3A_21 = arith.constant 0 : i32
        %dma_start3A_22 = tpu.memref_slice %arg4[%dma_start3A_20, %dma_start3A_21] : memref<400000x16xf32, #tpu.memory_space<hbm>> -> memref<400000x16xf32, #tpu.memory_space<hbm>>
        tpu.enqueue_indirect_dma source(%dma_start3A_22 : memref<400000x16xf32, #tpu.memory_space<hbm>>) target(%arg10 : memref<80x16xf32, #tpu.memory_space<vmem>>) offsets(%dma_start3A_19 : memref<80xi32, #tpu.memory_space<vmem>>) semaphore(%arg14 : memref<!tpu.dma_semaphore, #tpu.memory_space<semaphore_mem>>)
        %dma_start3A_23 = arith.constant 0 : i32
        %dma_start3A_24 = tpu.memref_slice %arg9[%scan3A_17, %dma_start3A_23] : memref<25x80xi32, #tpu.memory_space<vmem>> -> memref<1x80xi32, #tpu.memory_space<vmem>>
        %dma_start3A_25 = tpu.memref_squeeze %dma_start3A_24 : memref<1x80xi32, #tpu.memory_space<vmem>> -> memref<80xi32, #tpu.memory_space<vmem>>
        %dma_start3A_26 = arith.constant 0 : i32
        %dma_start3A_27 = arith.constant 0 : i32
        %dma_start3A_28 = tpu.memref_slice %arg5[%dma_start3A_26, %dma_start3A_27] : memref<50000x16xf32, #tpu.memory_space<hbm>> -> memref<50000x16xf32, #tpu.memory_space<hbm>>
        tpu.enqueue_indirect_dma source(%dma_start3A_28 : memref<50000x16xf32, #tpu.memory_space<hbm>>) target(%arg11 : memref<80x16xf32, #tpu.memory_space<vmem>>) offsets(%dma_start3A_25 : memref<80xi32, #tpu.memory_space<vmem>>) semaphore(%arg15 : memref<!tpu.dma_semaphore, #tpu.memory_space<semaphore_mem>>)
        %dma_wait3A = arith.constant 0 : i32
        %dma_wait3A_29 = tpu.memref_slice %arg8[%scan3A_17, %dma_wait3A] : memref<25x80xi32, #tpu.memory_space<vmem>> -> memref<1x80xi32, #tpu.memory_space<vmem>>
        %dma_wait3A_30 = tpu.memref_squeeze %dma_wait3A_29 : memref<1x80xi32, #tpu.memory_space<vmem>> -> memref<80xi32, #tpu.memory_space<vmem>>
        %dma_wait3A_31 = arith.constant 0 : i32
        %dma_wait3A_32 = arith.constant 0 : i32
        %dma_wait3A_33 = tpu.memref_slice %arg4[%dma_wait3A_31, %dma_wait3A_32] : memref<400000x16xf32, #tpu.memory_space<hbm>> -> memref<400000x16xf32, #tpu.memory_space<hbm>>
        tpu.wait_indirect_dma semaphore(%arg14 : memref<!tpu.dma_semaphore, #tpu.memory_space<semaphore_mem>>) src(%dma_wait3A_33 : memref<400000x16xf32, #tpu.memory_space<hbm>>) dst(%arg10 : memref<80x16xf32, #tpu.memory_space<vmem>>)
        %dma_wait3A_34 = arith.constant 0 : i32
        %dma_wait3A_35 = tpu.memref_slice %arg9[%scan3A_17, %dma_wait3A_34] : memref<25x80xi32, #tpu.memory_space<vmem>> -> memref<1x80xi32, #tpu.memory_space<vmem>>
        %dma_wait3A_36 = tpu.memref_squeeze %dma_wait3A_35 : memref<1x80xi32, #tpu.memory_space<vmem>> -> memref<80xi32, #tpu.memory_space<vmem>>
        %dma_wait3A_37 = arith.constant 0 : i32
        %dma_wait3A_38 = arith.constant 0 : i32
        %dma_wait3A_39 = tpu.memref_slice %arg5[%dma_wait3A_37, %dma_wait3A_38] : memref<50000x16xf32, #tpu.memory_space<hbm>> -> memref<50000x16xf32, #tpu.memory_space<hbm>>
        tpu.wait_indirect_dma semaphore(%arg15 : memref<!tpu.dma_semaphore, #tpu.memory_space<semaphore_mem>>) src(%dma_wait3A_39 : memref<50000x16xf32, #tpu.memory_space<hbm>>) dst(%arg11 : memref<80x16xf32, #tpu.memory_space<vmem>>)
        %scan3A_40 = arith.constant 0 : i32
        %scan3A_41 = arith.constant 0 : i32
        %scan3A_42 = arith.constant 5 : i32
        %scan3A_43 = arith.addi %scan3A_41, %scan3A_42 : i32
        %scan3A_44 = arith.constant 1 : i32
        scf.for %scan3A_46 = %scan3A_41 to %scan3A_43 step %scan3A_44  : i32 {
          %mul3A_47 = arith.constant 16 : i32
          %mul3A_48 = arith.muli %scan3A_46, %mul3A_47 : i32
          %add3A = vector.broadcast %mul3A_48 : i32 to vector<16xi32>
          %add3A_49 = arith.addi %add3A, %iota3A : vector<16xi32>
          %add3A_50 = arith.constant 8 : i32
          %add3A_51 = vector.broadcast %add3A_50 : i32 to vector<16xi32>
          %add3A_52 = arith.addi %broadcast_in_dim3A_1, %add3A_51 : vector<16xi32>
          %gather3A = tpu.vector_load_idx %arg10[%add3A_49, %add3A_52] : memref<80x16xf32, #tpu.memory_space<vmem>>[vector<16xi32>, vector<16xi32>], vector<16xf32>,
          %mul3A_53 = arith.constant 4 : i32
          %mul3A_54 = arith.muli %mul3A_53, %arg0 : i32
          %add3A_55 = arith.constant 3 : i32
          %add3A_56 = arith.addi %mul3A_54, %add3A_55 : i32
          %add3A_57 = vector.broadcast %add3A_56 : i32 to vector<16xi32>
          %add3A_58 = arith.addi %broadcast_in_dim3A_1, %add3A_57 : vector<16xi32>
          %gather3A_59 = tpu.vector_load_idx %arg11[%add3A_49, %add3A_58] : memref<80x16xf32, #tpu.memory_space<vmem>>[vector<16xi32>, vector<16xi32>], vector<16xf32>,
          %add3A_60 = arith.addf %gather3A, %gather3A_59 : vector<16xf32>
          %mul3A_61 = arith.constant 2.000000e-01 : f32
          %mul3A_62 = vector.broadcast %mul3A_61 : f32 to vector<16xf32>
          %mul3A_63 = arith.mulf %mul3A_62, %add3A_60 : vector<16xf32>
          %max3A = arith.maximumf %add3A_60, %mul3A_63 : vector<16xf32>
          %exp3A = math.exp %max3A : vector<16xf32>
          %add3A_64 = arith.constant 8 : i32
          %add3A_65 = vector.broadcast %add3A_64 : i32 to vector<16xi32>
          %add3A_66 = arith.addi %broadcast_in_dim3A_1, %add3A_65 : vector<16xi32>
          tpu.vector_store_idx %arg12[%add3A_49, %add3A_66], %exp3A : memref<80x16xf32, #tpu.memory_space<vmem>>[vector<16xi32>, vector<16xi32>], vector<16xf32>,
          %add3A_67 = arith.constant 0 : i32
          %add3A_68 = vector.broadcast %add3A_67 : i32 to vector<16xi32>
          %add3A_69 = arith.addi %broadcast_in_dim3A_1, %add3A_68 : vector<16xi32>
          %gather3A_70 = tpu.vector_load_idx %arg10[%add3A_49, %add3A_69] : memref<80x16xf32, #tpu.memory_space<vmem>>[vector<16xi32>, vector<16xi32>], vector<16xf32>,
          %add3A_71 = arith.constant 0 : i32
          %add3A_72 = vector.broadcast %add3A_71 : i32 to vector<16xi32>
          %add3A_73 = arith.addi %broadcast_in_dim3A_1, %add3A_72 : vector<16xi32>
          %mul3A_74 = arith.mulf %exp3A, %gather3A_70 : vector<16xf32>
          tpu.vector_store_idx %arg12[%add3A_49, %add3A_73], %mul3A_74 : memref<80x16xf32, #tpu.memory_space<vmem>>[vector<16xi32>, vector<16xi32>], vector<16xf32>,
          %add3A_75 = arith.constant 1 : i32
          %add3A_76 = vector.broadcast %add3A_75 : i32 to vector<16xi32>
          %add3A_77 = arith.addi %broadcast_in_dim3A_1, %add3A_76 : vector<16xi32>
          %gather3A_78 = tpu.vector_load_idx %arg10[%add3A_49, %add3A_77] : memref<80x16xf32, #tpu.memory_space<vmem>>[vector<16xi32>, vector<16xi32>], vector<16xf32>,
          %add3A_79 = arith.constant 1 : i32
          %add3A_80 = vector.broadcast %add3A_79 : i32 to vector<16xi32>
          %add3A_81 = arith.addi %broadcast_in_dim3A_1, %add3A_80 : vector<16xi32>
          %mul3A_82 = arith.mulf %exp3A, %gather3A_78 : vector<16xf32>
          tpu.vector_store_idx %arg12[%add3A_49, %add3A_81], %mul3A_82 : memref<80x16xf32, #tpu.memory_space<vmem>>[vector<16xi32>, vector<16xi32>], vector<16xf32>,
          %add3A_83 = arith.constant 2 : i32
          %add3A_84 = vector.broadcast %add3A_83 : i32 to vector<16xi32>
          %add3A_85 = arith.addi %broadcast_in_dim3A_1, %add3A_84 : vector<16xi32>
          %gather3A_86 = tpu.vector_load_idx %arg10[%add3A_49, %add3A_85] : memref<80x16xf32, #tpu.memory_space<vmem>>[vector<16xi32>, vector<16xi32>], vector<16xf32>,
          %add3A_87 = arith.constant 2 : i32
          %add3A_88 = vector.broadcast %add3A_87 : i32 to vector<16xi32>
          %add3A_89 = arith.addi %broadcast_in_dim3A_1, %add3A_88 : vector<16xi32>
          %mul3A_90 = arith.mulf %exp3A, %gather3A_86 : vector<16xf32>
          tpu.vector_store_idx %arg12[%add3A_49, %add3A_89], %mul3A_90 : memref<80x16xf32, #tpu.memory_space<vmem>>[vector<16xi32>, vector<16xi32>], vector<16xf32>,
          %add3A_91 = arith.constant 3 : i32
          %add3A_92 = vector.broadcast %add3A_91 : i32 to vector<16xi32>
          %add3A_93 = arith.addi %broadcast_in_dim3A_1, %add3A_92 : vector<16xi32>
          %gather3A_94 = tpu.vector_load_idx %arg10[%add3A_49, %add3A_93] : memref<80x16xf32, #tpu.memory_space<vmem>>[vector<16xi32>, vector<16xi32>], vector<16xf32>,
          %add3A_95 = arith.constant 3 : i32
          %add3A_96 = vector.broadcast %add3A_95 : i32 to vector<16xi32>
          %add3A_97 = arith.addi %broadcast_in_dim3A_1, %add3A_96 : vector<16xi32>
          %mul3A_98 = arith.mulf %exp3A, %gather3A_94 : vector<16xf32>
          tpu.vector_store_idx %arg12[%add3A_49, %add3A_97], %mul3A_98 : memref<80x16xf32, #tpu.memory_space<vmem>>[vector<16xi32>, vector<16xi32>], vector<16xf32>,
          %add3A_99 = arith.constant 4 : i32
          %add3A_100 = vector.broadcast %add3A_99 : i32 to vector<16xi32>
          %add3A_101 = arith.addi %broadcast_in_dim3A_1, %add3A_100 : vector<16xi32>
          %gather3A_102 = tpu.vector_load_idx %arg10[%add3A_49, %add3A_101] : memref<80x16xf32, #tpu.memory_space<vmem>>[vector<16xi32>, vector<16xi32>], vector<16xf32>,
          %add3A_103 = arith.constant 4 : i32
          %add3A_104 = vector.broadcast %add3A_103 : i32 to vector<16xi32>
          %add3A_105 = arith.addi %broadcast_in_dim3A_1, %add3A_104 : vector<16xi32>
          %mul3A_106 = arith.mulf %exp3A, %gather3A_102 : vector<16xf32>
          tpu.vector_store_idx %arg12[%add3A_49, %add3A_105], %mul3A_106 : memref<80x16xf32, #tpu.memory_space<vmem>>[vector<16xi32>, vector<16xi32>], vector<16xf32>,
          %add3A_107 = arith.constant 5 : i32
          %add3A_108 = vector.broadcast %add3A_107 : i32 to vector<16xi32>
          %add3A_109 = arith.addi %broadcast_in_dim3A_1, %add3A_108 : vector<16xi32>
          %gather3A_110 = tpu.vector_load_idx %arg10[%add3A_49, %add3A_109] : memref<80x16xf32, #tpu.memory_space<vmem>>[vector<16xi32>, vector<16xi32>], vector<16xf32>,
          %add3A_111 = arith.constant 5 : i32
          %add3A_112 = vector.broadcast %add3A_111 : i32 to vector<16xi32>
          %add3A_113 = arith.addi %broadcast_in_dim3A_1, %add3A_112 : vector<16xi32>
          %mul3A_114 = arith.mulf %exp3A, %gather3A_110 : vector<16xf32>
          tpu.vector_store_idx %arg12[%add3A_49, %add3A_113], %mul3A_114 : memref<80x16xf32, #tpu.memory_space<vmem>>[vector<16xi32>, vector<16xi32>], vector<16xf32>,
          %add3A_115 = arith.constant 6 : i32
          %add3A_116 = vector.broadcast %add3A_115 : i32 to vector<16xi32>
          %add3A_117 = arith.addi %broadcast_in_dim3A_1, %add3A_116 : vector<16xi32>
          %gather3A_118 = tpu.vector_load_idx %arg10[%add3A_49, %add3A_117] : memref<80x16xf32, #tpu.memory_space<vmem>>[vector<16xi32>, vector<16xi32>], vector<16xf32>,
          %add3A_119 = arith.constant 6 : i32
          %add3A_120 = vector.broadcast %add3A_119 : i32 to vector<16xi32>
          %add3A_121 = arith.addi %broadcast_in_dim3A_1, %add3A_120 : vector<16xi32>
          %mul3A_122 = arith.mulf %exp3A, %gather3A_118 : vector<16xf32>
          tpu.vector_store_idx %arg12[%add3A_49, %add3A_121], %mul3A_122 : memref<80x16xf32, #tpu.memory_space<vmem>>[vector<16xi32>, vector<16xi32>], vector<16xf32>,
          %add3A_123 = arith.constant 7 : i32
          %add3A_124 = vector.broadcast %add3A_123 : i32 to vector<16xi32>
          %add3A_125 = arith.addi %broadcast_in_dim3A_1, %add3A_124 : vector<16xi32>
          %gather3A_126 = tpu.vector_load_idx %arg10[%add3A_49, %add3A_125] : memref<80x16xf32, #tpu.memory_space<vmem>>[vector<16xi32>, vector<16xi32>], vector<16xf32>,
          %add3A_127 = arith.constant 7 : i32
          %add3A_128 = vector.broadcast %add3A_127 : i32 to vector<16xi32>
          %add3A_129 = arith.addi %broadcast_in_dim3A_1, %add3A_128 : vector<16xi32>
          %mul3A_130 = arith.mulf %exp3A, %gather3A_126 : vector<16xf32>
          tpu.vector_store_idx %arg12[%add3A_49, %add3A_129], %mul3A_130 : memref<80x16xf32, #tpu.memory_space<vmem>>[vector<16xi32>, vector<16xi32>], vector<16xf32>,
        }
        %scan3A_45 = arith.constant 5 : i32
        "tpu.region"() ({
          %run_scoped3A = tpu.sem_alloc : memref<!tpu.dma_semaphore, #tpu.memory_space<semaphore_mem>>
          %dma_start3A_46 = arith.constant 0 : i32
          %dma_start3A_47 = tpu.memref_slice %arg9[%scan3A_17, %dma_start3A_46] : memref<25x80xi32, #tpu.memory_space<vmem>> -> memref<1x80xi32, #tpu.memory_space<vmem>>
          %dma_start3A_48 = tpu.memref_squeeze %dma_start3A_47 : memref<1x80xi32, #tpu.memory_space<vmem>> -> memref<80xi32, #tpu.memory_space<vmem>>
          %dma_start3A_49 = arith.constant 0 : i32
          %dma_start3A_50 = arith.constant 0 : i32
          %dma_start3A_51 = tpu.memref_slice %arg13[%dma_start3A_49, %dma_start3A_50] : memref<50048x16xf32, #tpu.memory_space<vmem_shared>> -> memref<50048x16xf32, #tpu.memory_space<vmem_shared>>
          tpu.enqueue_indirect_dma source(%arg12 : memref<80x16xf32, #tpu.memory_space<vmem>>) target(%dma_start3A_51 : memref<50048x16xf32, #tpu.memory_space<vmem_shared>>) offsets(%dma_start3A_48 : memref<80xi32, #tpu.memory_space<vmem>>) semaphore(%run_scoped3A : memref<!tpu.dma_semaphore, #tpu.memory_space<semaphore_mem>>) {add = true}
          %dma_wait3A_52 = arith.constant 0 : i32
          %dma_wait3A_53 = tpu.memref_slice %arg9[%scan3A_17, %dma_wait3A_52] : memref<25x80xi32, #tpu.memory_space<vmem>> -> memref<1x80xi32, #tpu.memory_space<vmem>>
          %dma_wait3A_54 = tpu.memref_squeeze %dma_wait3A_53 : memref<1x80xi32, #tpu.memory_space<vmem>> -> memref<80xi32, #tpu.memory_space<vmem>>
          %dma_wait3A_55 = arith.constant 0 : i32
          %dma_wait3A_56 = arith.constant 0 : i32
          %dma_wait3A_57 = tpu.memref_slice %arg13[%dma_wait3A_55, %dma_wait3A_56] : memref<50048x16xf32, #tpu.memory_space<vmem_shared>> -> memref<50048x16xf32, #tpu.memory_space<vmem_shared>>
          tpu.wait_indirect_dma semaphore(%run_scoped3A : memref<!tpu.dma_semaphore, #tpu.memory_space<semaphore_mem>>) src(%arg12 : memref<80x16xf32, #tpu.memory_space<vmem>>) dst(%dma_wait3A_57 : memref<50048x16xf32, #tpu.memory_space<vmem_shared>>)
          tpu.yield
        }) : () -> ()
      }
      %scan3A_16 = arith.constant 25 : i32
    }
    %scan3A_6 = arith.constant 25 : i32
    %barrier3A_7 = arith.constant 0 : index
    tpu.barrier barrier_id(%barrier3A_7)
    %mul3A_8 = arith.constant 3128 : i32
    %mul3A_9 = arith.muli %arg1, %mul3A_8 : i32
    "tpu.region"() ({
      %run_scoped3A = tpu.sem_alloc : memref<!tpu.dma_semaphore, #tpu.memory_space<semaphore_mem>>
      %dma_start3A = arith.constant 0 : i32
      %dma_start3A_10 = arith.constant 0 : i32
      %dma_start3A_11 = tpu.memref_slice %arg7[%arg0, %arg1, %dma_start3A, %dma_start3A_10] : memref<2x16x3128x16xf32, #tpu.memory_space<hbm>> -> memref<1x1x3128x16xf32, #tpu.memory_space<hbm>>
      %dma_start3A_12 = tpu.memref_squeeze %dma_start3A_11 : memref<1x1x3128x16xf32, #tpu.memory_space<hbm>> -> memref<3128x16xf32, #tpu.memory_space<hbm>>
      %dma_start3A_13 = arith.constant 0 : i32
      %dma_start3A_14 = tpu.memref_slice %arg13[%mul3A_9, %dma_start3A_13] : memref<50048x16xf32, #tpu.memory_space<vmem_shared>> -> memref<3128x16xf32, #tpu.memory_space<vmem_shared>>
      tpu.enqueue_dma source(%dma_start3A_14 : memref<3128x16xf32, #tpu.memory_space<vmem_shared>>) target(%dma_start3A_12 : memref<3128x16xf32, #tpu.memory_space<hbm>>) target_semaphore(%run_scoped3A : memref<!tpu.dma_semaphore, #tpu.memory_space<semaphore_mem>>)
      %dma_wait3A = arith.constant 0 : i32
      %dma_wait3A_15 = arith.constant 0 : i32
      %dma_wait3A_16 = tpu.memref_slice %arg7[%arg0, %arg1, %dma_wait3A, %dma_wait3A_15] : memref<2x16x3128x16xf32, #tpu.memory_space<hbm>> -> memref<1x1x3128x16xf32, #tpu.memory_space<hbm>>
      %dma_wait3A_17 = tpu.memref_squeeze %dma_wait3A_16 : memref<1x1x3128x16xf32, #tpu.memory_space<hbm>> -> memref<3128x16xf32, #tpu.memory_space<hbm>>
      %dma_wait3A_18 = arith.constant 0 : i32
      %dma_wait3A_19 = tpu.memref_slice %arg13[%mul3A_9, %dma_wait3A_18] : memref<50048x16xf32, #tpu.memory_space<vmem_shared>> -> memref<3128x16xf32, #tpu.memory_space<vmem_shared>>
      tpu.wait_dma2 semaphore(%run_scoped3A : memref<!tpu.dma_semaphore, #tpu.memory_space<semaphore_mem>>) src(%dma_wait3A_19 : memref<3128x16xf32, #tpu.memory_space<vmem_shared>>) dst(%dma_wait3A_17 : memref<3128x16xf32, #tpu.memory_space<hbm>>)
      tpu.yield
    }) : () -> ()
    return
  }
}

module attributes {stable_mosaic.version = 14 : i64} {
  func.func @_proj_body(%arg0: i32, %arg1: memref<2000x8xf32, #tpu.memory_space<vmem>>, %arg2: memref<2000x8xf32, #tpu.memory_space<vmem>>, %arg3: memref<8x64xf32, #tpu.memory_space<vmem>>, %arg4: memref<1x64xf32, #tpu.memory_space<vmem>>, %arg5: memref<8x64xf32, #tpu.memory_space<vmem>>, %arg6: memref<1x64xf32, #tpu.memory_space<vmem>>, %arg7: memref<64x8xf32, #tpu.memory_space<vmem>>, %arg8: memref<64x8xf32, #tpu.memory_space<vmem>>, %arg9: memref<8x2000x16xf32, #tpu.memory_space<vmem>>, %arg10: memref<2000x16xf32, #tpu.memory_space<vmem>>) attributes {dimension_semantics = [#tpu.dimension_semantics<arbitrary>], iteration_bounds = array<i64: 25>, scalar_prefetch = 0 : i64, scratch_operands = 0 : i64, tpu.core_type = #tpu.core_type<tc>, window_params = [{transform_indices = @transform_0, window_bounds = array<i64: 2000, 8>}, {transform_indices = @transform_1, window_bounds = array<i64: 2000, 8>}, {pipeline_mode = #tpu.pipeline_mode<synchronous>, transform_indices = @transform_2, window_bounds = array<i64: 8, 64>}, {pipeline_mode = #tpu.pipeline_mode<synchronous>, transform_indices = @transform_3, window_bounds = array<i64: 1, 64>}, {pipeline_mode = #tpu.pipeline_mode<synchronous>, transform_indices = @transform_4, window_bounds = array<i64: 8, 64>}, {pipeline_mode = #tpu.pipeline_mode<synchronous>, transform_indices = @transform_5, window_bounds = array<i64: 1, 64>}, {pipeline_mode = #tpu.pipeline_mode<synchronous>, transform_indices = @transform_6, window_bounds = array<i64: 64, 8>}, {pipeline_mode = #tpu.pipeline_mode<synchronous>, transform_indices = @transform_7, window_bounds = array<i64: 64, 8>}, {transform_indices = @transform_8, window_bounds = array<i64: 8, 2000, 16>}, {transform_indices = @transform_9, window_bounds = array<i64: 2000, 16>}]} {
    %get3A = arith.constant 0 : index
    %get3A_0 = arith.constant 0 : index
    %get3A_1 = vector.load %arg1[%get3A, %get3A_0] : memref<2000x8xf32, #tpu.memory_space<vmem>>, vector<2000x8xf32>
    %get3A_2 = arith.constant 0 : index
    %get3A_3 = arith.constant 0 : index
    %get3A_4 = vector.load %arg3[%get3A_2, %get3A_3] : memref<8x64xf32, #tpu.memory_space<vmem>>, vector<8x64xf32>
    %dot_general3A = arith.constant dense<0.000000e+00> : vector<2000x64xf32>
    %dot_general3A_5 = tpu.matmul %get3A_1, %get3A_4, %dot_general3A {dimension_numbers = #tpu.dot_dimension_numbers<[1], [0], [0], [1], [0, 0, 1, 1], [], []>, transpose_lhs_hint = false} : vector<2000x8xf32>, vector<8x64xf32>, vector<2000x64xf32> -> vector<2000x64xf32>
    %get3A_6 = arith.constant 0 : index
    %get3A_7 = arith.constant 0 : index
    %get3A_8 = vector.load %arg4[%get3A_6, %get3A_7] : memref<1x64xf32, #tpu.memory_space<vmem>>, vector<1x64xf32>
    %add3A = vector.broadcast %get3A_8 : vector<1x64xf32> to vector<2000x64xf32>
    %add3A_9 = arith.addf %dot_general3A_5, %add3A : vector<2000x64xf32>
    %get3A_10 = arith.constant 0 : index
    %get3A_11 = arith.constant 0 : index
    %get3A_12 = vector.load %arg2[%get3A_10, %get3A_11] : memref<2000x8xf32, #tpu.memory_space<vmem>>, vector<2000x8xf32>
    %get3A_13 = arith.constant 0 : index
    %get3A_14 = arith.constant 0 : index
    %get3A_15 = vector.load %arg5[%get3A_13, %get3A_14] : memref<8x64xf32, #tpu.memory_space<vmem>>, vector<8x64xf32>
    %dot_general3A_16 = arith.constant dense<0.000000e+00> : vector<2000x64xf32>
    %dot_general3A_17 = tpu.matmul %get3A_12, %get3A_15, %dot_general3A_16 {dimension_numbers = #tpu.dot_dimension_numbers<[1], [0], [0], [1], [0, 0, 1, 1], [], []>, transpose_lhs_hint = false} : vector<2000x8xf32>, vector<8x64xf32>, vector<2000x64xf32> -> vector<2000x64xf32>
    %get3A_18 = arith.constant 0 : index
    %get3A_19 = arith.constant 0 : index
    %get3A_20 = vector.load %arg6[%get3A_18, %get3A_19] : memref<1x64xf32, #tpu.memory_space<vmem>>, vector<1x64xf32>
    %add3A_21 = vector.broadcast %get3A_20 : vector<1x64xf32> to vector<2000x64xf32>
    %add3A_22 = arith.addf %dot_general3A_17, %add3A_21 : vector<2000x64xf32>
    %get3A_23 = arith.constant 0 : index
    %get3A_24 = arith.constant 0 : index
    %get3A_25 = vector.load %arg7[%get3A_23, %get3A_24] : memref<64x8xf32, #tpu.memory_space<vmem>>, vector<64x8xf32>
    %dot_general3A_26 = arith.constant dense<0.000000e+00> : vector<2000x8xf32>
    %dot_general3A_27 = tpu.matmul %add3A_22, %get3A_25, %dot_general3A_26 {dimension_numbers = #tpu.dot_dimension_numbers<[1], [0], [0], [1], [0, 0, 1, 1], [], []>, transpose_lhs_hint = false} : vector<2000x64xf32>, vector<64x8xf32>, vector<2000x8xf32> -> vector<2000x8xf32>
    %get3A_28 = arith.constant 0 : index
    %get3A_29 = arith.constant 0 : index
    %get3A_30 = vector.load %arg8[%get3A_28, %get3A_29] : memref<64x8xf32, #tpu.memory_space<vmem>>, vector<64x8xf32>
    %dot_general3A_31 = arith.constant dense<0.000000e+00> : vector<2000x8xf32>
    %dot_general3A_32 = tpu.matmul %add3A_9, %get3A_30, %dot_general3A_31 {dimension_numbers = #tpu.dot_dimension_numbers<[1], [0], [0], [1], [0, 0, 1, 1], [], []>, transpose_lhs_hint = false} : vector<2000x64xf32>, vector<64x8xf32>, vector<2000x8xf32> -> vector<2000x8xf32>
    %broadcast_in_dim3A = arith.constant 0.000000e+00 : f32
    %broadcast_in_dim3A_33 = vector.broadcast %broadcast_in_dim3A : f32 to vector<2000x7xf32>
    %broadcast_in_dim3A_34 = arith.constant 0.000000e+00 : f32
    %broadcast_in_dim3A_35 = vector.broadcast %broadcast_in_dim3A_34 : f32 to vector<2000x8xf32>
    %slice3A = vector.extract_strided_slice %add3A_22 {offsets = [0, 0], sizes = [2000, 8], strides = [1, 1]} : vector<2000x64xf32> to vector<2000x8xf32>
    %slice3A_36 = vector.extract_strided_slice %dot_general3A_27 {offsets = [0, 0], sizes = [2000, 1], strides = [1, 1]} : vector<2000x8xf32> to vector<2000x1xf32>
    %concatenate3A = tpu.concatenate %slice3A, %slice3A_36, %broadcast_in_dim3A_33 in 1 : vector<2000x8xf32>, vector<2000x1xf32>, vector<2000x7xf32> -> vector<2000x16xf32>
    %swap3A = arith.constant 0 : index
    %swap3A_37 = arith.constant 0 : index
    %swap3A_38 = arith.constant 0 : index
    %swap3A_39 = vector.load %arg9[%swap3A, %swap3A_37, %swap3A_38] : memref<8x2000x16xf32, #tpu.memory_space<vmem>>, vector<1x2000x16xf32>
    %swap3A_40 = vector.shape_cast %swap3A_39 : vector<1x2000x16xf32> to vector<2000x16xf32>
    %swap3A_41 = vector.shape_cast %concatenate3A : vector<2000x16xf32> to vector<1x2000x16xf32>
    tpu.vector_store %arg9[%swap3A, %swap3A_37, %swap3A_38], %swap3A_41 {strides = array<i32>} : memref<8x2000x16xf32, #tpu.memory_space<vmem>>, vector<1x2000x16xf32>,
    %slice3A_42 = vector.extract_strided_slice %add3A_22 {offsets = [0, 8], sizes = [2000, 8], strides = [1, 1]} : vector<2000x64xf32> to vector<2000x8xf32>
    %slice3A_43 = vector.extract_strided_slice %dot_general3A_27 {offsets = [0, 1], sizes = [2000, 1], strides = [1, 1]} : vector<2000x8xf32> to vector<2000x1xf32>
    %concatenate3A_44 = tpu.concatenate %slice3A_42, %slice3A_43, %broadcast_in_dim3A_33 in 1 : vector<2000x8xf32>, vector<2000x1xf32>, vector<2000x7xf32> -> vector<2000x16xf32>
    %swap3A_45 = arith.constant 1 : index
    %swap3A_46 = arith.constant 0 : index
    %swap3A_47 = arith.constant 0 : index
    %swap3A_48 = vector.load %arg9[%swap3A_45, %swap3A_46, %swap3A_47] : memref<8x2000x16xf32, #tpu.memory_space<vmem>>, vector<1x2000x16xf32>
    %swap3A_49 = vector.shape_cast %swap3A_48 : vector<1x2000x16xf32> to vector<2000x16xf32>
    %swap3A_50 = vector.shape_cast %concatenate3A_44 : vector<2000x16xf32> to vector<1x2000x16xf32>
    tpu.vector_store %arg9[%swap3A_45, %swap3A_46, %swap3A_47], %swap3A_50 {strides = array<i32>} : memref<8x2000x16xf32, #tpu.memory_space<vmem>>, vector<1x2000x16xf32>,
    %slice3A_51 = vector.extract_strided_slice %add3A_22 {offsets = [0, 16], sizes = [2000, 8], strides = [1, 1]} : vector<2000x64xf32> to vector<2000x8xf32>
    %slice3A_52 = vector.extract_strided_slice %dot_general3A_27 {offsets = [0, 2], sizes = [2000, 1], strides = [1, 1]} : vector<2000x8xf32> to vector<2000x1xf32>
    %concatenate3A_53 = tpu.concatenate %slice3A_51, %slice3A_52, %broadcast_in_dim3A_33 in 1 : vector<2000x8xf32>, vector<2000x1xf32>, vector<2000x7xf32> -> vector<2000x16xf32>
    %swap3A_54 = arith.constant 2 : index
    %swap3A_55 = arith.constant 0 : index
    %swap3A_56 = arith.constant 0 : index
    %swap3A_57 = vector.load %arg9[%swap3A_54, %swap3A_55, %swap3A_56] : memref<8x2000x16xf32, #tpu.memory_space<vmem>>, vector<1x2000x16xf32>
    %swap3A_58 = vector.shape_cast %swap3A_57 : vector<1x2000x16xf32> to vector<2000x16xf32>
    %swap3A_59 = vector.shape_cast %concatenate3A_53 : vector<2000x16xf32> to vector<1x2000x16xf32>
    tpu.vector_store %arg9[%swap3A_54, %swap3A_55, %swap3A_56], %swap3A_59 {strides = array<i32>} : memref<8x2000x16xf32, #tpu.memory_space<vmem>>, vector<1x2000x16xf32>,
    %slice3A_60 = vector.extract_strided_slice %add3A_22 {offsets = [0, 24], sizes = [2000, 8], strides = [1, 1]} : vector<2000x64xf32> to vector<2000x8xf32>
    %slice3A_61 = vector.extract_strided_slice %dot_general3A_27 {offsets = [0, 3], sizes = [2000, 1], strides = [1, 1]} : vector<2000x8xf32> to vector<2000x1xf32>
    %concatenate3A_62 = tpu.concatenate %slice3A_60, %slice3A_61, %broadcast_in_dim3A_33 in 1 : vector<2000x8xf32>, vector<2000x1xf32>, vector<2000x7xf32> -> vector<2000x16xf32>
    %swap3A_63 = arith.constant 3 : index
    %swap3A_64 = arith.constant 0 : index
    %swap3A_65 = arith.constant 0 : index
    %swap3A_66 = vector.load %arg9[%swap3A_63, %swap3A_64, %swap3A_65] : memref<8x2000x16xf32, #tpu.memory_space<vmem>>, vector<1x2000x16xf32>
    %swap3A_67 = vector.shape_cast %swap3A_66 : vector<1x2000x16xf32> to vector<2000x16xf32>
    %swap3A_68 = vector.shape_cast %concatenate3A_62 : vector<2000x16xf32> to vector<1x2000x16xf32>
    tpu.vector_store %arg9[%swap3A_63, %swap3A_64, %swap3A_65], %swap3A_68 {strides = array<i32>} : memref<8x2000x16xf32, #tpu.memory_space<vmem>>, vector<1x2000x16xf32>,
    %slice3A_69 = vector.extract_strided_slice %add3A_22 {offsets = [0, 32], sizes = [2000, 8], strides = [1, 1]} : vector<2000x64xf32> to vector<2000x8xf32>
    %slice3A_70 = vector.extract_strided_slice %dot_general3A_27 {offsets = [0, 4], sizes = [2000, 1], strides = [1, 1]} : vector<2000x8xf32> to vector<2000x1xf32>
    %concatenate3A_71 = tpu.concatenate %slice3A_69, %slice3A_70, %broadcast_in_dim3A_33 in 1 : vector<2000x8xf32>, vector<2000x1xf32>, vector<2000x7xf32> -> vector<2000x16xf32>
    %swap3A_72 = arith.constant 4 : index
    %swap3A_73 = arith.constant 0 : index
    %swap3A_74 = arith.constant 0 : index
    %swap3A_75 = vector.load %arg9[%swap3A_72, %swap3A_73, %swap3A_74] : memref<8x2000x16xf32, #tpu.memory_space<vmem>>, vector<1x2000x16xf32>
    %swap3A_76 = vector.shape_cast %swap3A_75 : vector<1x2000x16xf32> to vector<2000x16xf32>
    %swap3A_77 = vector.shape_cast %concatenate3A_71 : vector<2000x16xf32> to vector<1x2000x16xf32>
    tpu.vector_store %arg9[%swap3A_72, %swap3A_73, %swap3A_74], %swap3A_77 {strides = array<i32>} : memref<8x2000x16xf32, #tpu.memory_space<vmem>>, vector<1x2000x16xf32>,
    %slice3A_78 = vector.extract_strided_slice %add3A_22 {offsets = [0, 40], sizes = [2000, 8], strides = [1, 1]} : vector<2000x64xf32> to vector<2000x8xf32>
    %slice3A_79 = vector.extract_strided_slice %dot_general3A_27 {offsets = [0, 5], sizes = [2000, 1], strides = [1, 1]} : vector<2000x8xf32> to vector<2000x1xf32>
    %concatenate3A_80 = tpu.concatenate %slice3A_78, %slice3A_79, %broadcast_in_dim3A_33 in 1 : vector<2000x8xf32>, vector<2000x1xf32>, vector<2000x7xf32> -> vector<2000x16xf32>
    %swap3A_81 = arith.constant 5 : index
    %swap3A_82 = arith.constant 0 : index
    %swap3A_83 = arith.constant 0 : index
    %swap3A_84 = vector.load %arg9[%swap3A_81, %swap3A_82, %swap3A_83] : memref<8x2000x16xf32, #tpu.memory_space<vmem>>, vector<1x2000x16xf32>
    %swap3A_85 = vector.shape_cast %swap3A_84 : vector<1x2000x16xf32> to vector<2000x16xf32>
    %swap3A_86 = vector.shape_cast %concatenate3A_80 : vector<2000x16xf32> to vector<1x2000x16xf32>
    tpu.vector_store %arg9[%swap3A_81, %swap3A_82, %swap3A_83], %swap3A_86 {strides = array<i32>} : memref<8x2000x16xf32, #tpu.memory_space<vmem>>, vector<1x2000x16xf32>,
    %slice3A_87 = vector.extract_strided_slice %add3A_22 {offsets = [0, 48], sizes = [2000, 8], strides = [1, 1]} : vector<2000x64xf32> to vector<2000x8xf32>
    %slice3A_88 = vector.extract_strided_slice %dot_general3A_27 {offsets = [0, 6], sizes = [2000, 1], strides = [1, 1]} : vector<2000x8xf32> to vector<2000x1xf32>
    %concatenate3A_89 = tpu.concatenate %slice3A_87, %slice3A_88, %broadcast_in_dim3A_33 in 1 : vector<2000x8xf32>, vector<2000x1xf32>, vector<2000x7xf32> -> vector<2000x16xf32>
    %swap3A_90 = arith.constant 6 : index
    %swap3A_91 = arith.constant 0 : index
    %swap3A_92 = arith.constant 0 : index
    %swap3A_93 = vector.load %arg9[%swap3A_90, %swap3A_91, %swap3A_92] : memref<8x2000x16xf32, #tpu.memory_space<vmem>>, vector<1x2000x16xf32>
    %swap3A_94 = vector.shape_cast %swap3A_93 : vector<1x2000x16xf32> to vector<2000x16xf32>
    %swap3A_95 = vector.shape_cast %concatenate3A_89 : vector<2000x16xf32> to vector<1x2000x16xf32>
    tpu.vector_store %arg9[%swap3A_90, %swap3A_91, %swap3A_92], %swap3A_95 {strides = array<i32>} : memref<8x2000x16xf32, #tpu.memory_space<vmem>>, vector<1x2000x16xf32>,
    %slice3A_96 = vector.extract_strided_slice %add3A_22 {offsets = [0, 56], sizes = [2000, 8], strides = [1, 1]} : vector<2000x64xf32> to vector<2000x8xf32>
    %slice3A_97 = vector.extract_strided_slice %dot_general3A_27 {offsets = [0, 7], sizes = [2000, 1], strides = [1, 1]} : vector<2000x8xf32> to vector<2000x1xf32>
    %concatenate3A_98 = tpu.concatenate %slice3A_96, %slice3A_97, %broadcast_in_dim3A_33 in 1 : vector<2000x8xf32>, vector<2000x1xf32>, vector<2000x7xf32> -> vector<2000x16xf32>
    %swap3A_99 = arith.constant 7 : index
    %swap3A_100 = arith.constant 0 : index
    %swap3A_101 = arith.constant 0 : index
    %swap3A_102 = vector.load %arg9[%swap3A_99, %swap3A_100, %swap3A_101] : memref<8x2000x16xf32, #tpu.memory_space<vmem>>, vector<1x2000x16xf32>
    %swap3A_103 = vector.shape_cast %swap3A_102 : vector<1x2000x16xf32> to vector<2000x16xf32>
    %swap3A_104 = vector.shape_cast %concatenate3A_98 : vector<2000x16xf32> to vector<1x2000x16xf32>
    tpu.vector_store %arg9[%swap3A_99, %swap3A_100, %swap3A_101], %swap3A_104 {strides = array<i32>} : memref<8x2000x16xf32, #tpu.memory_space<vmem>>, vector<1x2000x16xf32>,
    %concatenate3A_105 = tpu.concatenate %dot_general3A_32, %broadcast_in_dim3A_35 in 1 : vector<2000x8xf32>, vector<2000x8xf32> -> vector<2000x16xf32>
    %swap3A_106 = arith.constant 0 : index
    %swap3A_107 = arith.constant 0 : index
    %swap3A_108 = vector.load %arg10[%swap3A_106, %swap3A_107] : memref<2000x16xf32, #tpu.memory_space<vmem>>, vector<2000x16xf32>
    tpu.vector_store %arg10[%swap3A_106, %swap3A_107], %concatenate3A_105 {strides = array<i32>} : memref<2000x16xf32, #tpu.memory_space<vmem>>, vector<2000x16xf32>,
    return
  }
  func.func @transform_0(%arg0: i32) -> (i32, i32) {
    %c0_i32 = arith.constant 0 : i32
    %c0_i32_0 = arith.constant 0 : i32
    return %arg0, %c0_i32 : i32, i32
  }
  func.func @transform_1(%arg0: i32) -> (i32, i32) {
    %c0_i32 = arith.constant 0 : i32
    %c0_i32_0 = arith.constant 0 : i32
    return %arg0, %c0_i32 : i32, i32
  }
  func.func @transform_2(%arg0: i32) -> (i32, i32) {
    %c0_i32 = arith.constant 0 : i32
    %c0_i32_0 = arith.constant 0 : i32
    %c0_i32_1 = arith.constant 0 : i32
    return %c0_i32, %c0_i32_0 : i32, i32
  }
  func.func @transform_3(%arg0: i32) -> (i32, i32) {
    %c0_i32 = arith.constant 0 : i32
    %c0_i32_0 = arith.constant 0 : i32
    %c0_i32_1 = arith.constant 0 : i32
    return %c0_i32, %c0_i32_0 : i32, i32
  }
  func.func @transform_4(%arg0: i32) -> (i32, i32) {
    %c0_i32 = arith.constant 0 : i32
    %c0_i32_0 = arith.constant 0 : i32
    %c0_i32_1 = arith.constant 0 : i32
    return %c0_i32, %c0_i32_0 : i32, i32
  }
  func.func @transform_5(%arg0: i32) -> (i32, i32) {
    %c0_i32 = arith.constant 0 : i32
    %c0_i32_0 = arith.constant 0 : i32
    %c0_i32_1 = arith.constant 0 : i32
    return %c0_i32, %c0_i32_0 : i32, i32
  }
  func.func @transform_6(%arg0: i32) -> (i32, i32) {
    %c0_i32 = arith.constant 0 : i32
    %c0_i32_0 = arith.constant 0 : i32
    %c0_i32_1 = arith.constant 0 : i32
    return %c0_i32, %c0_i32_0 : i32, i32
  }
  func.func @transform_7(%arg0: i32) -> (i32, i32) {
    %c0_i32 = arith.constant 0 : i32
    %c0_i32_0 = arith.constant 0 : i32
    %c0_i32_1 = arith.constant 0 : i32
    return %c0_i32, %c0_i32_0 : i32, i32
  }
  func.func @transform_8(%arg0: i32) -> (i32, i32, i32) {
    %c0_i32 = arith.constant 0 : i32
    %c0_i32_0 = arith.constant 0 : i32
    %c0_i32_1 = arith.constant 0 : i32
    return %c0_i32, %arg0, %c0_i32_0 : i32, i32, i32
  }
  func.func @transform_9(%arg0: i32) -> (i32, i32) {
    %c0_i32 = arith.constant 0 : i32
    %c0_i32_0 = arith.constant 0 : i32
    return %arg0, %c0_i32 : i32, i32
  }
}

module attributes {stable_mosaic.version = 14 : i64} {
  func.func @_final_body(%arg0: i32, %arg1: memref<2000x16xf32, #tpu.memory_space<vmem>>, %arg2: memref<2000x16xf32, #tpu.memory_space<vmem>>, %arg3: memref<2000x16xf32, #tpu.memory_space<vmem>>, %arg4: memref<2000x16xf32, #tpu.memory_space<vmem>>, %arg5: memref<2000x16xf32, #tpu.memory_space<vmem>>, %arg6: memref<2000x16xf32, #tpu.memory_space<vmem>>, %arg7: memref<2000x16xf32, #tpu.memory_space<vmem>>, %arg8: memref<2000x16xf32, #tpu.memory_space<vmem>>, %arg9: memref<64x8xf32, #tpu.memory_space<vmem>>, %arg10: memref<1x8xf32, #tpu.memory_space<vmem>>, %arg11: memref<8x64xf32, #tpu.memory_space<vmem>>, %arg12: memref<2000x8xf32, #tpu.memory_space<vmem>>) attributes {dimension_semantics = [#tpu.dimension_semantics<arbitrary>], iteration_bounds = array<i64: 25>, scalar_prefetch = 0 : i64, scratch_operands = 0 : i64, tpu.core_type = #tpu.core_type<tc>, window_params = [{transform_indices = @transform_0, window_bounds = array<i64: 2000, 16>}, {transform_indices = @transform_1, window_bounds = array<i64: 2000, 16>}, {transform_indices = @transform_2, window_bounds = array<i64: 2000, 16>}, {transform_indices = @transform_3, window_bounds = array<i64: 2000, 16>}, {transform_indices = @transform_4, window_bounds = array<i64: 2000, 16>}, {transform_indices = @transform_5, window_bounds = array<i64: 2000, 16>}, {transform_indices = @transform_6, window_bounds = array<i64: 2000, 16>}, {transform_indices = @transform_7, window_bounds = array<i64: 2000, 16>}, {pipeline_mode = #tpu.pipeline_mode<synchronous>, transform_indices = @transform_8, window_bounds = array<i64: 64, 8>}, {pipeline_mode = #tpu.pipeline_mode<synchronous>, transform_indices = @transform_9, window_bounds = array<i64: 1, 8>}, {pipeline_mode = #tpu.pipeline_mode<synchronous>, transform_indices = @transform_10, window_bounds = array<i64: 8, 64>}, {transform_indices = @transform_11, window_bounds = array<i64: 2000, 8>}]} {
    %get3A = arith.constant 0 : index
    %get3A_0 = arith.constant 0 : index
    %get3A_1 = vector.load %arg1[%get3A, %get3A_0] : memref<2000x16xf32, #tpu.memory_space<vmem>>, vector<2000x16xf32>
    %get3A_2 = arith.constant 0 : index
    %get3A_3 = arith.constant 0 : index
    %get3A_4 = vector.load %arg2[%get3A_2, %get3A_3] : memref<2000x16xf32, #tpu.memory_space<vmem>>, vector<2000x16xf32>
    %get3A_5 = arith.constant 0 : index
    %get3A_6 = arith.constant 0 : index
    %get3A_7 = vector.load %arg3[%get3A_5, %get3A_6] : memref<2000x16xf32, #tpu.memory_space<vmem>>, vector<2000x16xf32>
    %get3A_8 = arith.constant 0 : index
    %get3A_9 = arith.constant 0 : index
    %get3A_10 = vector.load %arg4[%get3A_8, %get3A_9] : memref<2000x16xf32, #tpu.memory_space<vmem>>, vector<2000x16xf32>
    %get3A_11 = arith.constant 0 : index
    %get3A_12 = arith.constant 0 : index
    %get3A_13 = vector.load %arg5[%get3A_11, %get3A_12] : memref<2000x16xf32, #tpu.memory_space<vmem>>, vector<2000x16xf32>
    %get3A_14 = arith.constant 0 : index
    %get3A_15 = arith.constant 0 : index
    %get3A_16 = vector.load %arg6[%get3A_14, %get3A_15] : memref<2000x16xf32, #tpu.memory_space<vmem>>, vector<2000x16xf32>
    %get3A_17 = arith.constant 0 : index
    %get3A_18 = arith.constant 0 : index
    %get3A_19 = vector.load %arg7[%get3A_17, %get3A_18] : memref<2000x16xf32, #tpu.memory_space<vmem>>, vector<2000x16xf32>
    %get3A_20 = arith.constant 0 : index
    %get3A_21 = arith.constant 0 : index
    %get3A_22 = vector.load %arg8[%get3A_20, %get3A_21] : memref<2000x16xf32, #tpu.memory_space<vmem>>, vector<2000x16xf32>
    %slice3A = vector.extract_strided_slice %get3A_1 {offsets = [0, 0], sizes = [2000, 8], strides = [1, 1]} : vector<2000x16xf32> to vector<2000x8xf32>
    %slice3A_23 = vector.extract_strided_slice %get3A_4 {offsets = [0, 0], sizes = [2000, 8], strides = [1, 1]} : vector<2000x16xf32> to vector<2000x8xf32>
    %slice3A_24 = vector.extract_strided_slice %get3A_7 {offsets = [0, 0], sizes = [2000, 8], strides = [1, 1]} : vector<2000x16xf32> to vector<2000x8xf32>
    %slice3A_25 = vector.extract_strided_slice %get3A_10 {offsets = [0, 0], sizes = [2000, 8], strides = [1, 1]} : vector<2000x16xf32> to vector<2000x8xf32>
    %slice3A_26 = vector.extract_strided_slice %get3A_13 {offsets = [0, 0], sizes = [2000, 8], strides = [1, 1]} : vector<2000x16xf32> to vector<2000x8xf32>
    %slice3A_27 = vector.extract_strided_slice %get3A_16 {offsets = [0, 0], sizes = [2000, 8], strides = [1, 1]} : vector<2000x16xf32> to vector<2000x8xf32>
    %slice3A_28 = vector.extract_strided_slice %get3A_19 {offsets = [0, 0], sizes = [2000, 8], strides = [1, 1]} : vector<2000x16xf32> to vector<2000x8xf32>
    %slice3A_29 = vector.extract_strided_slice %get3A_22 {offsets = [0, 0], sizes = [2000, 8], strides = [1, 1]} : vector<2000x16xf32> to vector<2000x8xf32>
    %concatenate3A = tpu.concatenate %slice3A, %slice3A_23, %slice3A_24, %slice3A_25, %slice3A_26, %slice3A_27, %slice3A_28, %slice3A_29 in 1 : vector<2000x8xf32>, vector<2000x8xf32>, vector<2000x8xf32>, vector<2000x8xf32>, vector<2000x8xf32>, vector<2000x8xf32>, vector<2000x8xf32>, vector<2000x8xf32> -> vector<2000x64xf32>
    %slice3A_30 = vector.extract_strided_slice %get3A_1 {offsets = [0, 8], sizes = [2000, 1], strides = [1, 1]} : vector<2000x16xf32> to vector<2000x1xf32>
    %slice3A_31 = vector.extract_strided_slice %get3A_4 {offsets = [0, 8], sizes = [2000, 1], strides = [1, 1]} : vector<2000x16xf32> to vector<2000x1xf32>
    %slice3A_32 = vector.extract_strided_slice %get3A_7 {offsets = [0, 8], sizes = [2000, 1], strides = [1, 1]} : vector<2000x16xf32> to vector<2000x1xf32>
    %slice3A_33 = vector.extract_strided_slice %get3A_10 {offsets = [0, 8], sizes = [2000, 1], strides = [1, 1]} : vector<2000x16xf32> to vector<2000x1xf32>
    %slice3A_34 = vector.extract_strided_slice %get3A_13 {offsets = [0, 8], sizes = [2000, 1], strides = [1, 1]} : vector<2000x16xf32> to vector<2000x1xf32>
    %slice3A_35 = vector.extract_strided_slice %get3A_16 {offsets = [0, 8], sizes = [2000, 1], strides = [1, 1]} : vector<2000x16xf32> to vector<2000x1xf32>
    %slice3A_36 = vector.extract_strided_slice %get3A_19 {offsets = [0, 8], sizes = [2000, 1], strides = [1, 1]} : vector<2000x16xf32> to vector<2000x1xf32>
    %slice3A_37 = vector.extract_strided_slice %get3A_22 {offsets = [0, 8], sizes = [2000, 1], strides = [1, 1]} : vector<2000x16xf32> to vector<2000x1xf32>
    %concatenate3A_38 = tpu.concatenate %slice3A_30, %slice3A_31, %slice3A_32, %slice3A_33, %slice3A_34, %slice3A_35, %slice3A_36, %slice3A_37 in 1 : vector<2000x1xf32>, vector<2000x1xf32>, vector<2000x1xf32>, vector<2000x1xf32>, vector<2000x1xf32>, vector<2000x1xf32>, vector<2000x1xf32>, vector<2000x1xf32> -> vector<2000x8xf32>
    %add3A = arith.constant 1.000000e-16 : f32
    %add3A_39 = vector.broadcast %add3A : f32 to vector<2000x8xf32>
    %add3A_40 = arith.addf %concatenate3A_38, %add3A_39 : vector<2000x8xf32>
    %div3A = arith.constant 1.000000e+00 : f32
    %div3A_41 = vector.broadcast %div3A : f32 to vector<2000x8xf32>
    %div3A_42 = arith.divf %div3A_41, %add3A_40 : vector<2000x8xf32>
    %get3A_43 = arith.constant 0 : index
    %get3A_44 = arith.constant 0 : index
    %get3A_45 = vector.load %arg11[%get3A_43, %get3A_44] : memref<8x64xf32, #tpu.memory_space<vmem>>, vector<8x64xf32>
    %dot_general3A = arith.constant dense<0.000000e+00> : vector<2000x64xf32>
    %dot_general3A_46 = tpu.matmul %div3A_42, %get3A_45, %dot_general3A {dimension_numbers = #tpu.dot_dimension_numbers<[1], [0], [0], [1], [0, 0, 1, 1], [], []>, transpose_lhs_hint = false} : vector<2000x8xf32>, vector<8x64xf32>, vector<2000x64xf32> -> vector<2000x64xf32>
    %mul3A = arith.mulf %concatenate3A, %dot_general3A_46 : vector<2000x64xf32>
    %max3A = arith.constant 0.000000e+00 : f32
    %max3A_47 = vector.broadcast %max3A : f32 to vector<2000x64xf32>
    %max3A_48 = arith.maximumf %mul3A, %max3A_47 : vector<2000x64xf32>
    %get3A_49 = arith.constant 0 : index
    %get3A_50 = arith.constant 0 : index
    %get3A_51 = vector.load %arg9[%get3A_49, %get3A_50] : memref<64x8xf32, #tpu.memory_space<vmem>>, vector<64x8xf32>
    %dot_general3A_52 = arith.constant dense<0.000000e+00> : vector<2000x8xf32>
    %dot_general3A_53 = tpu.matmul %max3A_48, %get3A_51, %dot_general3A_52 {dimension_numbers = #tpu.dot_dimension_numbers<[1], [0], [0], [1], [0, 0, 1, 1], [], []>, transpose_lhs_hint = false} : vector<2000x64xf32>, vector<64x8xf32>, vector<2000x8xf32> -> vector<2000x8xf32>
    %get3A_54 = arith.constant 0 : index
    %get3A_55 = arith.constant 0 : index
    %get3A_56 = vector.load %arg10[%get3A_54, %get3A_55] : memref<1x8xf32, #tpu.memory_space<vmem>>, vector<1x8xf32>
    %add3A_57 = vector.broadcast %get3A_56 : vector<1x8xf32> to vector<2000x8xf32>
    %add3A_58 = arith.addf %dot_general3A_53, %add3A_57 : vector<2000x8xf32>
    %swap3A = arith.constant 0 : index
    %swap3A_59 = arith.constant 0 : index
    %swap3A_60 = vector.load %arg12[%swap3A, %swap3A_59] : memref<2000x8xf32, #tpu.memory_space<vmem>>, vector<2000x8xf32>
    tpu.vector_store %arg12[%swap3A, %swap3A_59], %add3A_58 {strides = array<i32>} : memref<2000x8xf32, #tpu.memory_space<vmem>>, vector<2000x8xf32>,
    return
  }
  func.func @transform_0(%arg0: i32) -> (i32, i32) {
    %c0_i32 = arith.constant 0 : i32
    %c0_i32_0 = arith.constant 0 : i32
    return %arg0, %c0_i32 : i32, i32
  }
  func.func @transform_1(%arg0: i32) -> (i32, i32) {
    %c0_i32 = arith.constant 0 : i32
    %c0_i32_0 = arith.constant 0 : i32
    return %arg0, %c0_i32 : i32, i32
  }
  func.func @transform_2(%arg0: i32) -> (i32, i32) {
    %c0_i32 = arith.constant 0 : i32
    %c0_i32_0 = arith.constant 0 : i32
    return %arg0, %c0_i32 : i32, i32
  }
  func.func @transform_3(%arg0: i32) -> (i32, i32) {
    %c0_i32 = arith.constant 0 : i32
    %c0_i32_0 = arith.constant 0 : i32
    return %arg0, %c0_i32 : i32, i32
  }
  func.func @transform_4(%arg0: i32) -> (i32, i32) {
    %c0_i32 = arith.constant 0 : i32
    %c0_i32_0 = arith.constant 0 : i32
    return %arg0, %c0_i32 : i32, i32
  }
  func.func @transform_5(%arg0: i32) -> (i32, i32) {
    %c0_i32 = arith.constant 0 : i32
    %c0_i32_0 = arith.constant 0 : i32
    return %arg0, %c0_i32 : i32, i32
  }
  func.func @transform_6(%arg0: i32) -> (i32, i32) {
    %c0_i32 = arith.constant 0 : i32
    %c0_i32_0 = arith.constant 0 : i32
    return %arg0, %c0_i32 : i32, i32
  }
  func.func @transform_7(%arg0: i32) -> (i32, i32) {
    %c0_i32 = arith.constant 0 : i32
    %c0_i32_0 = arith.constant 0 : i32
    return %arg0, %c0_i32 : i32, i32
  }
  func.func @transform_8(%arg0: i32) -> (i32, i32) {
    %c0_i32 = arith.constant 0 : i32
    %c0_i32_0 = arith.constant 0 : i32
    %c0_i32_1 = arith.constant 0 : i32
    return %c0_i32, %c0_i32_0 : i32, i32
  }
  func.func @transform_9(%arg0: i32) -> (i32, i32) {
    %c0_i32 = arith.constant 0 : i32
    %c0_i32_0 = arith.constant 0 : i32
    %c0_i32_1 = arith.constant 0 : i32
    return %c0_i32, %c0_i32_0 : i32, i32
  }
  func.func @transform_10(%arg0: i32) -> (i32, i32) {
    %c0_i32 = arith.constant 0 : i32
    %c0_i32_0 = arith.constant 0 : i32
    %c0_i32_1 = arith.constant 0 : i32
    return %c0_i32, %c0_i32_0 : i32, i32
  }
  func.func @transform_11(%arg0: i32) -> (i32, i32) {
    %c0_i32 = arith.constant 0 : i32
    %c0_i32_0 = arith.constant 0 : i32
    return %arg0, %c0_i32 : i32, i32
  }
}

</mosaic_0001>

<sc_bundles>
// kernel: kernel.11.cloned.1.call-start
scs
__scs_entry_jumppad:
0x0: {  	(pc) =	sbr.rel $0x88, $3  }
0x1: {  	(tag) =	ssettag $0x0;
	lr =	simm.s32 $0x1  }
0x2: {  	[smem:$0x3F96] =	sst lr;
	_ =	strace $0xD0000000  }
0x3: {  	_ = 	snop  }
0x4: {  	_ = 	snop  }
0x5: {  	_ = 	snop  }
0x6: {  	_ = 	snop  }
0x7: {  	_ = 	snop  }
__scs_overlays_trampoline_lowered:
0x8: {  	[smem:$0x3FA5] =	sst s0  }
0x9: {  	[smem:$0x3FA6] =	sst s1  }
0xa: {  	[smem:$0x3FA7] =	sst s2  }
0xb: {  	[smem:$0x3FA8] =	sst s3  }
0xc: {  	[smem:$0x3FA9] =	sst s4  }
0xd: {  	[smem:$0x3FAA] =	sst s5  }
0xe: {  	[smem:$0x3FAB] =	sst s6  }
0xf: {  	[smem:$0x3FAC] =	sst s7  }
0x10: {  	[smem:$0x3FAD] =	sst s8  }
0x11: {  	[smem:$0x3FAE] =	sst s9;
	s0 =	simm.s32 @!p0 $0x0  }
0x12: {  	s1 =	sld [smem:$0x3F94];
	s0 =	simm.s32 @p0 $0x1  }
0x13: {  	[smem:$0x3FAF] =	sst s0;
	s0 =	simm.s32 @!p1 $0x0  }
0x14: {  	s2 =	sld [smem:$0x3F93];
	s0 =	simm.s32 @p1 $0x1  }
0x15: {  	[smem:$0x3FB0] =	sst s0;
	s0 =	simm.s32 @!p2 $0x0  }
0x16: {  	s3 =	sld [smem:$0x3FDB];
	s0 =	simm.s32 @p2 $0x1  }
0x17: {  	s4 =	simm.s32 $0x1BF5;
	[smem:$0x3FB2] =	sst s0  }
0x18: {  	s0 =	sld [smem:$0x3F95];
	_ =	swait.ge [sflag:s4], $0x0  }
0x19: {  	s7 =	sld [smem:$0x3F96]  }
0x1a: {  	s8 =	sadd.s32 $0xFFFFE003, lr  }
0x1b: {  	s9 =	sadd.s32 $0xFFFFFEF7, lr;
	s5 =	simm.s32 $0xFFFFFFFF;
	p2 =	slt.u32 s8, $0xFFFFF086  }
0x1c: {  	p1 =	slt.u32 s9, $0xF7A;
	s5 =	simm.s32 @!p2 $0x0  }
0x1d: {  	s5 =	simm.s32 @p1 $0x1;
	p0 =	seq.s32 s7, s2  }
0x1e: {  	s7 =	smul.u32 @!p0 $0xF7A, s2;
	p2 =	seq.s32 @!p0 s5, $0x0  }
0x1f: {  	s9 =	smul.u32 $0xF7A, s1;
	s8 =	simm.s32 @!p0 $0x1BF5;
	p2 =	por !p2, p0  }
0x20: {  	[sflag:s8] =	ssyncset.s32 @!p0 $0xFFFFF086;
	s6 =	sadd.s32 @!p0 s3, s7;
	s7 =	simm.s32 @!p0 $0x108  }
0x21: {  	s3 =	sadd.s32 s3, s9;
	s6 =	sadd.s32 @!p0 $0x88, s6;
	s7 =	simm.s32 @p2 $0x1082  }
0x22: {  	[simem:s7], [sflag:s8] =	dma.local @!p0 [hbm:s6], $0xF7A  }
0x23: {  	s9 =	sor.u32 $0xD0000000, s2;
	s6 =	simm.s32 $0x108;
	_ =	swait.ge @!p0 [sflag:s8], $0x0  }
0x24: {  	s3 =	sadd.s32 $0x88, s3;
	s6 =	simm.s32 @!p1 $0x1082;
	[sflag:s4] =	ssyncset.s32 $0xFFFFF086  }
0x25: {  	[simem:s6], [sflag:s4] =	dma.local [hbm:s3], $0xF7A  }
0x26: {  	[smem:$0x3F96] =	sst s1;
	(tag) =	ssettag s2;
	_ =	strace s9  }
0x27: {  	s1 =	sld [smem:$0x3FA6]  }
0x28: {  	s2 =	sld [smem:$0x3FA7]  }
0x29: {  	s4 =	sld [smem:$0x3FA9]  }
0x2a: {  	p0 =	seq.s32 s5, $0x0;
	s5 =	sld [smem:$0x3FAA]  }
0x2b: {  	s6 =	sld [smem:$0x3FAB]  }
0x2c: {  	s7 =	sld [smem:$0x3FAC]  }
0x2d: {  	s3 =	simm.s32 $0x108;
	s8 =	sld [smem:$0x3FAD]  }
0x2e: {  	s3 =	simm.s32 @!p0 $0x1082;
	s9 =	sld [smem:$0x3FAE]  }
0x2f: {  	lr =	sadd.s32 s0, s3;
	s0 =	sld [smem:$0x3FA5]  }
0x30: {  	s3 =	sld [smem:$0x3FA8]  }
0x31: {  	[smem:$0x3FB1] =	sst s10  }
0x32: {  	s10 =	sld [smem:$0x3FAF];
	_ =	sdelay $0x3  }
0x33: {  	p0 =	seq.s32 s10, $0x1;
	s10 =	sld [smem:$0x3FB1];
	_ =	sdelay $0x3  }
0x34: {  	[smem:$0x3FB1] =	sst s10  }
0x35: {  	s10 =	sld [smem:$0x3FB0];
	_ =	sdelay $0x3  }
0x36: {  	p1 =	seq.s32 s10, $0x1;
	s10 =	sld [smem:$0x3FB1];
	_ =	sdelay $0x3  }
0x37: {  	[smem:$0x3FB1] =	sst s10  }
0x38: {  	s10 =	sld [smem:$0x3FB2]  }
0x39: {  	_ = 	snop;
	(pc) =	sbr.ind lr, $3  }
0x3a: {  	_ = 	snop  }
0x3b: {  	_ = 	snop  }
0x3c: {  	p2 =	seq.s32 s10, $0x1;
	s10 =	sld [smem:$0x3FB1]  }
0x3d: {  	_ =	shalt  }
0x3e: {  	_ =	shalt  }
0x3f: {  	_ =	shalt  }
0x40: {  	_ =	shalt  }
0x41: {  	_ =	shalt  }
0x42: {  	_ =	shalt  }
0x43: {  	_ =	shalt  }
0x44: {  	_ =	shalt  }
0x45: {  	_ =	shalt  }
0x46: {  	_ =	shalt  }
0x47: {  	_ =	shalt  }
0x48: {  	_ =	shalt  }
0x49: {  	_ =	shalt  }
0x4a: {  	_ =	shalt  }
0x4b: {  	_ =	shalt  }
0x4c: {  	_ =	shalt  }
0x4d: {  	_ =	shalt  }
0x4e: {  	_ =	shalt  }
0x4f: {  	_ =	shalt  }
0x50: {  	_ =	shalt  }
0x51: {  	_ =	shalt  }
0x52: {  	_ =	shalt  }
0x53: {  	_ =	shalt  }
0x54: {  	_ =	shalt  }
0x55: {  	_ =	shalt  }
0x56: {  	_ =	shalt  }
0x57: {  	_ =	shalt  }
0x58: {  	_ =	shalt  }
0x59: {  	_ =	shalt  }
0x5a: {  	_ =	shalt  }
0x5b: {  	_ =	shalt  }
0x5c: {  	_ =	shalt  }
0x5d: {  	_ =	shalt  }
0x5e: {  	_ =	shalt  }
0x5f: {  	_ =	shalt  }
0x60: {  	_ =	shalt  }
0x61: {  	_ =	shalt  }
0x62: {  	_ =	shalt  }
0x63: {  	_ =	shalt  }
0x64: {  	_ =	shalt  }
0x65: {  	_ =	shalt  }
0x66: {  	_ =	shalt  }
0x67: {  	_ =	shalt  }
0x68: {  	_ =	shalt  }
0x69: {  	_ =	shalt  }
0x6a: {  	_ =	shalt  }
0x6b: {  	_ =	shalt  }
0x6c: {  	_ =	shalt  }
0x6d: {  	_ =	shalt  }
0x6e: {  	_ =	shalt  }
0x6f: {  	_ =	shalt  }
0x70: {  	_ =	shalt  }
0x71: {  	_ =	shalt  }
0x72: {  	_ =	shalt  }
0x73: {  	_ =	shalt  }
0x74: {  	_ =	shalt  }
0x75: {  	_ =	shalt  }
0x76: {  	_ =	shalt  }
0x77: {  	_ =	shalt  }
0x78: {  	_ =	shalt  }
0x79: {  	_ =	shalt  }
0x7a: {  	_ =	shalt  }
0x7b: {  	_ =	shalt  }
0x7c: {  	_ =	shalt  }
0x7d: {  	_ =	shalt  }
0x7e: {  	_ =	shalt  }
0x7f: {  	_ =	shalt  }
0x80: {  	_ =	shalt  }
0x81: {  	_ =	shalt  }
0x82: {  	_ =	shalt  }
0x83: {  	_ =	shalt  }
0x84: {  	_ =	shalt  }
0x85: {  	_ =	shalt  }
0x86: {  	_ =	shalt  }
0x87: {  	_ =	shalt  }
.Lfunc_end0:
.L_simem_size_0:
called_computation.1_lowered:
.L_overlay_start_0:
0x88: {  	s2 =	sld [smem:$0x3FD9]  }
0x89: {  	s3 =	sld [smem:$0x3FFE];
	_ =	sdelay $0x1  }
0x8a: {  	s1 =	srdreg.scid  }
0x8b: {  	s0 =	sand.u32 $0x1, s1  }
0x8c: {  	s17 =	sshll.u32 s0, $0xA;
	s2 =	sadd.s32 s3, s2  }
0x8d: {  	s2 =	sadd.s32 s2, s17  }
0x8e: {  	[smem:$0x3FBD] =	sst s2  }
0x8f: {  	_ = 	snop  }
0x90: {  	s18 =	sld [smem:$0x3FD0];
	(tm) =	ssettm $0x1  }
0x91: {  	s19 =	sld [smem:$0x3FFB];
	_ =	sdelay $0x3  }
0x92: {  	_ =	strace s19  }
0x93: {  	s2 =	sld [smem:$0x3FFC];
	_ =	sdelay $0x3  }
0x94: {  	_ =	strace s2  }
0x95: {  	s2 =	sld [smem:$0x3FFD];
	_ =	sdelay $0x3  }
0x96: {  	_ =	strace s2  }
0x97: {  	_ =	strace $0x8FFFFFFF  }
0x98: {  	s20 =	sld [smem:$0x3FDB];
	_ =	sdelay $0x1  }
0x99: {  	s4 =	simm.s32 $_scs_section_size  }
0x9a: {  	s5 =	simm.s32 $_size__tile_overlayer_lowered;
	s6 =	simm.s32 $_tile_overlayer_lowered  }
0x9b: {  	s7 =	simm.s32 $0x1BFF;
	s21 =	sshll.u32 s6, $0x1;
	s4 =	sadd.s32 s4, s20  }
0x9c: {  	s22 =	simm.s32 $0x0;
	s5 =	sshll.u32 s5, $0x1;
	s6 =	sadd.s32 s21, s4  }
0x9d: {  	[timem:s22], [sflag:s7] =	dma.local [hbm:s6], s5  }
0x9e: {  	_ =	swait.ge [sflag:s7], s5  }
0x9f: {  	s5 =	ssub.s32 $0x0, s5;
	[sflag:s7] =	ssyncset.done $0x0  }
0xa0: {  	[sflag:s7] =	ssyncadd.s32 s5;
	_ =	sdelay $0x1  }
0xa1: {  	s23 =	simm.s32 $0x1B8B  }
0xa2: {  	_ =	swait.ge [sflag:s23], $0x1  }
0xa3: {  	[sflag:s23] =	ssyncset.done $0x0  }
0xa4: {  	[sflag:s23] =	ssyncadd.s32 $0xFFFFFFFF  }
0xa5: {  	s5 =	sld [smem:$0x0]  }
0xa6: {  	s6 =	sand.u32 $0xFFFFFFFE, s1  }
0xa7: {  	p0 =	sne.s32 s1, s6  }
0xa8: {  	s6 =	sshll.u32 @p0 s6, $0xE  }
0xa9: {  	s6 =	sadd.s32 @p0 $0x11B8D, s6;
	s7 =	sshll.u32 @p0 s5, $0x11  }
0xaa: {  	s6 =	sor.u32 @p0 s7, s6  }
0xab: {  	[sflag:s6] =	ssyncadd.remote.s32 @p0 $0x1;
	_ =	sdelay $0x1  }
0xac: {  	s6 =	simm.s32 @p0 $0x1B8D  }
0xad: {  	_ =	swait.eq @p0 [sflag:s6], $0x1  }
0xae: {  	[sflag:s6] =	ssyncadd.s32 @p0 $0xFFFFFFFF  }
0xaf: {  	s7 =	sshll.u32 @!p0 s1, $0xE  }
0xb0: {  	s7 =	sor.u32 @!p0 $0x4000, s7;
	s6 =	simm.s32 @!p0 $0x1B8D  }
0xb1: {  	s5 =	sshll.u32 @!p0 s5, $0x11;
	s7 =	sadd.s32 @!p0 $0x11B8D, s7;
	_ =	swait.eq @!p0 [sflag:s6], $0x1  }
0xb2: {  	s5 =	sor.u32 @!p0 s5, s7;
	[sflag:s6] =	ssyncadd.s32 @!p0 $0xFFFFFFFF  }
0xb3: {  	s25 =	simm.s32 $0x1B8E;
	s24 =	sld [smem:$0x3FFE];
	[sflag:s5] =	ssyncadd.remote.s32 @!p0 $0x1  }
0xb4: {  	s26 =	simm.s32 $execute0_lowered;
	[smem:$0x3FD2] =	sst s25  }
0xb5: {  	s6 =	sshll.u32 s26, $0x1;
	_ =	strace $0x80000049;
	[dreg:$0x1] =	wrdreg $0xFFFFFFFF  }
0xb6: {  	s28 =	simm.s32 $_size_execute0_lowered;
	s4 =	sadd.s32 s4, s6;
	[dreg:$0x0] =	wrdreg $0x0  }
0xb7: {  	s6 =	sshll.u32 s28, $0x1;
	[dreg:$0x2] =	wrdreg s4  }
0xb8: {  	[dreg:$0x3] =	wrdreg s6  }
0xb9: {  	[dreg:$0x4] =	wrdreg $0xC0  }
0xba: {  	_ =	task [dreg:s22], $0x5FFFF  }
0xbb: {  	[dreg:$0x1] =	wrdreg $0xFFFFFFFF  }
0xbc: {  	[dreg:$0x0] =	wrdreg $0x60  }
0xbd: {  	[dreg:$0x2] =	wrdreg s24  }
0xbe: {  	[dreg:$0x3] =	wrdreg s18  }
0xbf: {  	[dreg:$0x4] =	wrdreg $0x1EA00  }
0xc0: {  	[dreg:$0x5] =	wrdreg $0xA  }
0xc1: {  	_ =	task.clear_ibuf [dreg:s22], $0x6FFFF;
	_ =	strace $0x90000049  }
0xc2: {  	s29 =	simm.s32 $0xA;
	_ =	strace $0x8000004B  }
0xc3: {  	_ =	swait.ge [sflag:s29], $0x1  }
0xc4: {  	[sflag:s29] =	ssyncadd.s32 $0xFFFFFFFF  }
0xc5: {  	_ =	strace $0x9000004B  }
0xc6: {  	_ =	sfence  }
0xc7: {  	s30 =	sld [smem:$0x0];
	_ =	sdelay $0x2  }
0xc8: {  	s31 =	sshll.u32 s1, $0xD;
	s1 =	sshrl.u32 s1, $0x2  }
0xc9: {  	s4 =	sand.u32 $0x4000, s31;
	s1 =	sadd.s32 s1, s30  }
0xca: {  	s0 =	sor.u32 s4, s0;
	s1 =	sshll.u32 s1, $0x11  }
0xcb: {  	s0 =	sor.u32 s1, s0  }
0xcc: {  	s0 =	sadd.s32 $0x8F2B, s0  }
0xcd: {  	[sflag:s0] =	ssyncadd.remote.s32 $0x1  }
0xce: {  	_ =	sfence.sel $0xFFFF  }
0xcf: {  	[dreg:$0x0] =	wrdreg $0xFFFFFFFF;
	(pc) =	sbr.abs _section_cstart, $3  }
0xd0: {  	[dreg:$0x1] =	wrdreg $0xFFFFFFFF  }
0xd1: {  	_ =	task.clear_ibuf [dreg:s22], $0x2FFFF;
	_ =	strace $0x9FFFFFFF  }
0xd2: {  	(tm) =	ssettm $0x7FFFFFFF  }
0xd3: {  	_ =	shalt  }
tec
execute0_lowered:
.L_overlay_start_1:
0x0: {  	(tag) =	ssettag $0x1  }
0x1: {  	s9 =	rddreg [dreg:$0x0]  }
0x2: {  	s1 =	rddreg [dreg:$0x1]  }
0x3: {  	s2 =	rddreg [dreg:$0x2];
	s12 =	srdreg.scid  }
0x4: {  	s0 =	rddreg [dreg:$0x3];
	s4 =	simm.s32 $0x0;
	s3 =	stileid.u32  }
0x5: {  	s18 =	simm.s32 $0xFA0;
	s19 =	simm.s32 $0x14A0;
	s20 =	simm.s32 $0x1  }
0x6: {  	s21 =	simm.s32 $0x2;
	s22 =	simm.s32 $0x19A0;
	s10 =	sand.u32 $0x1, s12  }
0x7: {  	[smem:$0x7FF] =	sst s4;
	s11 =	smul.u32 $0xC380, s3;
	s5 =	sadd.s32 $0x1800, s9  }
0x8: {  	s6 =	sadd.s32 $0x7C000, s9;
	s7 =	sadd.s32 $0xC5600, s9;
	s13 =	smul.u32 $0x30E00, s3  }
0x9: {  	s30 =	sshll.u32 s3, $0x6;
	s12 =	sshll.u32 s12, $0x2;
	s8 =	smul.u32 $0xC3800, s10  }
0xa: {  	_ =	strace $0x8000004A;
	s28 =	ssub.s32 $0x2, s10;
	s15 =	smul.u32 $0xC3500, s10  }
0xb: {  	s10 =	sor.u32 $0x1C03, s30;
	s31 =	sor.u32 $0x1, s12;
	s29 =	sshrl.u32 s28, $0x1  }
0xc: {  	s13 =	sshrl.u32 s13, $0x2;
	s11 =	sadd.s32 s11, s8;
	s8 =	sadd.s32 $0x188C00, s9  }
0xd: {  	s16 =	ssub.s32 s28, s29;
	s17 =	sadd.s32 s13, s2;
	s11 =	sshrl.u32 s11, $0x3  }
0xe: {  	v0 =	vmov s31;
	s13 =	smax.u32 s16, $0x1;
	s14 =	sadd.s32 s11, s9;
	s9 =	smul.u32 $0xC350, s3  }
0xf: {  	v1 =	vlaneseq.u32;
	v0 =	vand.u32 $0x5, v0;
	s16 =	simm.s32 $0x7D0;
	s12 =	sadd.s32 $0x1D2200, s14;
	s14 =	sshrl.u32 s17, $0x3  }
0x10: {  	v1 =	vmul.u32 $0x10, v1;
	v0 =	vbroadcast v0, $0x0;
	s17 =	simm.s32 $0x50;
	s11 =	sadd.s32 s15, s9;
	s15 =	simm.s32 $0x3  }
.LBB2_1:
0x11: {  	[spmem:s14], [sflag:s10] =	dma.local [hbm:s1], $0x1870  }
0x12: {  	_ =	swait.ge [sflag:s15], $0x1870  }
0x13: {  	[sflag:s15] =	ssyncset.done $0x0  }
0x14: {  	[sflag:s15] =	ssyncadd.s32 $0xFFFFE790  }
0x15: {  	s23 =	simm.s32 $0x0;
	[bflag:$0x0] =	sbarrier.arrive $0xFFFF  }
.LBB2_2:
0x16: {  	s25 =	smul.u32 $0x7D0, s23;
	_ =	sdelay $0x1  }
0x17: {  	s24 =	sadd.s32 s11, s25  }
0x18: {  	s24 =	sshrl.u32 s24, $0x3  }
0x19: {  	s26 =	sadd.s32 s5, s24;
	s24 =	simm.s32 $0x0  }
0x1a: {  	[tilespmem:s24], [sflag:$0x3] =	stream.linear.gather [hbm4b:s26+s24], $0x7D0, $0x38;
	[tilespmem:$0xE220] =	vst v63  }
0x1b: {  	s25 =	sadd.s32 s9, s25;
	_ =	swait.ge [sflag:s15], $0x7D0  }
0x1c: {  	s25 =	sshrl.u32 s25, $0x3;
	[sflag:s15] =	ssyncset.done $0x0  }
0x1d: {  	s25 =	sadd.s32 s6, s25;
	[sflag:s15] =	ssyncadd.s32 $0xFFFFF830  }
0x1e: {  	[tilespmem:s16], [sflag:$0x3] =	stream.linear.gather [hbm4b:s25+s24], $0x7D0, $0x38;
	[tilespmem:$0xE220] =	vst v63  }
0x1f: {  	_ =	swait.ge [sflag:s15], $0x7D0  }
0x20: {  	[sflag:s15] =	ssyncset.done $0x0  }
0x21: {  	s25 =	simm.s32 $0x0;
	[sflag:s15] =	ssyncadd.s32 $0xFFFFF830  }
.LBB2_3:
0x22: {  	s26 =	smul.u32 $0x50, s25;
	_ =	sdelay $0x1  }
0x23: {  	[tilespmem:s18], [sflag:$0x1] =	stream.indirect.gather [hbm4b:s7+s17], $0x10, s26, s17, $0xb8;
	[tilespmem:$0xE220] =	vst v63  }
0x24: {  	v2 =	vmov s24;
	s26 =	sadd.s32 $0x7D0, s26  }
0x25: {  	v2 =	vshll.u32 v2, $0x4;
	[tilespmem:s19], [sflag:$0x2] =	stream.indirect.gather [hbm4b:s8+s17], $0x10, s26, s17, $0xb8;
	[tilespmem:$0xE220] =	vst v63  }
0x26: {  	v2 =	vor.u32 v1, v2;
	_ =	swait.ge [sflag:s20], $0x500  }
0x27: {  	v3 =	vor.u32 $0x8, v2;
	[sflag:s20] =	ssyncset.done $0x0  }
0x28: {  	v4 =	vor.u32 v0, v2;
	[sflag:s20] =	ssyncadd.s32 $0xFFFFFB00  }
0x29: {  	_ =	swait.ge [sflag:s21], $0x500  }
0x2a: {  	[sflag:s21] =	ssyncset.done $0x0  }
0x2b: {  	[sflag:s21] =	ssyncadd.s32 $0xFFFFFB00  }
0x2c: {  	v5 =	vld.idx.msk [tilespmem:v3+s18+$0x0], $0xffff  }
0x2d: {  	v4 =	vld.idx.msk [tilespmem:v4+s19+$0x0], $0xffff;
	_ =	sdelay $0x4  }
0x2e: {  	v4 =	vadd.f32 v4, v5;
	_ =	sdelay $0x1  }
0x2f: {  	v5 =	vmul.f32 $2.000000030e-01, v4;
	_ =	sdelay $0x1  }
0x30: {  	v4 =	vmax.f32 v4, v5  }
0x31: {  	v4 =	vmul.f32 $1.442695020e+00, v4;
	_ =	sdelay $0x1  }
0x32: {  	(erf) = vpow2.f32 v4;
	_ =	sdelay $0x8  }
0x33: {  	v6 =	vpop (erf)  }
0x34: {  	[tilespmem:v3+s22+$0x0] =	vst.idx.msk $0xffff, v6  }
0x35: {  	v3 =	vld.idx.msk [tilespmem:v2+s18+$0x0], $0xffff;
	_ =	sdelay $0x2  }
0x36: {  	v4 =	vor.u32 $0x1, v2;
	_ =	sdelay $0x1  }
0x37: {  	v3 =	vmul.f32 v6, v3;
	_ =	sdelay $0x1  }
0x38: {  	[tilespmem:v2+s22+$0x0] =	vst.idx.msk $0xffff, v3  }
0x39: {  	v3 =	vld.idx.msk [tilespmem:v4+s18+$0x0], $0xffff;
	_ =	sdelay $0x2  }
0x3a: {  	v5 =	vor.u32 $0x2, v2;
	_ =	sdelay $0x1  }
0x3b: {  	v3 =	vmul.f32 v6, v3;
	_ =	sdelay $0x1  }
0x3c: {  	[tilespmem:v4+s22+$0x0] =	vst.idx.msk $0xffff, v3  }
0x3d: {  	v3 =	vld.idx.msk [tilespmem:v5+s18+$0x0], $0xffff;
	_ =	sdelay $0x2  }
0x3e: {  	v4 =	vor.u32 $0x3, v2;
	_ =	sdelay $0x1  }
0x3f: {  	v3 =	vmul.f32 v3, v6;
	_ =	sdelay $0x1  }
0x40: {  	[tilespmem:v5+s22+$0x0] =	vst.idx.msk $0xffff, v3  }
0x41: {  	v3 =	vld.idx.msk [tilespmem:v4+s18+$0x0], $0xffff;
	_ =	sdelay $0x2  }
0x42: {  	v5 =	vor.u32 $0x4, v2;
	_ =	sdelay $0x1  }
0x43: {  	v3 =	vmul.f32 v3, v6;
	_ =	sdelay $0x1  }
0x44: {  	[tilespmem:v4+s22+$0x0] =	vst.idx.msk $0xffff, v3  }
0x45: {  	v3 =	vld.idx.msk [tilespmem:v5+s18+$0x0], $0xffff;
	_ =	sdelay $0x2  }
0x46: {  	v4 =	vor.u32 $0x5, v2;
	_ =	sdelay $0x1  }
0x47: {  	v3 =	vmul.f32 v3, v6;
	_ =	sdelay $0x1  }
0x48: {  	[tilespmem:v5+s22+$0x0] =	vst.idx.msk $0xffff, v3  }
0x49: {  	v3 =	vld.idx.msk [tilespmem:v4+s18+$0x0], $0xffff;
	_ =	sdelay $0x2  }
0x4a: {  	v5 =	vor.u32 $0x6, v2;
	_ =	sdelay $0x1  }
0x4b: {  	v3 =	vmul.f32 v3, v6;
	_ =	sdelay $0x1  }
0x4c: {  	[tilespmem:v4+s22+$0x0] =	vst.idx.msk $0xffff, v3  }
0x4d: {  	v3 =	vld.idx.msk [tilespmem:v5+s18+$0x0], $0xffff;
	_ =	sdelay $0x2  }
0x4e: {  	v4 =	vor.u32 $0x7, v2;
	_ =	sdelay $0x1  }
0x4f: {  	v2 =	vmul.f32 v3, v6;
	_ =	sdelay $0x1  }
0x50: {  	s28 =	simm.s32 $0x10;
	[tilespmem:v5+s22+$0x0] =	vst.idx.msk $0xffff, v2  }
0x51: {  	v2 =	vmov s28;
	v7 =	vld.idx.msk [tilespmem:v4+s18+$0x0], $0xffff  }
0x52: {  	v2 =	vshll.u32 v2, $0x4  }
0x53: {  	v2 =	vor.u32 v1, v2  }
0x54: {  	v3 =	vor.u32 $0x8, v2  }
0x55: {  	v5 =	vor.u32 v0, v2  }
0x56: {  	s28 =	simm.s32 $0x20;
	v6 =	vmul.f32 v7, v6  }
.LBB2_4:
0x57: {  	p0 =	sne.s32 s28, $0x40;
	s29 =	smov.u32 s28;
	s28 =	sadd.s32 $0x10, s28  }
0x58: {  	[tilespmem:v4+s22+$0x0] =	vst.idx.msk $0xffff, v6  }
0x59: {  	v4 =	vld.idx.msk [tilespmem:v3+s18+$0x0], $0xffff  }
0x5a: {  	v5 =	vld.idx.msk [tilespmem:v5+s19+$0x0], $0xffff;
	_ =	sdelay $0x5  }
0x5b: {  	v4 =	vadd.f32 v5, v4;
	_ =	sdelay $0x1  }
0x5c: {  	v5 =	vmul.f32 $2.000000030e-01, v4;
	_ =	sdelay $0x1  }
0x5d: {  	v4 =	vmax.f32 v4, v5  }
0x5e: {  	v4 =	vmul.f32 $1.442695020e+00, v4;
	_ =	sdelay $0x1  }
0x5f: {  	(erf) = vpow2.f32 v4;
	_ =	sdelay $0x8  }
0x60: {  	v6 =	vpop (erf)  }
0x61: {  	[tilespmem:v3+s22+$0x0] =	vst.idx.msk $0xffff, v6  }
0x62: {  	v3 =	vld.idx.msk [tilespmem:v2+s18+$0x0], $0xffff;
	_ =	sdelay $0x2  }
0x63: {  	v4 =	vor.u32 $0x1, v2;
	_ =	sdelay $0x2  }
0x64: {  	v3 =	vmul.f32 v6, v3;
	_ =	sdelay $0x1  }
0x65: {  	[tilespmem:v2+s22+$0x0] =	vst.idx.msk $0xffff, v3  }
0x66: {  	v3 =	vld.idx.msk [tilespmem:v4+s18+$0x0], $0xffff;
	_ =	sdelay $0x2  }
0x67: {  	v5 =	vor.u32 $0x2, v2;
	_ =	sdelay $0x2  }
0x68: {  	v3 =	vmul.f32 v6, v3;
	_ =	sdelay $0x1  }
0x69: {  	[tilespmem:v4+s22+$0x0] =	vst.idx.msk $0xffff, v3  }
0x6a: {  	v3 =	vld.idx.msk [tilespmem:v5+s18+$0x0], $0xffff;
	_ =	sdelay $0x2  }
0x6b: {  	v4 =	vor.u32 $0x3, v2;
	_ =	sdelay $0x2  }
0x6c: {  	v3 =	vmul.f32 v3, v6;
	_ =	sdelay $0x1  }
0x6d: {  	[tilespmem:v5+s22+$0x0] =	vst.idx.msk $0xffff, v3  }
0x6e: {  	v3 =	vld.idx.msk [tilespmem:v4+s18+$0x0], $0xffff;
	_ =	sdelay $0x2  }
0x6f: {  	v5 =	vor.u32 $0x4, v2;
	_ =	sdelay $0x2  }
0x70: {  	v3 =	vmul.f32 v3, v6;
	_ =	sdelay $0x1  }
0x71: {  	[tilespmem:v4+s22+$0x0] =	vst.idx.msk $0xffff, v3  }
0x72: {  	v3 =	vld.idx.msk [tilespmem:v5+s18+$0x0], $0xffff;
	_ =	sdelay $0x2  }
0x73: {  	v4 =	vor.u32 $0x5, v2;
	_ =	sdelay $0x2  }
0x74: {  	v3 =	vmul.f32 v3, v6;
	_ =	sdelay $0x1  }
0x75: {  	[tilespmem:v5+s22+$0x0] =	vst.idx.msk $0xffff, v3  }
0x76: {  	v3 =	vld.idx.msk [tilespmem:v4+s18+$0x0], $0xffff;
	_ =	sdelay $0x2  }
0x77: {  	v5 =	vor.u32 $0x6, v2;
	_ =	sdelay $0x2  }
0x78: {  	v3 =	vmul.f32 v3, v6;
	_ =	sdelay $0x1  }
0x79: {  	[tilespmem:v4+s22+$0x0] =	vst.idx.msk $0xffff, v3  }
0x7a: {  	v3 =	vld.idx.msk [tilespmem:v5+s18+$0x0], $0xffff;
	_ =	sdelay $0x2  }
0x7b: {  	v4 =	vor.u32 $0x7, v2;
	_ =	sdelay $0x2  }
0x7c: {  	v2 =	vmul.f32 v3, v6;
	_ =	sdelay $0x1  }
0x7d: {  	[tilespmem:v5+s22+$0x0] =	vst.idx.msk $0xffff, v2  }
0x7e: {  	v7 =	vld.idx.msk [tilespmem:v4+s18+$0x0], $0xffff  }
0x7f: {  	v2 =	vmov s29  }
.Ltmp0:
0x80: {  	v2 =	vshll.u32 v2, $0x4;
	(pc) =	sbr.rel @p0 .LBB2_4-.Ltmp0, $3  }
0x81: {  	v2 =	vor.u32 v1, v2  }
0x82: {  	v3 =	vor.u32 $0x8, v2;
	v5 =	vor.u32 v0, v2;
	_ =	sdelay $0x1  }
0x83: {  	v6 =	vmul.f32 v7, v6  }
0x84: {  	_ =	sdelay $0x3  }
0x85: {  	[tilespmem:v4+s22+$0x0] =	vst.idx.msk $0xffff, v6  }
0x86: {  	v4 =	vld.idx.msk [tilespmem:v3+s18+$0x0], $0xffff  }
0x87: {  	v5 =	vld.idx.msk [tilespmem:v5+s19+$0x0], $0xffff;
	_ =	sdelay $0x4  }
0x88: {  	v4 =	vadd.f32 v5, v4;
	_ =	sdelay $0x1  }
0x89: {  	v5 =	vmul.f32 $2.000000030e-01, v4;
	_ =	sdelay $0x1  }
0x8a: {  	v4 =	vmax.f32 v4, v5  }
0x8b: {  	v4 =	vmul.f32 $1.442695020e+00, v4;
	_ =	sdelay $0x1  }
0x8c: {  	(erf) = vpow2.f32 v4;
	_ =	sdelay $0x8  }
0x8d: {  	v4 =	vpop (erf)  }
0x8e: {  	[tilespmem:v3+s22+$0x0] =	vst.idx.msk $0xffff, v4  }
0x8f: {  	v3 =	vld.idx.msk [tilespmem:v2+s18+$0x0], $0xffff;
	_ =	sdelay $0x2  }
0x90: {  	v58 =	vor.u32 $0x1, v2;
	_ =	sdelay $0x1  }
0x91: {  	v3 =	vmul.f32 v4, v3;
	_ =	sdelay $0x1  }
0x92: {  	[tilespmem:v2+s22+$0x0] =	vst.idx.msk $0xffff, v3  }
0x93: {  	v3 =	vld.idx.msk [tilespmem:v58+s18+$0x0], $0xffff;
	_ =	sdelay $0x2  }
0x94: {  	v59 =	vor.u32 $0x2, v2;
	_ =	sdelay $0x1  }
0x95: {  	v3 =	vmul.f32 v4, v3;
	_ =	sdelay $0x1  }
0x96: {  	[tilespmem:v58+s22+$0x0] =	vst.idx.msk $0xffff, v3  }
0x97: {  	v3 =	vld.idx.msk [tilespmem:v59+s18+$0x0], $0xffff;
	_ =	sdelay $0x2  }
0x98: {  	v60 =	vor.u32 $0x3, v2;
	_ =	sdelay $0x1  }
0x99: {  	v3 =	vmul.f32 v3, v4;
	_ =	sdelay $0x1  }
0x9a: {  	[tilespmem:v59+s22+$0x0] =	vst.idx.msk $0xffff, v3  }
0x9b: {  	v3 =	vld.idx.msk [tilespmem:v60+s18+$0x0], $0xffff;
	_ =	sdelay $0x2  }
0x9c: {  	v61 =	vor.u32 $0x4, v2;
	_ =	sdelay $0x1  }
0x9d: {  	v3 =	vmul.f32 v3, v4;
	_ =	sdelay $0x1  }
0x9e: {  	[tilespmem:v60+s22+$0x0] =	vst.idx.msk $0xffff, v3  }
0x9f: {  	v3 =	vld.idx.msk [tilespmem:v61+s18+$0x0], $0xffff;
	_ =	sdelay $0x2  }
0xa0: {  	v62 =	vor.u32 $0x5, v2;
	_ =	sdelay $0x1  }
0xa1: {  	v3 =	vmul.f32 v3, v4;
	_ =	sdelay $0x1  }
0xa2: {  	[tilespmem:v61+s22+$0x0] =	vst.idx.msk $0xffff, v3  }
0xa3: {  	v3 =	vld.idx.msk [tilespmem:v62+s18+$0x0], $0xffff;
	_ =	sdelay $0x2  }
0xa4: {  	v63 =	vor.u32 $0x6, v2;
	_ =	sdelay $0x1  }
0xa5: {  	v3 =	vmul.f32 v3, v4;
	_ =	sdelay $0x1  }
0xa6: {  	[tilespmem:v62+s22+$0x0] =	vst.idx.msk $0xffff, v3  }
0xa7: {  	v3 =	vld.idx.msk [tilespmem:v63+s18+$0x0], $0xffff;
	_ =	sdelay $0x2  }
0xa8: {  	v2 =	vor.u32 $0x7, v2;
	_ =	sdelay $0x1  }
0xa9: {  	v3 =	vmul.f32 v3, v4;
	_ =	sdelay $0x1  }
0xaa: {  	[tilespmem:v63+s22+$0x0] =	vst.idx.msk $0xffff, v3  }
0xab: {  	v3 =	vld.idx.msk [tilespmem:v2+s18+$0x0], $0xffff;
	_ =	sdelay $0x4  }
0xac: {  	s25 =	sadd.s32 $0x1, s25;
	v3 =	vmul.f32 v3, v4  }
0xad: {  	p0 =	sne.s32 s25, $0x19  }
.Ltmp1:
0xae: {  	[tilespmem:v2+s22+$0x0] =	vst.idx.msk $0xffff, v3;
	(pc) =	sbr.rel @p0 .LBB2_3-.Ltmp1, $4  }
0xaf: {  	[spmem:s2] =	stream.indirect.scatter.add.f32 [tilespmem:s22], [sflag:$0x3], $0x10, s26, s17, $0xb8;
	[tilespmem:$0xE220] =	vst v63  }
0xb0: {  	_ =	swait.ge [sflag:s15], $0x500  }
0xb1: {  	[sflag:s15] =	ssyncset.done $0x0  }
0xb2: {  	[sflag:s15] =	ssyncadd.s32 $0xFFFFFB00  }
0xb3: {  	s23 =	sadd.s32 $0x1, s23  }
0xb4: {  	p0 =	sne.s32 s23, $0x19  }
.Ltmp2:
0xb5: {  	_ = 	snop;
	(pc) =	sbr.rel @p0 .LBB2_2-.Ltmp2, $1  }
0xb6: {  	_ =	sdelay $0x3  }
0xb7: {  	s4 =	sadd.s32 $0x1, s4  }
0xb8: {  	p0 =	sne.s32 s4, s13  }
.Ltmp3:
0xb9: {  	[bflag:$0x0] =	sbarrier.arrive $0xFFFF;
	(pc) =	sbr.rel @p0 .LBB2_1-.Ltmp3, $4  }
0xba: {  	[hbm:s12], [sflag:s10] =	dma.local [spmem:s14], $0x1870  }
0xbb: {  	_ =	swait.ge [sflag:s15], $0x1870  }
0xbc: {  	[sflag:s15] =	ssyncset.done $0x0  }
0xbd: {  	[sflag:s15] =	ssyncadd.s32 $0xFFFFE790  }
0xbe: {  	_ =	sfence.sel $0x180000  }
0xbf: {  	[bflag:$0x0] =	sbarrier.arrive $0xFFFF  }
0xc0: {  	p0 =	sne.s32 s3, $0x0;
	_ =	strace $0x9000004A  }
0xc1: {  	s0 =	sadd.s32 @!p0 $0x100000, s0;
	[bflag:$0x2] =	sbarrier.arrive $0xFFFF  }
0xc2: {  	[sflag:s0] =	ssyncadd.tile.s32 @!p0 $0x1;
	_ =	shalt  }
.Lfunc_end2:
_tile_overlayer_lowered:
.L_overlay_start_2:
0xc3: {  	(tag) =	ssettag $0x2  }
0xc4: {  	s0 =	rddreg [dreg:$0x0];
	s2 =	stileid.u32  }
0xc5: {  	s1 =	rddreg [dreg:$0x1];
	p0 =	sne.s32 s2, $0x0  }
0xc6: {  	s3 =	rddreg [dreg:$0x2];
	[bflag:$0x3] =	sbarrier.arrive $0xFFFF;
	s2 =	simm.s32 @!p0 $0x1C03  }
0xc7: {  	[timem:s3], [sflag:s2] =	dma.local @!p0 [hbm:s0], s1  }
0xc8: {  	s0 =	simm.s32 @!p0 $0x3  }
0xc9: {  	_ =	swait.ge @!p0 [sflag:s0], s1  }
0xca: {  	s1 =	ssub.s32 @!p0 $0x0, s1;
	[sflag:s0] =	ssyncset.done @!p0 $0x0  }
0xcb: {  	[sflag:s0] =	ssyncadd.s32 @!p0 s1  }
0xcc: {  	[bflag:$0x3] =	sbarrier.arrive $0xFFFF  }
0xcd: {  	_ =	shalt  }

// kernel: kernel.14.cloned.1.call-start
scs
__scs_entry_jumppad:
0x0: {  	(pc) =	sbr.rel $0x88, $3  }
0x1: {  	(tag) =	ssettag $0x0;
	lr =	simm.s32 $0x1  }
0x2: {  	[smem:$0x3F96] =	sst lr;
	_ =	strace $0xD0000000  }
0x3: {  	_ = 	snop  }
0x4: {  	_ = 	snop  }
0x5: {  	_ = 	snop  }
0x6: {  	_ = 	snop  }
0x7: {  	_ = 	snop  }
__scs_overlays_trampoline_lowered:
0x8: {  	[smem:$0x3FA5] =	sst s0  }
0x9: {  	[smem:$0x3FA6] =	sst s1  }
0xa: {  	[smem:$0x3FA7] =	sst s2  }
0xb: {  	[smem:$0x3FA8] =	sst s3  }
0xc: {  	[smem:$0x3FA9] =	sst s4  }
0xd: {  	[smem:$0x3FAA] =	sst s5  }
0xe: {  	[smem:$0x3FAB] =	sst s6  }
0xf: {  	[smem:$0x3FAC] =	sst s7  }
0x10: {  	[smem:$0x3FAD] =	sst s8  }
0x11: {  	[smem:$0x3FAE] =	sst s9;
	s0 =	simm.s32 @!p0 $0x0  }
0x12: {  	s1 =	sld [smem:$0x3F94];
	s0 =	simm.s32 @p0 $0x1  }
0x13: {  	[smem:$0x3FAF] =	sst s0;
	s0 =	simm.s32 @!p1 $0x0  }
0x14: {  	s2 =	sld [smem:$0x3F93];
	s0 =	simm.s32 @p1 $0x1  }
0x15: {  	[smem:$0x3FB0] =	sst s0;
	s0 =	simm.s32 @!p2 $0x0  }
0x16: {  	s3 =	sld [smem:$0x3FDB];
	s0 =	simm.s32 @p2 $0x1  }
0x17: {  	s4 =	simm.s32 $0x1BF5;
	[smem:$0x3FB2] =	sst s0  }
0x18: {  	s0 =	sld [smem:$0x3F95];
	_ =	swait.ge [sflag:s4], $0x0  }
0x19: {  	s7 =	sld [smem:$0x3F96]  }
0x1a: {  	s8 =	sadd.s32 $0xFFFFE003, lr  }
0x1b: {  	s9 =	sadd.s32 $0xFFFFFEF7, lr;
	s5 =	simm.s32 $0xFFFFFFFF;
	p2 =	slt.u32 s8, $0xFFFFF086  }
0x1c: {  	p1 =	slt.u32 s9, $0xF7A;
	s5 =	simm.s32 @!p2 $0x0  }
0x1d: {  	s5 =	simm.s32 @p1 $0x1;
	p0 =	seq.s32 s7, s2  }
0x1e: {  	s7 =	smul.u32 @!p0 $0xF7A, s2;
	p2 =	seq.s32 @!p0 s5, $0x0  }
0x1f: {  	s9 =	smul.u32 $0xF7A, s1;
	s8 =	simm.s32 @!p0 $0x1BF5;
	p2 =	por !p2, p0  }
0x20: {  	[sflag:s8] =	ssyncset.s32 @!p0 $0xFFFFF086;
	s6 =	sadd.s32 @!p0 s3, s7;
	s7 =	simm.s32 @!p0 $0x108  }
0x21: {  	s3 =	sadd.s32 s3, s9;
	s6 =	sadd.s32 @!p0 $0x88, s6;
	s7 =	simm.s32 @p2 $0x1082  }
0x22: {  	[simem:s7], [sflag:s8] =	dma.local @!p0 [hbm:s6], $0xF7A  }
0x23: {  	s9 =	sor.u32 $0xD0000000, s2;
	s6 =	simm.s32 $0x108;
	_ =	swait.ge @!p0 [sflag:s8], $0x0  }
0x24: {  	s3 =	sadd.s32 $0x88, s3;
	s6 =	simm.s32 @!p1 $0x1082;
	[sflag:s4] =	ssyncset.s32 $0xFFFFF086  }
0x25: {  	[simem:s6], [sflag:s4] =	dma.local [hbm:s3], $0xF7A  }
0x26: {  	[smem:$0x3F96] =	sst s1;
	(tag) =	ssettag s2;
	_ =	strace s9  }
0x27: {  	s1 =	sld [smem:$0x3FA6]  }
0x28: {  	s2 =	sld [smem:$0x3FA7]  }
0x29: {  	s4 =	sld [smem:$0x3FA9]  }
0x2a: {  	p0 =	seq.s32 s5, $0x0;
	s5 =	sld [smem:$0x3FAA]  }
0x2b: {  	s6 =	sld [smem:$0x3FAB]  }
0x2c: {  	s7 =	sld [smem:$0x3FAC]  }
0x2d: {  	s3 =	simm.s32 $0x108;
	s8 =	sld [smem:$0x3FAD]  }
0x2e: {  	s3 =	simm.s32 @!p0 $0x1082;
	s9 =	sld [smem:$0x3FAE]  }
0x2f: {  	lr =	sadd.s32 s0, s3;
	s0 =	sld [smem:$0x3FA5]  }
0x30: {  	s3 =	sld [smem:$0x3FA8]  }
0x31: {  	[smem:$0x3FB1] =	sst s10  }
0x32: {  	s10 =	sld [smem:$0x3FAF];
	_ =	sdelay $0x3  }
0x33: {  	p0 =	seq.s32 s10, $0x1;
	s10 =	sld [smem:$0x3FB1];
	_ =	sdelay $0x3  }
0x34: {  	[smem:$0x3FB1] =	sst s10  }
0x35: {  	s10 =	sld [smem:$0x3FB0];
	_ =	sdelay $0x3  }
0x36: {  	p1 =	seq.s32 s10, $0x1;
	s10 =	sld [smem:$0x3FB1];
	_ =	sdelay $0x3  }
0x37: {  	[smem:$0x3FB1] =	sst s10  }
0x38: {  	s10 =	sld [smem:$0x3FB2]  }
0x39: {  	_ = 	snop;
	(pc) =	sbr.ind lr, $3  }
0x3a: {  	_ = 	snop  }
0x3b: {  	_ = 	snop  }
0x3c: {  	p2 =	seq.s32 s10, $0x1;
	s10 =	sld [smem:$0x3FB1]  }
0x3d: {  	_ =	shalt  }
0x3e: {  	_ =	shalt  }
0x3f: {  	_ =	shalt  }
0x40: {  	_ =	shalt  }
0x41: {  	_ =	shalt  }
0x42: {  	_ =	shalt  }
0x43: {  	_ =	shalt  }
0x44: {  	_ =	shalt  }
0x45: {  	_ =	shalt  }
0x46: {  	_ =	shalt  }
0x47: {  	_ =	shalt  }
0x48: {  	_ =	shalt  }
0x49: {  	_ =	shalt  }
0x4a: {  	_ =	shalt  }
0x4b: {  	_ =	shalt  }
0x4c: {  	_ =	shalt  }
0x4d: {  	_ =	shalt  }
0x4e: {  	_ =	shalt  }
0x4f: {  	_ =	shalt  }
0x50: {  	_ =	shalt  }
0x51: {  	_ =	shalt  }
0x52: {  	_ =	shalt  }
0x53: {  	_ =	shalt  }
0x54: {  	_ =	shalt  }
0x55: {  	_ =	shalt  }
0x56: {  	_ =	shalt  }
0x57: {  	_ =	shalt  }
0x58: {  	_ =	shalt  }
0x59: {  	_ =	shalt  }
0x5a: {  	_ =	shalt  }
0x5b: {  	_ =	shalt  }
0x5c: {  	_ =	shalt  }
0x5d: {  	_ =	shalt  }
0x5e: {  	_ =	shalt  }
0x5f: {  	_ =	shalt  }
0x60: {  	_ =	shalt  }
0x61: {  	_ =	shalt  }
0x62: {  	_ =	shalt  }
0x63: {  	_ =	shalt  }
0x64: {  	_ =	shalt  }
0x65: {  	_ =	shalt  }
0x66: {  	_ =	shalt  }
0x67: {  	_ =	shalt  }
0x68: {  	_ =	shalt  }
0x69: {  	_ =	shalt  }
0x6a: {  	_ =	shalt  }
0x6b: {  	_ =	shalt  }
0x6c: {  	_ =	shalt  }
0x6d: {  	_ =	shalt  }
0x6e: {  	_ =	shalt  }
0x6f: {  	_ =	shalt  }
0x70: {  	_ =	shalt  }
0x71: {  	_ =	shalt  }
0x72: {  	_ =	shalt  }
0x73: {  	_ =	shalt  }
0x74: {  	_ =	shalt  }
0x75: {  	_ =	shalt  }
0x76: {  	_ =	shalt  }
0x77: {  	_ =	shalt  }
0x78: {  	_ =	shalt  }
0x79: {  	_ =	shalt  }
0x7a: {  	_ =	shalt  }
0x7b: {  	_ =	shalt  }
0x7c: {  	_ =	shalt  }
0x7d: {  	_ =	shalt  }
0x7e: {  	_ =	shalt  }
0x7f: {  	_ =	shalt  }
0x80: {  	_ =	shalt  }
0x81: {  	_ =	shalt  }
0x82: {  	_ =	shalt  }
0x83: {  	_ =	shalt  }
0x84: {  	_ =	shalt  }
0x85: {  	_ =	shalt  }
0x86: {  	_ =	shalt  }
0x87: {  	_ =	shalt  }
.Lfunc_end0:
.L_simem_size_0:
called_computation.2_lowered:
.L_overlay_start_0:
0x88: {  	s2 =	sld [smem:$0x3FD9]  }
0x89: {  	s3 =	sld [smem:$0x3FFE];
	_ =	sdelay $0x1  }
0x8a: {  	s1 =	srdreg.scid  }
0x8b: {  	s0 =	sand.u32 $0x1, s1  }
0x8c: {  	s17 =	sshll.u32 s0, $0xA;
	s2 =	sadd.s32 s3, s2  }
0x8d: {  	s2 =	sadd.s32 s2, s17  }
0x8e: {  	[smem:$0x3FBD] =	sst s2  }
0x8f: {  	_ = 	snop  }
0x90: {  	s18 =	sld [smem:$0x3FD0];
	(tm) =	ssettm $0x1  }
0x91: {  	s19 =	sld [smem:$0x3FFB];
	_ =	sdelay $0x3  }
0x92: {  	_ =	strace s19  }
0x93: {  	s2 =	sld [smem:$0x3FFC];
	_ =	sdelay $0x3  }
0x94: {  	_ =	strace s2  }
0x95: {  	s2 =	sld [smem:$0x3FFD];
	_ =	sdelay $0x3  }
0x96: {  	_ =	strace s2  }
0x97: {  	_ =	strace $0x8FFFFFFF  }
0x98: {  	s20 =	sld [smem:$0x3FDB];
	_ =	sdelay $0x1  }
0x99: {  	s4 =	simm.s32 $_scs_section_size  }
0x9a: {  	s5 =	simm.s32 $_size__tile_overlayer_lowered;
	s6 =	simm.s32 $_tile_overlayer_lowered  }
0x9b: {  	s7 =	simm.s32 $0x1BFF;
	s21 =	sshll.u32 s6, $0x1;
	s4 =	sadd.s32 s4, s20  }
0x9c: {  	s22 =	simm.s32 $0x0;
	s5 =	sshll.u32 s5, $0x1;
	s6 =	sadd.s32 s21, s4  }
0x9d: {  	[timem:s22], [sflag:s7] =	dma.local [hbm:s6], s5  }
0x9e: {  	_ =	swait.ge [sflag:s7], s5  }
0x9f: {  	s5 =	ssub.s32 $0x0, s5;
	[sflag:s7] =	ssyncset.done $0x0  }
0xa0: {  	[sflag:s7] =	ssyncadd.s32 s5;
	_ =	sdelay $0x1  }
0xa1: {  	s23 =	simm.s32 $0x1B8B  }
0xa2: {  	_ =	swait.ge [sflag:s23], $0x1  }
0xa3: {  	[sflag:s23] =	ssyncset.done $0x0  }
0xa4: {  	[sflag:s23] =	ssyncadd.s32 $0xFFFFFFFF  }
0xa5: {  	s5 =	sld [smem:$0x0]  }
0xa6: {  	s6 =	sand.u32 $0xFFFFFFFE, s1  }
0xa7: {  	p0 =	sne.s32 s1, s6  }
0xa8: {  	s6 =	sshll.u32 @p0 s6, $0xE  }
0xa9: {  	s6 =	sadd.s32 @p0 $0x11B8D, s6;
	s7 =	sshll.u32 @p0 s5, $0x11  }
0xaa: {  	s6 =	sor.u32 @p0 s7, s6  }
0xab: {  	[sflag:s6] =	ssyncadd.remote.s32 @p0 $0x1;
	_ =	sdelay $0x1  }
0xac: {  	s6 =	simm.s32 @p0 $0x1B8D  }
0xad: {  	_ =	swait.eq @p0 [sflag:s6], $0x1  }
0xae: {  	[sflag:s6] =	ssyncadd.s32 @p0 $0xFFFFFFFF  }
0xaf: {  	s7 =	sshll.u32 @!p0 s1, $0xE  }
0xb0: {  	s7 =	sor.u32 @!p0 $0x4000, s7;
	s6 =	simm.s32 @!p0 $0x1B8D  }
0xb1: {  	s5 =	sshll.u32 @!p0 s5, $0x11;
	s7 =	sadd.s32 @!p0 $0x11B8D, s7;
	_ =	swait.eq @!p0 [sflag:s6], $0x1  }
0xb2: {  	s5 =	sor.u32 @!p0 s5, s7;
	[sflag:s6] =	ssyncadd.s32 @!p0 $0xFFFFFFFF  }
0xb3: {  	s25 =	simm.s32 $0x1B8E;
	s24 =	sld [smem:$0x3FFE];
	[sflag:s5] =	ssyncadd.remote.s32 @!p0 $0x1  }
0xb4: {  	s26 =	simm.s32 $execute0_lowered;
	[smem:$0x3FD2] =	sst s25  }
0xb5: {  	s6 =	sshll.u32 s26, $0x1;
	_ =	strace $0x8000004C;
	[dreg:$0x1] =	wrdreg $0xFFFFFFFF  }
0xb6: {  	s28 =	simm.s32 $_size_execute0_lowered;
	s4 =	sadd.s32 s4, s6;
	[dreg:$0x0] =	wrdreg $0x0  }
0xb7: {  	s6 =	sshll.u32 s28, $0x1;
	[dreg:$0x2] =	wrdreg s4  }
0xb8: {  	[dreg:$0x3] =	wrdreg s6  }
0xb9: {  	[dreg:$0x4] =	wrdreg $0xC0  }
0xba: {  	_ =	task [dreg:s22], $0x5FFFF  }
0xbb: {  	[dreg:$0x1] =	wrdreg $0xFFFFFFFF  }
0xbc: {  	[dreg:$0x0] =	wrdreg $0x60  }
0xbd: {  	[dreg:$0x2] =	wrdreg s24  }
0xbe: {  	[dreg:$0x3] =	wrdreg s18  }
0xbf: {  	[dreg:$0x4] =	wrdreg $0x1EA00  }
0xc0: {  	[dreg:$0x5] =	wrdreg $0xB  }
0xc1: {  	_ =	task.clear_ibuf [dreg:s22], $0x6FFFF;
	_ =	strace $0x9000004C  }
0xc2: {  	s29 =	simm.s32 $0xB;
	_ =	strace $0x8000004E  }
0xc3: {  	_ =	swait.ge [sflag:s29], $0x1  }
0xc4: {  	[sflag:s29] =	ssyncadd.s32 $0xFFFFFFFF  }
0xc5: {  	_ =	strace $0x9000004E  }
0xc6: {  	_ =	sfence  }
0xc7: {  	s30 =	sld [smem:$0x0];
	_ =	sdelay $0x2  }
0xc8: {  	s31 =	sshll.u32 s1, $0xD;
	s1 =	sshrl.u32 s1, $0x2  }
0xc9: {  	s4 =	sand.u32 $0x4000, s31;
	s1 =	sadd.s32 s1, s30  }
0xca: {  	s0 =	sor.u32 s4, s0;
	s1 =	sshll.u32 s1, $0x11  }
0xcb: {  	s0 =	sor.u32 s1, s0  }
0xcc: {  	s0 =	sadd.s32 $0x8F2B, s0  }
0xcd: {  	[sflag:s0] =	ssyncadd.remote.s32 $0x1  }
0xce: {  	_ =	sfence.sel $0xFFFF  }
0xcf: {  	[dreg:$0x0] =	wrdreg $0xFFFFFFFF;
	(pc) =	sbr.abs _section_cstart, $3  }
0xd0: {  	[dreg:$0x1] =	wrdreg $0xFFFFFFFF  }
0xd1: {  	_ =	task.clear_ibuf [dreg:s22], $0x2FFFF;
	_ =	strace $0x9FFFFFFF  }
0xd2: {  	(tm) =	ssettm $0x7FFFFFFF  }
0xd3: {  	_ =	shalt  }
tec
execute0_lowered:
.L_overlay_start_1:
0x0: {  	(tag) =	ssettag $0x1  }
0x1: {  	s9 =	rddreg [dreg:$0x0]  }
0x2: {  	s1 =	rddreg [dreg:$0x1]  }
0x3: {  	s2 =	rddreg [dreg:$0x2];
	s12 =	srdreg.scid  }
0x4: {  	s0 =	rddreg [dreg:$0x3];
	s4 =	simm.s32 $0x0;
	s3 =	stileid.u32  }
0x5: {  	s18 =	simm.s32 $0xFA0;
	s19 =	simm.s32 $0x14A0;
	s20 =	simm.s32 $0x1  }
0x6: {  	s21 =	simm.s32 $0x2;
	s22 =	simm.s32 $0x19A0;
	s10 =	sand.u32 $0x1, s12  }
0x7: {  	[smem:$0x7FF] =	sst s4;
	s11 =	smul.u32 $0xC380, s3;
	s5 =	sadd.s32 $0x32600, s9  }
0x8: {  	s6 =	sadd.s32 $0x7C000, s9;
	s7 =	sadd.s32 $0xC5600, s9;
	s13 =	smul.u32 $0x30E00, s3  }
0x9: {  	s30 =	sshll.u32 s3, $0x6;
	s12 =	sshll.u32 s12, $0x2;
	s8 =	smul.u32 $0xC3800, s10  }
0xa: {  	_ =	strace $0x8000004D;
	s28 =	ssub.s32 $0x2, s10;
	s15 =	smul.u32 $0xC3500, s10  }
0xb: {  	s10 =	sor.u32 $0x1C03, s30;
	s31 =	sor.u32 $0x2, s12;
	s29 =	sshrl.u32 s28, $0x1  }
0xc: {  	s13 =	sshrl.u32 s13, $0x2;
	s11 =	sadd.s32 s11, s8;
	s8 =	sadd.s32 $0x188C00, s9  }
0xd: {  	s16 =	ssub.s32 s28, s29;
	s17 =	sadd.s32 s13, s2;
	s11 =	sshrl.u32 s11, $0x3  }
0xe: {  	v0 =	vmov s31;
	s13 =	smax.u32 s16, $0x1;
	s14 =	sadd.s32 s11, s9;
	s9 =	smul.u32 $0xC350, s3  }
0xf: {  	v1 =	vlaneseq.u32;
	v0 =	vand.u32 $0x6, v0;
	s16 =	simm.s32 $0x7D0;
	s12 =	sadd.s32 $0x203000, s14;
	s14 =	sshrl.u32 s17, $0x3  }
0x10: {  	v1 =	vmul.u32 $0x10, v1;
	v0 =	vbroadcast v0, $0x0;
	s17 =	simm.s32 $0x50;
	s11 =	sadd.s32 s15, s9;
	s15 =	simm.s32 $0x3  }
.LBB2_1:
0x11: {  	[spmem:s14], [sflag:s10] =	dma.local [hbm:s1], $0x1870  }
0x12: {  	_ =	swait.ge [sflag:s15], $0x1870  }
0x13: {  	[sflag:s15] =	ssyncset.done $0x0  }
0x14: {  	[sflag:s15] =	ssyncadd.s32 $0xFFFFE790  }
0x15: {  	s23 =	simm.s32 $0x0;
	[bflag:$0x0] =	sbarrier.arrive $0xFFFF  }
.LBB2_2:
0x16: {  	s25 =	smul.u32 $0x7D0, s23;
	_ =	sdelay $0x1  }
0x17: {  	s24 =	sadd.s32 s11, s25  }
0x18: {  	s24 =	sshrl.u32 s24, $0x3  }
0x19: {  	s26 =	sadd.s32 s5, s24;
	s24 =	simm.s32 $0x0  }
0x1a: {  	[tilespmem:s24], [sflag:$0x3] =	stream.linear.gather [hbm4b:s26+s24], $0x7D0, $0x38;
	[tilespmem:$0xE220] =	vst v63  }
0x1b: {  	s25 =	sadd.s32 s9, s25;
	_ =	swait.ge [sflag:s15], $0x7D0  }
0x1c: {  	s25 =	sshrl.u32 s25, $0x3;
	[sflag:s15] =	ssyncset.done $0x0  }
0x1d: {  	s25 =	sadd.s32 s6, s25;
	[sflag:s15] =	ssyncadd.s32 $0xFFFFF830  }
0x1e: {  	[tilespmem:s16], [sflag:$0x3] =	stream.linear.gather [hbm4b:s25+s24], $0x7D0, $0x38;
	[tilespmem:$0xE220] =	vst v63  }
0x1f: {  	_ =	swait.ge [sflag:s15], $0x7D0  }
0x20: {  	[sflag:s15] =	ssyncset.done $0x0  }
0x21: {  	s25 =	simm.s32 $0x0;
	[sflag:s15] =	ssyncadd.s32 $0xFFFFF830  }
.LBB2_3:
0x22: {  	s26 =	smul.u32 $0x50, s25;
	_ =	sdelay $0x1  }
0x23: {  	[tilespmem:s18], [sflag:$0x1] =	stream.indirect.gather [hbm4b:s7+s17], $0x10, s26, s17, $0xb8;
	[tilespmem:$0xE220] =	vst v63  }
0x24: {  	v2 =	vmov s24;
	s26 =	sadd.s32 $0x7D0, s26  }
0x25: {  	v2 =	vshll.u32 v2, $0x4;
	[tilespmem:s19], [sflag:$0x2] =	stream.indirect.gather [hbm4b:s8+s17], $0x10, s26, s17, $0xb8;
	[tilespmem:$0xE220] =	vst v63  }
0x26: {  	v2 =	vor.u32 v1, v2;
	_ =	swait.ge [sflag:s20], $0x500  }
0x27: {  	v3 =	vor.u32 $0x8, v2;
	[sflag:s20] =	ssyncset.done $0x0  }
0x28: {  	v4 =	vor.u32 v0, v2;
	[sflag:s20] =	ssyncadd.s32 $0xFFFFFB00  }
0x29: {  	_ =	swait.ge [sflag:s21], $0x500  }
0x2a: {  	[sflag:s21] =	ssyncset.done $0x0  }
0x2b: {  	[sflag:s21] =	ssyncadd.s32 $0xFFFFFB00  }
0x2c: {  	v5 =	vld.idx.msk [tilespmem:v3+s18+$0x0], $0xffff  }
0x2d: {  	v4 =	vld.idx.msk [tilespmem:v4+s19+$0x0], $0xffff;
	_ =	sdelay $0x4  }
0x2e: {  	v4 =	vadd.f32 v4, v5;
	_ =	sdelay $0x1  }
0x2f: {  	v5 =	vmul.f32 $2.000000030e-01, v4;
	_ =	sdelay $0x1  }
0x30: {  	v4 =	vmax.f32 v4, v5  }
0x31: {  	v4 =	vmul.f32 $1.442695020e+00, v4;
	_ =	sdelay $0x1  }
0x32: {  	(erf) = vpow2.f32 v4;
	_ =	sdelay $0x8  }
0x33: {  	v6 =	vpop (erf)  }
0x34: {  	[tilespmem:v3+s22+$0x0] =	vst.idx.msk $0xffff, v6  }
0x35: {  	v3 =	vld.idx.msk [tilespmem:v2+s18+$0x0], $0xffff;
	_ =	sdelay $0x2  }
0x36: {  	v4 =	vor.u32 $0x1, v2;
	_ =	sdelay $0x1  }
0x37: {  	v3 =	vmul.f32 v6, v3;
	_ =	sdelay $0x1  }
0x38: {  	[tilespmem:v2+s22+$0x0] =	vst.idx.msk $0xffff, v3  }
0x39: {  	v3 =	vld.idx.msk [tilespmem:v4+s18+$0x0], $0xffff;
	_ =	sdelay $0x2  }
0x3a: {  	v5 =	vor.u32 $0x2, v2;
	_ =	sdelay $0x1  }
0x3b: {  	v3 =	vmul.f32 v6, v3;
	_ =	sdelay $0x1  }
0x3c: {  	[tilespmem:v4+s22+$0x0] =	vst.idx.msk $0xffff, v3  }
0x3d: {  	v3 =	vld.idx.msk [tilespmem:v5+s18+$0x0], $0xffff;
	_ =	sdelay $0x2  }
0x3e: {  	v4 =	vor.u32 $0x3, v2;
	_ =	sdelay $0x1  }
0x3f: {  	v3 =	vmul.f32 v3, v6;
	_ =	sdelay $0x1  }
0x40: {  	[tilespmem:v5+s22+$0x0] =	vst.idx.msk $0xffff, v3  }
0x41: {  	v3 =	vld.idx.msk [tilespmem:v4+s18+$0x0], $0xffff;
	_ =	sdelay $0x2  }
0x42: {  	v5 =	vor.u32 $0x4, v2;
	_ =	sdelay $0x1  }
0x43: {  	v3 =	vmul.f32 v3, v6;
	_ =	sdelay $0x1  }
0x44: {  	[tilespmem:v4+s22+$0x0] =	vst.idx.msk $0xffff, v3  }
0x45: {  	v3 =	vld.idx.msk [tilespmem:v5+s18+$0x0], $0xffff;
	_ =	sdelay $0x2  }
0x46: {  	v4 =	vor.u32 $0x5, v2;
	_ =	sdelay $0x1  }
0x47: {  	v3 =	vmul.f32 v3, v6;
	_ =	sdelay $0x1  }
0x48: {  	[tilespmem:v5+s22+$0x0] =	vst.idx.msk $0xffff, v3  }
0x49: {  	v3 =	vld.idx.msk [tilespmem:v4+s18+$0x0], $0xffff;
	_ =	sdelay $0x2  }
0x4a: {  	v5 =	vor.u32 $0x6, v2;
	_ =	sdelay $0x1  }
0x4b: {  	v3 =	vmul.f32 v3, v6;
	_ =	sdelay $0x1  }
0x4c: {  	[tilespmem:v4+s22+$0x0] =	vst.idx.msk $0xffff, v3  }
0x4d: {  	v3 =	vld.idx.msk [tilespmem:v5+s18+$0x0], $0xffff;
	_ =	sdelay $0x2  }
0x4e: {  	v4 =	vor.u32 $0x7, v2;
	_ =	sdelay $0x1  }
0x4f: {  	v2 =	vmul.f32 v3, v6;
	_ =	sdelay $0x1  }
0x50: {  	s28 =	simm.s32 $0x10;
	[tilespmem:v5+s22+$0x0] =	vst.idx.msk $0xffff, v2  }
0x51: {  	v2 =	vmov s28;
	v7 =	vld.idx.msk [tilespmem:v4+s18+$0x0], $0xffff  }
0x52: {  	v2 =	vshll.u32 v2, $0x4  }
0x53: {  	v2 =	vor.u32 v1, v2  }
0x54: {  	v3 =	vor.u32 $0x8, v2  }
0x55: {  	v5 =	vor.u32 v0, v2  }
0x56: {  	s28 =	simm.s32 $0x20;
	v6 =	vmul.f32 v7, v6  }
.LBB2_4:
0x57: {  	p0 =	sne.s32 s28, $0x40;
	s29 =	smov.u32 s28;
	s28 =	sadd.s32 $0x10, s28  }
0x58: {  	[tilespmem:v4+s22+$0x0] =	vst.idx.msk $0xffff, v6  }
0x59: {  	v4 =	vld.idx.msk [tilespmem:v3+s18+$0x0], $0xffff  }
0x5a: {  	v5 =	vld.idx.msk [tilespmem:v5+s19+$0x0], $0xffff;
	_ =	sdelay $0x5  }
0x5b: {  	v4 =	vadd.f32 v5, v4;
	_ =	sdelay $0x1  }
0x5c: {  	v5 =	vmul.f32 $2.000000030e-01, v4;
	_ =	sdelay $0x1  }
0x5d: {  	v4 =	vmax.f32 v4, v5  }
0x5e: {  	v4 =	vmul.f32 $1.442695020e+00, v4;
	_ =	sdelay $0x1  }
0x5f: {  	(erf) = vpow2.f32 v4;
	_ =	sdelay $0x8  }
0x60: {  	v6 =	vpop (erf)  }
0x61: {  	[tilespmem:v3+s22+$0x0] =	vst.idx.msk $0xffff, v6  }
0x62: {  	v3 =	vld.idx.msk [tilespmem:v2+s18+$0x0], $0xffff;
	_ =	sdelay $0x2  }
0x63: {  	v4 =	vor.u32 $0x1, v2;
	_ =	sdelay $0x2  }
0x64: {  	v3 =	vmul.f32 v6, v3;
	_ =	sdelay $0x1  }
0x65: {  	[tilespmem:v2+s22+$0x0] =	vst.idx.msk $0xffff, v3  }
0x66: {  	v3 =	vld.idx.msk [tilespmem:v4+s18+$0x0], $0xffff;
	_ =	sdelay $0x2  }
0x67: {  	v5 =	vor.u32 $0x2, v2;
	_ =	sdelay $0x2  }
0x68: {  	v3 =	vmul.f32 v6, v3;
	_ =	sdelay $0x1  }
0x69: {  	[tilespmem:v4+s22+$0x0] =	vst.idx.msk $0xffff, v3  }
0x6a: {  	v3 =	vld.idx.msk [tilespmem:v5+s18+$0x0], $0xffff;
	_ =	sdelay $0x2  }
0x6b: {  	v4 =	vor.u32 $0x3, v2;
	_ =	sdelay $0x2  }
0x6c: {  	v3 =	vmul.f32 v3, v6;
	_ =	sdelay $0x1  }
0x6d: {  	[tilespmem:v5+s22+$0x0] =	vst.idx.msk $0xffff, v3  }
0x6e: {  	v3 =	vld.idx.msk [tilespmem:v4+s18+$0x0], $0xffff;
	_ =	sdelay $0x2  }
0x6f: {  	v5 =	vor.u32 $0x4, v2;
	_ =	sdelay $0x2  }
0x70: {  	v3 =	vmul.f32 v3, v6;
	_ =	sdelay $0x1  }
0x71: {  	[tilespmem:v4+s22+$0x0] =	vst.idx.msk $0xffff, v3  }
0x72: {  	v3 =	vld.idx.msk [tilespmem:v5+s18+$0x0], $0xffff;
	_ =	sdelay $0x2  }
0x73: {  	v4 =	vor.u32 $0x5, v2;
	_ =	sdelay $0x2  }
0x74: {  	v3 =	vmul.f32 v3, v6;
	_ =	sdelay $0x1  }
0x75: {  	[tilespmem:v5+s22+$0x0] =	vst.idx.msk $0xffff, v3  }
0x76: {  	v3 =	vld.idx.msk [tilespmem:v4+s18+$0x0], $0xffff;
	_ =	sdelay $0x2  }
0x77: {  	v5 =	vor.u32 $0x6, v2;
	_ =	sdelay $0x2  }
0x78: {  	v3 =	vmul.f32 v3, v6;
	_ =	sdelay $0x1  }
0x79: {  	[tilespmem:v4+s22+$0x0] =	vst.idx.msk $0xffff, v3  }
0x7a: {  	v3 =	vld.idx.msk [tilespmem:v5+s18+$0x0], $0xffff;
	_ =	sdelay $0x2  }
0x7b: {  	v4 =	vor.u32 $0x7, v2;
	_ =	sdelay $0x2  }
0x7c: {  	v2 =	vmul.f32 v3, v6;
	_ =	sdelay $0x1  }
0x7d: {  	[tilespmem:v5+s22+$0x0] =	vst.idx.msk $0xffff, v2  }
0x7e: {  	v7 =	vld.idx.msk [tilespmem:v4+s18+$0x0], $0xffff  }
0x7f: {  	v2 =	vmov s29  }
.Ltmp0:
0x80: {  	v2 =	vshll.u32 v2, $0x4;
	(pc) =	sbr.rel @p0 .LBB2_4-.Ltmp0, $3  }
0x81: {  	v2 =	vor.u32 v1, v2  }
0x82: {  	v3 =	vor.u32 $0x8, v2;
	v5 =	vor.u32 v0, v2;
	_ =	sdelay $0x1  }
0x83: {  	v6 =	vmul.f32 v7, v6  }
0x84: {  	_ =	sdelay $0x3  }
0x85: {  	[tilespmem:v4+s22+$0x0] =	vst.idx.msk $0xffff, v6  }
0x86: {  	v4 =	vld.idx.msk [tilespmem:v3+s18+$0x0], $0xffff  }
0x87: {  	v5 =	vld.idx.msk [tilespmem:v5+s19+$0x0], $0xffff;
	_ =	sdelay $0x4  }
0x88: {  	v4 =	vadd.f32 v5, v4;
	_ =	sdelay $0x1  }
0x89: {  	v5 =	vmul.f32 $2.000000030e-01, v4;
	_ =	sdelay $0x1  }
0x8a: {  	v4 =	vmax.f32 v4, v5  }
0x8b: {  	v4 =	vmul.f32 $1.442695020e+00, v4;
	_ =	sdelay $0x1  }
0x8c: {  	(erf) = vpow2.f32 v4;
	_ =	sdelay $0x8  }
0x8d: {  	v4 =	vpop (erf)  }
0x8e: {  	[tilespmem:v3+s22+$0x0] =	vst.idx.msk $0xffff, v4  }
0x8f: {  	v3 =	vld.idx.msk [tilespmem:v2+s18+$0x0], $0xffff;
	_ =	sdelay $0x2  }
0x90: {  	v58 =	vor.u32 $0x1, v2;
	_ =	sdelay $0x1  }
0x91: {  	v3 =	vmul.f32 v4, v3;
	_ =	sdelay $0x1  }
0x92: {  	[tilespmem:v2+s22+$0x0] =	vst.idx.msk $0xffff, v3  }
0x93: {  	v3 =	vld.idx.msk [tilespmem:v58+s18+$0x0], $0xffff;
	_ =	sdelay $0x2  }
0x94: {  	v59 =	vor.u32 $0x2, v2;
	_ =	sdelay $0x1  }
0x95: {  	v3 =	vmul.f32 v4, v3;
	_ =	sdelay $0x1  }
0x96: {  	[tilespmem:v58+s22+$0x0] =	vst.idx.msk $0xffff, v3  }
0x97: {  	v3 =	vld.idx.msk [tilespmem:v59+s18+$0x0], $0xffff;
	_ =	sdelay $0x2  }
0x98: {  	v60 =	vor.u32 $0x3, v2;
	_ =	sdelay $0x1  }
0x99: {  	v3 =	vmul.f32 v3, v4;
	_ =	sdelay $0x1  }
0x9a: {  	[tilespmem:v59+s22+$0x0] =	vst.idx.msk $0xffff, v3  }
0x9b: {  	v3 =	vld.idx.msk [tilespmem:v60+s18+$0x0], $0xffff;
	_ =	sdelay $0x2  }
0x9c: {  	v61 =	vor.u32 $0x4, v2;
	_ =	sdelay $0x1  }
0x9d: {  	v3 =	vmul.f32 v3, v4;
	_ =	sdelay $0x1  }
0x9e: {  	[tilespmem:v60+s22+$0x0] =	vst.idx.msk $0xffff, v3  }
0x9f: {  	v3 =	vld.idx.msk [tilespmem:v61+s18+$0x0], $0xffff;
	_ =	sdelay $0x2  }
0xa0: {  	v62 =	vor.u32 $0x5, v2;
	_ =	sdelay $0x1  }
0xa1: {  	v3 =	vmul.f32 v3, v4;
	_ =	sdelay $0x1  }
0xa2: {  	[tilespmem:v61+s22+$0x0] =	vst.idx.msk $0xffff, v3  }
0xa3: {  	v3 =	vld.idx.msk [tilespmem:v62+s18+$0x0], $0xffff;
	_ =	sdelay $0x2  }
0xa4: {  	v63 =	vor.u32 $0x6, v2;
	_ =	sdelay $0x1  }
0xa5: {  	v3 =	vmul.f32 v3, v4;
	_ =	sdelay $0x1  }
0xa6: {  	[tilespmem:v62+s22+$0x0] =	vst.idx.msk $0xffff, v3  }
0xa7: {  	v3 =	vld.idx.msk [tilespmem:v63+s18+$0x0], $0xffff;
	_ =	sdelay $0x2  }
0xa8: {  	v2 =	vor.u32 $0x7, v2;
	_ =	sdelay $0x1  }
0xa9: {  	v3 =	vmul.f32 v3, v4;
	_ =	sdelay $0x1  }
0xaa: {  	[tilespmem:v63+s22+$0x0] =	vst.idx.msk $0xffff, v3  }
0xab: {  	v3 =	vld.idx.msk [tilespmem:v2+s18+$0x0], $0xffff;
	_ =	sdelay $0x4  }
0xac: {  	s25 =	sadd.s32 $0x1, s25;
	v3 =	vmul.f32 v3, v4  }
0xad: {  	p0 =	sne.s32 s25, $0x19  }
.Ltmp1:
0xae: {  	[tilespmem:v2+s22+$0x0] =	vst.idx.msk $0xffff, v3;
	(pc) =	sbr.rel @p0 .LBB2_3-.Ltmp1, $4  }
0xaf: {  	[spmem:s2] =	stream.indirect.scatter.add.f32 [tilespmem:s22], [sflag:$0x3], $0x10, s26, s17, $0xb8;
	[tilespmem:$0xE220] =	vst v63  }
0xb0: {  	_ =	swait.ge [sflag:s15], $0x500  }
0xb1: {  	[sflag:s15] =	ssyncset.done $0x0  }
0xb2: {  	[sflag:s15] =	ssyncadd.s32 $0xFFFFFB00  }
0xb3: {  	s23 =	sadd.s32 $0x1, s23  }
0xb4: {  	p0 =	sne.s32 s23, $0x19  }
.Ltmp2:
0xb5: {  	_ = 	snop;
	(pc) =	sbr.rel @p0 .LBB2_2-.Ltmp2, $1  }
0xb6: {  	_ =	sdelay $0x3  }
0xb7: {  	s4 =	sadd.s32 $0x1, s4  }
0xb8: {  	p0 =	sne.s32 s4, s13  }
.Ltmp3:
0xb9: {  	[bflag:$0x0] =	sbarrier.arrive $0xFFFF;
	(pc) =	sbr.rel @p0 .LBB2_1-.Ltmp3, $4  }
0xba: {  	[hbm:s12], [sflag:s10] =	dma.local [spmem:s14], $0x1870  }
0xbb: {  	_ =	swait.ge [sflag:s15], $0x1870  }
0xbc: {  	[sflag:s15] =	ssyncset.done $0x0  }
0xbd: {  	[sflag:s15] =	ssyncadd.s32 $0xFFFFE790  }
0xbe: {  	_ =	sfence.sel $0x180000  }
0xbf: {  	[bflag:$0x0] =	sbarrier.arrive $0xFFFF  }
0xc0: {  	p0 =	sne.s32 s3, $0x0;
	_ =	strace $0x9000004D  }
0xc1: {  	s0 =	sadd.s32 @!p0 $0x100000, s0;
	[bflag:$0x2] =	sbarrier.arrive $0xFFFF  }
0xc2: {  	[sflag:s0] =	ssyncadd.tile.s32 @!p0 $0x1;
	_ =	shalt  }
.Lfunc_end2:
_tile_overlayer_lowered:
.L_overlay_start_2:
0xc3: {  	(tag) =	ssettag $0x2  }
0xc4: {  	s0 =	rddreg [dreg:$0x0];
	s2 =	stileid.u32  }
0xc5: {  	s1 =	rddreg [dreg:$0x1];
	p0 =	sne.s32 s2, $0x0  }
0xc6: {  	s3 =	rddreg [dreg:$0x2];
	[bflag:$0x3] =	sbarrier.arrive $0xFFFF;
	s2 =	simm.s32 @!p0 $0x1C03  }
0xc7: {  	[timem:s3], [sflag:s2] =	dma.local @!p0 [hbm:s0], s1  }
0xc8: {  	s0 =	simm.s32 @!p0 $0x3  }
0xc9: {  	_ =	swait.ge @!p0 [sflag:s0], s1  }
0xca: {  	s1 =	ssub.s32 @!p0 $0x0, s1;
	[sflag:s0] =	ssyncset.done @!p0 $0x0  }
0xcb: {  	[sflag:s0] =	ssyncadd.s32 @!p0 s1  }
0xcc: {  	[bflag:$0x3] =	sbarrier.arrive $0xFFFF  }
0xcd: {  	_ =	shalt  }

// kernel: kernel.17.cloned.1.call-start
scs
__scs_entry_jumppad:
0x0: {  	(pc) =	sbr.rel $0x88, $3  }
0x1: {  	(tag) =	ssettag $0x0;
	lr =	simm.s32 $0x1  }
0x2: {  	[smem:$0x3F96] =	sst lr;
	_ =	strace $0xD0000000  }
0x3: {  	_ = 	snop  }
0x4: {  	_ = 	snop  }
0x5: {  	_ = 	snop  }
0x6: {  	_ = 	snop  }
0x7: {  	_ = 	snop  }
__scs_overlays_trampoline_lowered:
0x8: {  	[smem:$0x3FA5] =	sst s0  }
0x9: {  	[smem:$0x3FA6] =	sst s1  }
0xa: {  	[smem:$0x3FA7] =	sst s2  }
0xb: {  	[smem:$0x3FA8] =	sst s3  }
0xc: {  	[smem:$0x3FA9] =	sst s4  }
0xd: {  	[smem:$0x3FAA] =	sst s5  }
0xe: {  	[smem:$0x3FAB] =	sst s6  }
0xf: {  	[smem:$0x3FAC] =	sst s7  }
0x10: {  	[smem:$0x3FAD] =	sst s8  }
0x11: {  	[smem:$0x3FAE] =	sst s9;
	s0 =	simm.s32 @!p0 $0x0  }
0x12: {  	s1 =	sld [smem:$0x3F94];
	s0 =	simm.s32 @p0 $0x1  }
0x13: {  	[smem:$0x3FAF] =	sst s0;
	s0 =	simm.s32 @!p1 $0x0  }
0x14: {  	s2 =	sld [smem:$0x3F93];
	s0 =	simm.s32 @p1 $0x1  }
0x15: {  	[smem:$0x3FB0] =	sst s0;
	s0 =	simm.s32 @!p2 $0x0  }
0x16: {  	s3 =	sld [smem:$0x3FDB];
	s0 =	simm.s32 @p2 $0x1  }
0x17: {  	s4 =	simm.s32 $0x1BF5;
	[smem:$0x3FB2] =	sst s0  }
0x18: {  	s0 =	sld [smem:$0x3F95];
	_ =	swait.ge [sflag:s4], $0x0  }
0x19: {  	s7 =	sld [smem:$0x3F96]  }
0x1a: {  	s8 =	sadd.s32 $0xFFFFE003, lr  }
0x1b: {  	s9 =	sadd.s32 $0xFFFFFEF7, lr;
	s5 =	simm.s32 $0xFFFFFFFF;
	p2 =	slt.u32 s8, $0xFFFFF086  }
0x1c: {  	p1 =	slt.u32 s9, $0xF7A;
	s5 =	simm.s32 @!p2 $0x0  }
0x1d: {  	s5 =	simm.s32 @p1 $0x1;
	p0 =	seq.s32 s7, s2  }
0x1e: {  	s7 =	smul.u32 @!p0 $0xF7A, s2;
	p2 =	seq.s32 @!p0 s5, $0x0  }
0x1f: {  	s9 =	smul.u32 $0xF7A, s1;
	s8 =	simm.s32 @!p0 $0x1BF5;
	p2 =	por !p2, p0  }
0x20: {  	[sflag:s8] =	ssyncset.s32 @!p0 $0xFFFFF086;
	s6 =	sadd.s32 @!p0 s3, s7;
	s7 =	simm.s32 @!p0 $0x108  }
0x21: {  	s3 =	sadd.s32 s3, s9;
	s6 =	sadd.s32 @!p0 $0x88, s6;
	s7 =	simm.s32 @p2 $0x1082  }
0x22: {  	[simem:s7], [sflag:s8] =	dma.local @!p0 [hbm:s6], $0xF7A  }
0x23: {  	s9 =	sor.u32 $0xD0000000, s2;
	s6 =	simm.s32 $0x108;
	_ =	swait.ge @!p0 [sflag:s8], $0x0  }
0x24: {  	s3 =	sadd.s32 $0x88, s3;
	s6 =	simm.s32 @!p1 $0x1082;
	[sflag:s4] =	ssyncset.s32 $0xFFFFF086  }
0x25: {  	[simem:s6], [sflag:s4] =	dma.local [hbm:s3], $0xF7A  }
0x26: {  	[smem:$0x3F96] =	sst s1;
	(tag) =	ssettag s2;
	_ =	strace s9  }
0x27: {  	s1 =	sld [smem:$0x3FA6]  }
0x28: {  	s2 =	sld [smem:$0x3FA7]  }
0x29: {  	s4 =	sld [smem:$0x3FA9]  }
0x2a: {  	p0 =	seq.s32 s5, $0x0;
	s5 =	sld [smem:$0x3FAA]  }
0x2b: {  	s6 =	sld [smem:$0x3FAB]  }
0x2c: {  	s7 =	sld [smem:$0x3FAC]  }
0x2d: {  	s3 =	simm.s32 $0x108;
	s8 =	sld [smem:$0x3FAD]  }
0x2e: {  	s3 =	simm.s32 @!p0 $0x1082;
	s9 =	sld [smem:$0x3FAE]  }
0x2f: {  	lr =	sadd.s32 s0, s3;
	s0 =	sld [smem:$0x3FA5]  }
0x30: {  	s3 =	sld [smem:$0x3FA8]  }
0x31: {  	[smem:$0x3FB1] =	sst s10  }
0x32: {  	s10 =	sld [smem:$0x3FAF];
	_ =	sdelay $0x3  }
0x33: {  	p0 =	seq.s32 s10, $0x1;
	s10 =	sld [smem:$0x3FB1];
	_ =	sdelay $0x3  }
0x34: {  	[smem:$0x3FB1] =	sst s10  }
0x35: {  	s10 =	sld [smem:$0x3FB0];
	_ =	sdelay $0x3  }
0x36: {  	p1 =	seq.s32 s10, $0x1;
	s10 =	sld [smem:$0x3FB1];
	_ =	sdelay $0x3  }
0x37: {  	[smem:$0x3FB1] =	sst s10  }
0x38: {  	s10 =	sld [smem:$0x3FB2]  }
0x39: {  	_ = 	snop;
	(pc) =	sbr.ind lr, $3  }
0x3a: {  	_ = 	snop  }
0x3b: {  	_ = 	snop  }
0x3c: {  	p2 =	seq.s32 s10, $0x1;
	s10 =	sld [smem:$0x3FB1]  }
0x3d: {  	_ =	shalt  }
0x3e: {  	_ =	shalt  }
0x3f: {  	_ =	shalt  }
0x40: {  	_ =	shalt  }
0x41: {  	_ =	shalt  }
0x42: {  	_ =	shalt  }
0x43: {  	_ =	shalt  }
0x44: {  	_ =	shalt  }
0x45: {  	_ =	shalt  }
0x46: {  	_ =	shalt  }
0x47: {  	_ =	shalt  }
0x48: {  	_ =	shalt  }
0x49: {  	_ =	shalt  }
0x4a: {  	_ =	shalt  }
0x4b: {  	_ =	shalt  }
0x4c: {  	_ =	shalt  }
0x4d: {  	_ =	shalt  }
0x4e: {  	_ =	shalt  }
0x4f: {  	_ =	shalt  }
0x50: {  	_ =	shalt  }
0x51: {  	_ =	shalt  }
0x52: {  	_ =	shalt  }
0x53: {  	_ =	shalt  }
0x54: {  	_ =	shalt  }
0x55: {  	_ =	shalt  }
0x56: {  	_ =	shalt  }
0x57: {  	_ =	shalt  }
0x58: {  	_ =	shalt  }
0x59: {  	_ =	shalt  }
0x5a: {  	_ =	shalt  }
0x5b: {  	_ =	shalt  }
0x5c: {  	_ =	shalt  }
0x5d: {  	_ =	shalt  }
0x5e: {  	_ =	shalt  }
0x5f: {  	_ =	shalt  }
0x60: {  	_ =	shalt  }
0x61: {  	_ =	shalt  }
0x62: {  	_ =	shalt  }
0x63: {  	_ =	shalt  }
0x64: {  	_ =	shalt  }
0x65: {  	_ =	shalt  }
0x66: {  	_ =	shalt  }
0x67: {  	_ =	shalt  }
0x68: {  	_ =	shalt  }
0x69: {  	_ =	shalt  }
0x6a: {  	_ =	shalt  }
0x6b: {  	_ =	shalt  }
0x6c: {  	_ =	shalt  }
0x6d: {  	_ =	shalt  }
0x6e: {  	_ =	shalt  }
0x6f: {  	_ =	shalt  }
0x70: {  	_ =	shalt  }
0x71: {  	_ =	shalt  }
0x72: {  	_ =	shalt  }
0x73: {  	_ =	shalt  }
0x74: {  	_ =	shalt  }
0x75: {  	_ =	shalt  }
0x76: {  	_ =	shalt  }
0x77: {  	_ =	shalt  }
0x78: {  	_ =	shalt  }
0x79: {  	_ =	shalt  }
0x7a: {  	_ =	shalt  }
0x7b: {  	_ =	shalt  }
0x7c: {  	_ =	shalt  }
0x7d: {  	_ =	shalt  }
0x7e: {  	_ =	shalt  }
0x7f: {  	_ =	shalt  }
0x80: {  	_ =	shalt  }
0x81: {  	_ =	shalt  }
0x82: {  	_ =	shalt  }
0x83: {  	_ =	shalt  }
0x84: {  	_ =	shalt  }
0x85: {  	_ =	shalt  }
0x86: {  	_ =	shalt  }
0x87: {  	_ =	shalt  }
.Lfunc_end0:
.L_simem_size_0:
called_computation.3_lowered:
.L_overlay_start_0:
0x88: {  	s2 =	sld [smem:$0x3FD9]  }
0x89: {  	s3 =	sld [smem:$0x3FFE];
	_ =	sdelay $0x1  }
0x8a: {  	s1 =	srdreg.scid  }
0x8b: {  	s0 =	sand.u32 $0x1, s1  }
0x8c: {  	s17 =	sshll.u32 s0, $0xA;
	s2 =	sadd.s32 s3, s2  }
0x8d: {  	s2 =	sadd.s32 s2, s17  }
0x8e: {  	[smem:$0x3FBD] =	sst s2  }
0x8f: {  	_ = 	snop  }
0x90: {  	s18 =	sld [smem:$0x3FD0];
	(tm) =	ssettm $0x1  }
0x91: {  	s19 =	sld [smem:$0x3FFB];
	_ =	sdelay $0x3  }
0x92: {  	_ =	strace s19  }
0x93: {  	s2 =	sld [smem:$0x3FFC];
	_ =	sdelay $0x3  }
0x94: {  	_ =	strace s2  }
0x95: {  	s2 =	sld [smem:$0x3FFD];
	_ =	sdelay $0x3  }
0x96: {  	_ =	strace s2  }
0x97: {  	_ =	strace $0x8FFFFFFF  }
0x98: {  	s20 =	sld [smem:$0x3FDB];
	_ =	sdelay $0x1  }
0x99: {  	s4 =	simm.s32 $_scs_section_size  }
0x9a: {  	s5 =	simm.s32 $_size__tile_overlayer_lowered;
	s6 =	simm.s32 $_tile_overlayer_lowered  }
0x9b: {  	s7 =	simm.s32 $0x1BFF;
	s21 =	sshll.u32 s6, $0x1;
	s4 =	sadd.s32 s4, s20  }
0x9c: {  	s22 =	simm.s32 $0x0;
	s5 =	sshll.u32 s5, $0x1;
	s6 =	sadd.s32 s21, s4  }
0x9d: {  	[timem:s22], [sflag:s7] =	dma.local [hbm:s6], s5  }
0x9e: {  	_ =	swait.ge [sflag:s7], s5  }
0x9f: {  	s5 =	ssub.s32 $0x0, s5;
	[sflag:s7] =	ssyncset.done $0x0  }
0xa0: {  	[sflag:s7] =	ssyncadd.s32 s5;
	_ =	sdelay $0x1  }
0xa1: {  	s23 =	simm.s32 $0x1B8B  }
0xa2: {  	_ =	swait.ge [sflag:s23], $0x1  }
0xa3: {  	[sflag:s23] =	ssyncset.done $0x0  }
0xa4: {  	[sflag:s23] =	ssyncadd.s32 $0xFFFFFFFF  }
0xa5: {  	s5 =	sld [smem:$0x0]  }
0xa6: {  	s6 =	sand.u32 $0xFFFFFFFE, s1  }
0xa7: {  	p0 =	sne.s32 s1, s6  }
0xa8: {  	s6 =	sshll.u32 @p0 s6, $0xE  }
0xa9: {  	s6 =	sadd.s32 @p0 $0x11B8D, s6;
	s7 =	sshll.u32 @p0 s5, $0x11  }
0xaa: {  	s6 =	sor.u32 @p0 s7, s6  }
0xab: {  	[sflag:s6] =	ssyncadd.remote.s32 @p0 $0x1;
	_ =	sdelay $0x1  }
0xac: {  	s6 =	simm.s32 @p0 $0x1B8D  }
0xad: {  	_ =	swait.eq @p0 [sflag:s6], $0x1  }
0xae: {  	[sflag:s6] =	ssyncadd.s32 @p0 $0xFFFFFFFF  }
0xaf: {  	s7 =	sshll.u32 @!p0 s1, $0xE  }
0xb0: {  	s7 =	sor.u32 @!p0 $0x4000, s7;
	s6 =	simm.s32 @!p0 $0x1B8D  }
0xb1: {  	s5 =	sshll.u32 @!p0 s5, $0x11;
	s7 =	sadd.s32 @!p0 $0x11B8D, s7;
	_ =	swait.eq @!p0 [sflag:s6], $0x1  }
0xb2: {  	s5 =	sor.u32 @!p0 s5, s7;
	[sflag:s6] =	ssyncadd.s32 @!p0 $0xFFFFFFFF  }
0xb3: {  	s25 =	simm.s32 $0x1B8E;
	s24 =	sld [smem:$0x3FFE];
	[sflag:s5] =	ssyncadd.remote.s32 @!p0 $0x1  }
0xb4: {  	s26 =	simm.s32 $execute0_lowered;
	[smem:$0x3FD2] =	sst s25  }
0xb5: {  	s6 =	sshll.u32 s26, $0x1;
	_ =	strace $0x8000004F;
	[dreg:$0x1] =	wrdreg $0xFFFFFFFF  }
0xb6: {  	s28 =	simm.s32 $_size_execute0_lowered;
	s4 =	sadd.s32 s4, s6;
	[dreg:$0x0] =	wrdreg $0x0  }
0xb7: {  	s6 =	sshll.u32 s28, $0x1;
	[dreg:$0x2] =	wrdreg s4  }
0xb8: {  	[dreg:$0x3] =	wrdreg s6  }
0xb9: {  	[dreg:$0x4] =	wrdreg $0xC0  }
0xba: {  	_ =	task [dreg:s22], $0x5FFFF  }
0xbb: {  	[dreg:$0x1] =	wrdreg $0xFFFFFFFF  }
0xbc: {  	[dreg:$0x0] =	wrdreg $0x60  }
0xbd: {  	[dreg:$0x2] =	wrdreg s24  }
0xbe: {  	[dreg:$0x3] =	wrdreg s18  }
0xbf: {  	[dreg:$0x4] =	wrdreg $0x1EA00  }
0xc0: {  	[dreg:$0x5] =	wrdreg $0xC  }
0xc1: {  	_ =	task.clear_ibuf [dreg:s22], $0x6FFFF;
	_ =	strace $0x9000004F  }
0xc2: {  	s29 =	simm.s32 $0xC;
	_ =	strace $0x80000051  }
0xc3: {  	_ =	swait.ge [sflag:s29], $0x1  }
0xc4: {  	[sflag:s29] =	ssyncadd.s32 $0xFFFFFFFF  }
0xc5: {  	_ =	strace $0x90000051  }
0xc6: {  	_ =	sfence  }
0xc7: {  	s30 =	sld [smem:$0x0];
	_ =	sdelay $0x2  }
0xc8: {  	s31 =	sshll.u32 s1, $0xD;
	s1 =	sshrl.u32 s1, $0x2  }
0xc9: {  	s4 =	sand.u32 $0x4000, s31;
	s1 =	sadd.s32 s1, s30  }
0xca: {  	s0 =	sor.u32 s4, s0;
	s1 =	sshll.u32 s1, $0x11  }
0xcb: {  	s0 =	sor.u32 s1, s0  }
0xcc: {  	s0 =	sadd.s32 $0x8F2B, s0  }
0xcd: {  	[sflag:s0] =	ssyncadd.remote.s32 $0x1  }
0xce: {  	_ =	sfence.sel $0xFFFF  }
0xcf: {  	[dreg:$0x0] =	wrdreg $0xFFFFFFFF;
	(pc) =	sbr.abs _section_cstart, $3  }
0xd0: {  	[dreg:$0x1] =	wrdreg $0xFFFFFFFF  }
0xd1: {  	_ =	task.clear_ibuf [dreg:s22], $0x2FFFF;
	_ =	strace $0x9FFFFFFF  }
0xd2: {  	(tm) =	ssettm $0x7FFFFFFF  }
0xd3: {  	_ =	shalt  }
tec
execute0_lowered:
.L_overlay_start_1:
0x0: {  	(tag) =	ssettag $0x1  }
0x1: {  	s9 =	rddreg [dreg:$0x0]  }
0x2: {  	s1 =	rddreg [dreg:$0x1]  }
0x3: {  	s2 =	rddreg [dreg:$0x2]  }
0x4: {  	s0 =	rddreg [dreg:$0x3];
	s4 =	simm.s32 $0x0;
	s12 =	srdreg.scid  }
0x5: {  	s3 =	stileid.u32;
	s18 =	simm.s32 $0xFA0;
	s19 =	simm.s32 $0x14A0  }
0x6: {  	s20 =	simm.s32 $0x1;
	s21 =	simm.s32 $0x2;
	s22 =	simm.s32 $0x19A0  }
0x7: {  	[smem:$0x7FF] =	sst s4;
	s10 =	sand.u32 $0x1, s12;
	s13 =	smul.u32 $0xC380, s3  }
0x8: {  	s5 =	sadd.s32 $0x233E00, s9;
	s6 =	sadd.s32 $0x7C000, s9;
	s7 =	sadd.s32 $0xC5600, s9  }
0x9: {  	s8 =	sadd.s32 $0x188C00, s9;
	s26 =	smul.u32 $0x30E00, s3;
	s30 =	sshll.u32 s3, $0x6  }
0xa: {  	s31 =	sshllo.u32 s12, $0x2;
	s11 =	smul.u32 $0xC3800, s10;
	_ =	strace $0x80000050  }
0xb: {  	s14 =	ssub.s32 $0x2, s10;
	s15 =	smul.u32 $0xC3500, s10;
	s10 =	sor.u32 $0x1C03, s30  }
0xc: {  	s28 =	sshrl.u32 s14, $0x1;
	s29 =	sshrl.u32 s26, $0x2;
	s11 =	sadd.s32 s13, s11  }
0xd: {  	s14 =	ssub.s32 s14, s28;
	s17 =	sadd.s32 s29, s2;
	s11 =	sshrl.u32 s11, $0x3  }
0xe: {  	v0 =	vmov s31;
	s13 =	smax.u32 s14, $0x1;
	s16 =	sadd.s32 s11, s9;
	s9 =	smul.u32 $0xC350, s3  }
0xf: {  	v1 =	vlaneseq.u32;
	v0 =	vand.u32 $0x7, v0;
	s14 =	sshrl.u32 s17, $0x3;
	s17 =	simm.s32 $0x50;
	s12 =	sadd.s32 $0x264C00, s16  }
0x10: {  	v1 =	vmul.u32 $0x10, v1;
	v0 =	vbroadcast v0, $0x0;
	s16 =	simm.s32 $0x7D0;
	s11 =	sadd.s32 s15, s9;
	s15 =	simm.s32 $0x3  }
.LBB2_1:
0x11: {  	[spmem:s14], [sflag:s10] =	dma.local [hbm:s1], $0x1870  }
0x12: {  	_ =	swait.ge [sflag:s15], $0x1870  }
0x13: {  	[sflag:s15] =	ssyncset.done $0x0  }
0x14: {  	[sflag:s15] =	ssyncadd.s32 $0xFFFFE790  }
0x15: {  	s23 =	simm.s32 $0x0;
	[bflag:$0x0] =	sbarrier.arrive $0xFFFF  }
.LBB2_2:
0x16: {  	s25 =	smul.u32 $0x7D0, s23;
	_ =	sdelay $0x1  }
0x17: {  	s24 =	sadd.s32 s11, s25  }
0x18: {  	s24 =	sshrl.u32 s24, $0x3  }
0x19: {  	s26 =	sadd.s32 s5, s24;
	s24 =	simm.s32 $0x0  }
0x1a: {  	[tilespmem:s24], [sflag:$0x3] =	stream.linear.gather [hbm4b:s26+s24], $0x7D0, $0x38;
	[tilespmem:$0xE220] =	vst v63  }
0x1b: {  	s25 =	sadd.s32 s9, s25;
	_ =	swait.ge [sflag:s15], $0x7D0  }
0x1c: {  	s25 =	sshrl.u32 s25, $0x3;
	[sflag:s15] =	ssyncset.done $0x0  }
0x1d: {  	s25 =	sadd.s32 s6, s25;
	[sflag:s15] =	ssyncadd.s32 $0xFFFFF830  }
0x1e: {  	[tilespmem:s16], [sflag:$0x3] =	stream.linear.gather [hbm4b:s25+s24], $0x7D0, $0x38;
	[tilespmem:$0xE220] =	vst v63  }
0x1f: {  	_ =	swait.ge [sflag:s15], $0x7D0  }
0x20: {  	[sflag:s15] =	ssyncset.done $0x0  }
0x21: {  	s25 =	simm.s32 $0x0;
	[sflag:s15] =	ssyncadd.s32 $0xFFFFF830  }
.LBB2_3:
0x22: {  	s26 =	smul.u32 $0x50, s25;
	_ =	sdelay $0x1  }
0x23: {  	[tilespmem:s18], [sflag:$0x1] =	stream.indirect.gather [hbm4b:s7+s17], $0x10, s26, s17, $0xb8;
	[tilespmem:$0xE220] =	vst v63  }
0x24: {  	v2 =	vmov s24;
	s26 =	sadd.s32 $0x7D0, s26  }
0x25: {  	v2 =	vshll.u32 v2, $0x4;
	[tilespmem:s19], [sflag:$0x2] =	stream.indirect.gather [hbm4b:s8+s17], $0x10, s26, s17, $0xb8;
	[tilespmem:$0xE220] =	vst v63  }
0x26: {  	v2 =	vor.u32 v1, v2;
	_ =	swait.ge [sflag:s20], $0x500  }
0x27: {  	v3 =	vor.u32 $0x8, v2;
	[sflag:s20] =	ssyncset.done $0x0  }
0x28: {  	v4 =	vor.u32 v0, v2;
	[sflag:s20] =	ssyncadd.s32 $0xFFFFFB00  }
0x29: {  	_ =	swait.ge [sflag:s21], $0x500  }
0x2a: {  	[sflag:s21] =	ssyncset.done $0x0  }
0x2b: {  	[sflag:s21] =	ssyncadd.s32 $0xFFFFFB00  }
0x2c: {  	v5 =	vld.idx.msk [tilespmem:v3+s18+$0x0], $0xffff  }
0x2d: {  	v4 =	vld.idx.msk [tilespmem:v4+s19+$0x0], $0xffff;
	_ =	sdelay $0x4  }
0x2e: {  	v4 =	vadd.f32 v4, v5;
	_ =	sdelay $0x1  }
0x2f: {  	v5 =	vmul.f32 $2.000000030e-01, v4;
	_ =	sdelay $0x1  }
0x30: {  	v4 =	vmax.f32 v4, v5  }
0x31: {  	v4 =	vmul.f32 $1.442695020e+00, v4;
	_ =	sdelay $0x1  }
0x32: {  	(erf) = vpow2.f32 v4;
	_ =	sdelay $0x8  }
0x33: {  	v6 =	vpop (erf)  }
0x34: {  	[tilespmem:v3+s22+$0x0] =	vst.idx.msk $0xffff, v6  }
0x35: {  	v3 =	vld.idx.msk [tilespmem:v2+s18+$0x0], $0xffff;
	_ =	sdelay $0x2  }
0x36: {  	v4 =	vor.u32 $0x1, v2;
	_ =	sdelay $0x1  }
0x37: {  	v3 =	vmul.f32 v6, v3;
	_ =	sdelay $0x1  }
0x38: {  	[tilespmem:v2+s22+$0x0] =	vst.idx.msk $0xffff, v3  }
0x39: {  	v3 =	vld.idx.msk [tilespmem:v4+s18+$0x0], $0xffff;
	_ =	sdelay $0x2  }
0x3a: {  	v5 =	vor.u32 $0x2, v2;
	_ =	sdelay $0x1  }
0x3b: {  	v3 =	vmul.f32 v6, v3;
	_ =	sdelay $0x1  }
0x3c: {  	[tilespmem:v4+s22+$0x0] =	vst.idx.msk $0xffff, v3  }
0x3d: {  	v3 =	vld.idx.msk [tilespmem:v5+s18+$0x0], $0xffff;
	_ =	sdelay $0x2  }
0x3e: {  	v4 =	vor.u32 $0x3, v2;
	_ =	sdelay $0x1  }
0x3f: {  	v3 =	vmul.f32 v3, v6;
	_ =	sdelay $0x1  }
0x40: {  	[tilespmem:v5+s22+$0x0] =	vst.idx.msk $0xffff, v3  }
0x41: {  	v3 =	vld.idx.msk [tilespmem:v4+s18+$0x0], $0xffff;
	_ =	sdelay $0x2  }
0x42: {  	v5 =	vor.u32 $0x4, v2;
	_ =	sdelay $0x1  }
0x43: {  	v3 =	vmul.f32 v3, v6;
	_ =	sdelay $0x1  }
0x44: {  	[tilespmem:v4+s22+$0x0] =	vst.idx.msk $0xffff, v3  }
0x45: {  	v3 =	vld.idx.msk [tilespmem:v5+s18+$0x0], $0xffff;
	_ =	sdelay $0x2  }
0x46: {  	v4 =	vor.u32 $0x5, v2;
	_ =	sdelay $0x1  }
0x47: {  	v3 =	vmul.f32 v3, v6;
	_ =	sdelay $0x1  }
0x48: {  	[tilespmem:v5+s22+$0x0] =	vst.idx.msk $0xffff, v3  }
0x49: {  	v3 =	vld.idx.msk [tilespmem:v4+s18+$0x0], $0xffff;
	_ =	sdelay $0x2  }
0x4a: {  	v5 =	vor.u32 $0x6, v2;
	_ =	sdelay $0x1  }
0x4b: {  	v3 =	vmul.f32 v3, v6;
	_ =	sdelay $0x1  }
0x4c: {  	[tilespmem:v4+s22+$0x0] =	vst.idx.msk $0xffff, v3  }
0x4d: {  	v3 =	vld.idx.msk [tilespmem:v5+s18+$0x0], $0xffff;
	_ =	sdelay $0x2  }
0x4e: {  	v4 =	vor.u32 $0x7, v2;
	_ =	sdelay $0x1  }
0x4f: {  	v2 =	vmul.f32 v3, v6;
	_ =	sdelay $0x1  }
0x50: {  	s28 =	simm.s32 $0x10;
	[tilespmem:v5+s22+$0x0] =	vst.idx.msk $0xffff, v2  }
0x51: {  	v2 =	vmov s28;
	v7 =	vld.idx.msk [tilespmem:v4+s18+$0x0], $0xffff  }
0x52: {  	v2 =	vshll.u32 v2, $0x4  }
0x53: {  	v2 =	vor.u32 v1, v2  }
0x54: {  	v3 =	vor.u32 $0x8, v2  }
0x55: {  	v5 =	vor.u32 v0, v2  }
0x56: {  	s28 =	simm.s32 $0x20;
	v6 =	vmul.f32 v7, v6  }
.LBB2_4:
0x57: {  	p0 =	sne.s32 s28, $0x40;
	s29 =	smov.u32 s28;
	s28 =	sadd.s32 $0x10, s28  }
0x58: {  	[tilespmem:v4+s22+$0x0] =	vst.idx.msk $0xffff, v6  }
0x59: {  	v4 =	vld.idx.msk [tilespmem:v3+s18+$0x0], $0xffff  }
0x5a: {  	v5 =	vld.idx.msk [tilespmem:v5+s19+$0x0], $0xffff;
	_ =	sdelay $0x5  }
0x5b: {  	v4 =	vadd.f32 v5, v4;
	_ =	sdelay $0x1  }
0x5c: {  	v5 =	vmul.f32 $2.000000030e-01, v4;
	_ =	sdelay $0x1  }
0x5d: {  	v4 =	vmax.f32 v4, v5  }
0x5e: {  	v4 =	vmul.f32 $1.442695020e+00, v4;
	_ =	sdelay $0x1  }
0x5f: {  	(erf) = vpow2.f32 v4;
	_ =	sdelay $0x8  }
0x60: {  	v6 =	vpop (erf)  }
0x61: {  	[tilespmem:v3+s22+$0x0] =	vst.idx.msk $0xffff, v6  }
0x62: {  	v3 =	vld.idx.msk [tilespmem:v2+s18+$0x0], $0xffff;
	_ =	sdelay $0x2  }
0x63: {  	v4 =	vor.u32 $0x1, v2;
	_ =	sdelay $0x2  }
0x64: {  	v3 =	vmul.f32 v6, v3;
	_ =	sdelay $0x1  }
0x65: {  	[tilespmem:v2+s22+$0x0] =	vst.idx.msk $0xffff, v3  }
0x66: {  	v3 =	vld.idx.msk [tilespmem:v4+s18+$0x0], $0xffff;
	_ =	sdelay $0x2  }
0x67: {  	v5 =	vor.u32 $0x2, v2;
	_ =	sdelay $0x2  }
0x68: {  	v3 =	vmul.f32 v6, v3;
	_ =	sdelay $0x1  }
0x69: {  	[tilespmem:v4+s22+$0x0] =	vst.idx.msk $0xffff, v3  }
0x6a: {  	v3 =	vld.idx.msk [tilespmem:v5+s18+$0x0], $0xffff;
	_ =	sdelay $0x2  }
0x6b: {  	v4 =	vor.u32 $0x3, v2;
	_ =	sdelay $0x2  }
0x6c: {  	v3 =	vmul.f32 v3, v6;
	_ =	sdelay $0x1  }
0x6d: {  	[tilespmem:v5+s22+$0x0] =	vst.idx.msk $0xffff, v3  }
0x6e: {  	v3 =	vld.idx.msk [tilespmem:v4+s18+$0x0], $0xffff;
	_ =	sdelay $0x2  }
0x6f: {  	v5 =	vor.u32 $0x4, v2;
	_ =	sdelay $0x2  }
0x70: {  	v3 =	vmul.f32 v3, v6;
	_ =	sdelay $0x1  }
0x71: {  	[tilespmem:v4+s22+$0x0] =	vst.idx.msk $0xffff, v3  }
0x72: {  	v3 =	vld.idx.msk [tilespmem:v5+s18+$0x0], $0xffff;
	_ =	sdelay $0x2  }
0x73: {  	v4 =	vor.u32 $0x5, v2;
	_ =	sdelay $0x2  }
0x74: {  	v3 =	vmul.f32 v3, v6;
	_ =	sdelay $0x1  }
0x75: {  	[tilespmem:v5+s22+$0x0] =	vst.idx.msk $0xffff, v3  }
0x76: {  	v3 =	vld.idx.msk [tilespmem:v4+s18+$0x0], $0xffff;
	_ =	sdelay $0x2  }
0x77: {  	v5 =	vor.u32 $0x6, v2;
	_ =	sdelay $0x2  }
0x78: {  	v3 =	vmul.f32 v3, v6;
	_ =	sdelay $0x1  }
0x79: {  	[tilespmem:v4+s22+$0x0] =	vst.idx.msk $0xffff, v3  }
0x7a: {  	v3 =	vld.idx.msk [tilespmem:v5+s18+$0x0], $0xffff;
	_ =	sdelay $0x2  }
0x7b: {  	v4 =	vor.u32 $0x7, v2;
	_ =	sdelay $0x2  }
0x7c: {  	v2 =	vmul.f32 v3, v6;
	_ =	sdelay $0x1  }
0x7d: {  	[tilespmem:v5+s22+$0x0] =	vst.idx.msk $0xffff, v2  }
0x7e: {  	v7 =	vld.idx.msk [tilespmem:v4+s18+$0x0], $0xffff  }
0x7f: {  	v2 =	vmov s29  }
.Ltmp0:
0x80: {  	v2 =	vshll.u32 v2, $0x4;
	(pc) =	sbr.rel @p0 .LBB2_4-.Ltmp0, $3  }
0x81: {  	v2 =	vor.u32 v1, v2  }
0x82: {  	v3 =	vor.u32 $0x8, v2;
	v5 =	vor.u32 v0, v2;
	_ =	sdelay $0x1  }
0x83: {  	v6 =	vmul.f32 v7, v6  }
0x84: {  	_ =	sdelay $0x3  }
0x85: {  	[tilespmem:v4+s22+$0x0] =	vst.idx.msk $0xffff, v6  }
0x86: {  	v4 =	vld.idx.msk [tilespmem:v3+s18+$0x0], $0xffff  }
0x87: {  	v5 =	vld.idx.msk [tilespmem:v5+s19+$0x0], $0xffff;
	_ =	sdelay $0x4  }
0x88: {  	v4 =	vadd.f32 v5, v4;
	_ =	sdelay $0x1  }
0x89: {  	v5 =	vmul.f32 $2.000000030e-01, v4;
	_ =	sdelay $0x1  }
0x8a: {  	v4 =	vmax.f32 v4, v5  }
0x8b: {  	v4 =	vmul.f32 $1.442695020e+00, v4;
	_ =	sdelay $0x1  }
0x8c: {  	(erf) = vpow2.f32 v4;
	_ =	sdelay $0x8  }
0x8d: {  	v4 =	vpop (erf)  }
0x8e: {  	[tilespmem:v3+s22+$0x0] =	vst.idx.msk $0xffff, v4  }
0x8f: {  	v3 =	vld.idx.msk [tilespmem:v2+s18+$0x0], $0xffff;
	_ =	sdelay $0x2  }
0x90: {  	v58 =	vor.u32 $0x1, v2;
	_ =	sdelay $0x1  }
0x91: {  	v3 =	vmul.f32 v4, v3;
	_ =	sdelay $0x1  }
0x92: {  	[tilespmem:v2+s22+$0x0] =	vst.idx.msk $0xffff, v3  }
0x93: {  	v3 =	vld.idx.msk [tilespmem:v58+s18+$0x0], $0xffff;
	_ =	sdelay $0x2  }
0x94: {  	v59 =	vor.u32 $0x2, v2;
	_ =	sdelay $0x1  }
0x95: {  	v3 =	vmul.f32 v4, v3;
	_ =	sdelay $0x1  }
0x96: {  	[tilespmem:v58+s22+$0x0] =	vst.idx.msk $0xffff, v3  }
0x97: {  	v3 =	vld.idx.msk [tilespmem:v59+s18+$0x0], $0xffff;
	_ =	sdelay $0x2  }
0x98: {  	v60 =	vor.u32 $0x3, v2;
	_ =	sdelay $0x1  }
0x99: {  	v3 =	vmul.f32 v3, v4;
	_ =	sdelay $0x1  }
0x9a: {  	[tilespmem:v59+s22+$0x0] =	vst.idx.msk $0xffff, v3  }
0x9b: {  	v3 =	vld.idx.msk [tilespmem:v60+s18+$0x0], $0xffff;
	_ =	sdelay $0x2  }
0x9c: {  	v61 =	vor.u32 $0x4, v2;
	_ =	sdelay $0x1  }
0x9d: {  	v3 =	vmul.f32 v3, v4;
	_ =	sdelay $0x1  }
0x9e: {  	[tilespmem:v60+s22+$0x0] =	vst.idx.msk $0xffff, v3  }
0x9f: {  	v3 =	vld.idx.msk [tilespmem:v61+s18+$0x0], $0xffff;
	_ =	sdelay $0x2  }
0xa0: {  	v62 =	vor.u32 $0x5, v2;
	_ =	sdelay $0x1  }
0xa1: {  	v3 =	vmul.f32 v3, v4;
	_ =	sdelay $0x1  }
0xa2: {  	[tilespmem:v61+s22+$0x0] =	vst.idx.msk $0xffff, v3  }
0xa3: {  	v3 =	vld.idx.msk [tilespmem:v62+s18+$0x0], $0xffff;
	_ =	sdelay $0x2  }
0xa4: {  	v63 =	vor.u32 $0x6, v2;
	_ =	sdelay $0x1  }
0xa5: {  	v3 =	vmul.f32 v3, v4;
	_ =	sdelay $0x1  }
0xa6: {  	[tilespmem:v62+s22+$0x0] =	vst.idx.msk $0xffff, v3  }
0xa7: {  	v3 =	vld.idx.msk [tilespmem:v63+s18+$0x0], $0xffff;
	_ =	sdelay $0x2  }
0xa8: {  	v2 =	vor.u32 $0x7, v2;
	_ =	sdelay $0x1  }
0xa9: {  	v3 =	vmul.f32 v3, v4;
	_ =	sdelay $0x1  }
0xaa: {  	[tilespmem:v63+s22+$0x0] =	vst.idx.msk $0xffff, v3  }
0xab: {  	v3 =	vld.idx.msk [tilespmem:v2+s18+$0x0], $0xffff;
	_ =	sdelay $0x4  }
0xac: {  	s25 =	sadd.s32 $0x1, s25;
	v3 =	vmul.f32 v3, v4  }
0xad: {  	p0 =	sne.s32 s25, $0x19  }
.Ltmp1:
0xae: {  	[tilespmem:v2+s22+$0x0] =	vst.idx.msk $0xffff, v3;
	(pc) =	sbr.rel @p0 .LBB2_3-.Ltmp1, $4  }
0xaf: {  	[spmem:s2] =	stream.indirect.scatter.add.f32 [tilespmem:s22], [sflag:$0x3], $0x10, s26, s17, $0xb8;
	[tilespmem:$0xE220] =	vst v63  }
0xb0: {  	_ =	swait.ge [sflag:s15], $0x500  }
0xb1: {  	[sflag:s15] =	ssyncset.done $0x0  }
0xb2: {  	[sflag:s15] =	ssyncadd.s32 $0xFFFFFB00  }
0xb3: {  	s23 =	sadd.s32 $0x1, s23  }
0xb4: {  	p0 =	sne.s32 s23, $0x19  }
.Ltmp2:
0xb5: {  	_ = 	snop;
	(pc) =	sbr.rel @p0 .LBB2_2-.Ltmp2, $1  }
0xb6: {  	_ =	sdelay $0x3  }
0xb7: {  	s4 =	sadd.s32 $0x1, s4  }
0xb8: {  	p0 =	sne.s32 s4, s13  }
.Ltmp3:
0xb9: {  	[bflag:$0x0] =	sbarrier.arrive $0xFFFF;
	(pc) =	sbr.rel @p0 .LBB2_1-.Ltmp3, $4  }
0xba: {  	[hbm:s12], [sflag:s10] =	dma.local [spmem:s14], $0x1870  }
0xbb: {  	_ =	swait.ge [sflag:s15], $0x1870  }
0xbc: {  	[sflag:s15] =	ssyncset.done $0x0  }
0xbd: {  	[sflag:s15] =	ssyncadd.s32 $0xFFFFE790  }
0xbe: {  	_ =	sfence.sel $0x180000  }
0xbf: {  	[bflag:$0x0] =	sbarrier.arrive $0xFFFF  }
0xc0: {  	p0 =	sne.s32 s3, $0x0;
	_ =	strace $0x90000050  }
0xc1: {  	s0 =	sadd.s32 @!p0 $0x100000, s0;
	[bflag:$0x2] =	sbarrier.arrive $0xFFFF  }
0xc2: {  	[sflag:s0] =	ssyncadd.tile.s32 @!p0 $0x1;
	_ =	shalt  }
.Lfunc_end2:
_tile_overlayer_lowered:
.L_overlay_start_2:
0xc3: {  	(tag) =	ssettag $0x2  }
0xc4: {  	s0 =	rddreg [dreg:$0x0];
	s2 =	stileid.u32  }
0xc5: {  	s1 =	rddreg [dreg:$0x1];
	p0 =	sne.s32 s2, $0x0  }
0xc6: {  	s3 =	rddreg [dreg:$0x2];
	[bflag:$0x3] =	sbarrier.arrive $0xFFFF;
	s2 =	simm.s32 @!p0 $0x1C03  }
0xc7: {  	[timem:s3], [sflag:s2] =	dma.local @!p0 [hbm:s0], s1  }
0xc8: {  	s0 =	simm.s32 @!p0 $0x3  }
0xc9: {  	_ =	swait.ge @!p0 [sflag:s0], s1  }
0xca: {  	s1 =	ssub.s32 @!p0 $0x0, s1;
	[sflag:s0] =	ssyncset.done @!p0 $0x0  }
0xcb: {  	[sflag:s0] =	ssyncadd.s32 @!p0 s1  }
0xcc: {  	[bflag:$0x3] =	sbarrier.arrive $0xFFFF  }
0xcd: {  	_ =	shalt  }

// kernel: kernel.8.cloned.1.call-start
scs
__scs_entry_jumppad:
0x0: {  	(pc) =	sbr.rel $0x88, $3  }
0x1: {  	(tag) =	ssettag $0x0;
	lr =	simm.s32 $0x1  }
0x2: {  	[smem:$0x3F96] =	sst lr;
	_ =	strace $0xD0000000  }
0x3: {  	_ = 	snop  }
0x4: {  	_ = 	snop  }
0x5: {  	_ = 	snop  }
0x6: {  	_ = 	snop  }
0x7: {  	_ = 	snop  }
__scs_overlays_trampoline_lowered:
0x8: {  	[smem:$0x3FA5] =	sst s0  }
0x9: {  	[smem:$0x3FA6] =	sst s1  }
0xa: {  	[smem:$0x3FA7] =	sst s2  }
0xb: {  	[smem:$0x3FA8] =	sst s3  }
0xc: {  	[smem:$0x3FA9] =	sst s4  }
0xd: {  	[smem:$0x3FAA] =	sst s5  }
0xe: {  	[smem:$0x3FAB] =	sst s6  }
0xf: {  	[smem:$0x3FAC] =	sst s7  }
0x10: {  	[smem:$0x3FAD] =	sst s8  }
0x11: {  	[smem:$0x3FAE] =	sst s9;
	s0 =	simm.s32 @!p0 $0x0  }
0x12: {  	s1 =	sld [smem:$0x3F94];
	s0 =	simm.s32 @p0 $0x1  }
0x13: {  	[smem:$0x3FAF] =	sst s0;
	s0 =	simm.s32 @!p1 $0x0  }
0x14: {  	s2 =	sld [smem:$0x3F93];
	s0 =	simm.s32 @p1 $0x1  }
0x15: {  	[smem:$0x3FB0] =	sst s0;
	s0 =	simm.s32 @!p2 $0x0  }
0x16: {  	s3 =	sld [smem:$0x3FDB];
	s0 =	simm.s32 @p2 $0x1  }
0x17: {  	s4 =	simm.s32 $0x1BF5;
	[smem:$0x3FB2] =	sst s0  }
0x18: {  	s0 =	sld [smem:$0x3F95];
	_ =	swait.ge [sflag:s4], $0x0  }
0x19: {  	s7 =	sld [smem:$0x3F96]  }
0x1a: {  	s8 =	sadd.s32 $0xFFFFE003, lr  }
0x1b: {  	s9 =	sadd.s32 $0xFFFFFEF7, lr;
	s5 =	simm.s32 $0xFFFFFFFF;
	p2 =	slt.u32 s8, $0xFFFFF086  }
0x1c: {  	p1 =	slt.u32 s9, $0xF7A;
	s5 =	simm.s32 @!p2 $0x0  }
0x1d: {  	s5 =	simm.s32 @p1 $0x1;
	p0 =	seq.s32 s7, s2  }
0x1e: {  	s7 =	smul.u32 @!p0 $0xF7A, s2;
	p2 =	seq.s32 @!p0 s5, $0x0  }
0x1f: {  	s9 =	smul.u32 $0xF7A, s1;
	s8 =	simm.s32 @!p0 $0x1BF5;
	p2 =	por !p2, p0  }
0x20: {  	[sflag:s8] =	ssyncset.s32 @!p0 $0xFFFFF086;
	s6 =	sadd.s32 @!p0 s3, s7;
	s7 =	simm.s32 @!p0 $0x108  }
0x21: {  	s3 =	sadd.s32 s3, s9;
	s6 =	sadd.s32 @!p0 $0x88, s6;
	s7 =	simm.s32 @p2 $0x1082  }
0x22: {  	[simem:s7], [sflag:s8] =	dma.local @!p0 [hbm:s6], $0xF7A  }
0x23: {  	s9 =	sor.u32 $0xD0000000, s2;
	s6 =	simm.s32 $0x108;
	_ =	swait.ge @!p0 [sflag:s8], $0x0  }
0x24: {  	s3 =	sadd.s32 $0x88, s3;
	s6 =	simm.s32 @!p1 $0x1082;
	[sflag:s4] =	ssyncset.s32 $0xFFFFF086  }
0x25: {  	[simem:s6], [sflag:s4] =	dma.local [hbm:s3], $0xF7A  }
0x26: {  	[smem:$0x3F96] =	sst s1;
	(tag) =	ssettag s2;
	_ =	strace s9  }
0x27: {  	s1 =	sld [smem:$0x3FA6]  }
0x28: {  	s2 =	sld [smem:$0x3FA7]  }
0x29: {  	s4 =	sld [smem:$0x3FA9]  }
0x2a: {  	p0 =	seq.s32 s5, $0x0;
	s5 =	sld [smem:$0x3FAA]  }
0x2b: {  	s6 =	sld [smem:$0x3FAB]  }
0x2c: {  	s7 =	sld [smem:$0x3FAC]  }
0x2d: {  	s3 =	simm.s32 $0x108;
	s8 =	sld [smem:$0x3FAD]  }
0x2e: {  	s3 =	simm.s32 @!p0 $0x1082;
	s9 =	sld [smem:$0x3FAE]  }
0x2f: {  	lr =	sadd.s32 s0, s3;
	s0 =	sld [smem:$0x3FA5]  }
0x30: {  	s3 =	sld [smem:$0x3FA8]  }
0x31: {  	[smem:$0x3FB1] =	sst s10  }
0x32: {  	s10 =	sld [smem:$0x3FAF];
	_ =	sdelay $0x3  }
0x33: {  	p0 =	seq.s32 s10, $0x1;
	s10 =	sld [smem:$0x3FB1];
	_ =	sdelay $0x3  }
0x34: {  	[smem:$0x3FB1] =	sst s10  }
0x35: {  	s10 =	sld [smem:$0x3FB0];
	_ =	sdelay $0x3  }
0x36: {  	p1 =	seq.s32 s10, $0x1;
	s10 =	sld [smem:$0x3FB1];
	_ =	sdelay $0x3  }
0x37: {  	[smem:$0x3FB1] =	sst s10  }
0x38: {  	s10 =	sld [smem:$0x3FB2]  }
0x39: {  	_ = 	snop;
	(pc) =	sbr.ind lr, $3  }
0x3a: {  	_ = 	snop  }
0x3b: {  	_ = 	snop  }
0x3c: {  	p2 =	seq.s32 s10, $0x1;
	s10 =	sld [smem:$0x3FB1]  }
0x3d: {  	_ =	shalt  }
0x3e: {  	_ =	shalt  }
0x3f: {  	_ =	shalt  }
0x40: {  	_ =	shalt  }
0x41: {  	_ =	shalt  }
0x42: {  	_ =	shalt  }
0x43: {  	_ =	shalt  }
0x44: {  	_ =	shalt  }
0x45: {  	_ =	shalt  }
0x46: {  	_ =	shalt  }
0x47: {  	_ =	shalt  }
0x48: {  	_ =	shalt  }
0x49: {  	_ =	shalt  }
0x4a: {  	_ =	shalt  }
0x4b: {  	_ =	shalt  }
0x4c: {  	_ =	shalt  }
0x4d: {  	_ =	shalt  }
0x4e: {  	_ =	shalt  }
0x4f: {  	_ =	shalt  }
0x50: {  	_ =	shalt  }
0x51: {  	_ =	shalt  }
0x52: {  	_ =	shalt  }
0x53: {  	_ =	shalt  }
0x54: {  	_ =	shalt  }
0x55: {  	_ =	shalt  }
0x56: {  	_ =	shalt  }
0x57: {  	_ =	shalt  }
0x58: {  	_ =	shalt  }
0x59: {  	_ =	shalt  }
0x5a: {  	_ =	shalt  }
0x5b: {  	_ =	shalt  }
0x5c: {  	_ =	shalt  }
0x5d: {  	_ =	shalt  }
0x5e: {  	_ =	shalt  }
0x5f: {  	_ =	shalt  }
0x60: {  	_ =	shalt  }
0x61: {  	_ =	shalt  }
0x62: {  	_ =	shalt  }
0x63: {  	_ =	shalt  }
0x64: {  	_ =	shalt  }
0x65: {  	_ =	shalt  }
0x66: {  	_ =	shalt  }
0x67: {  	_ =	shalt  }
0x68: {  	_ =	shalt  }
0x69: {  	_ =	shalt  }
0x6a: {  	_ =	shalt  }
0x6b: {  	_ =	shalt  }
0x6c: {  	_ =	shalt  }
0x6d: {  	_ =	shalt  }
0x6e: {  	_ =	shalt  }
0x6f: {  	_ =	shalt  }
0x70: {  	_ =	shalt  }
0x71: {  	_ =	shalt  }
0x72: {  	_ =	shalt  }
0x73: {  	_ =	shalt  }
0x74: {  	_ =	shalt  }
0x75: {  	_ =	shalt  }
0x76: {  	_ =	shalt  }
0x77: {  	_ =	shalt  }
0x78: {  	_ =	shalt  }
0x79: {  	_ =	shalt  }
0x7a: {  	_ =	shalt  }
0x7b: {  	_ =	shalt  }
0x7c: {  	_ =	shalt  }
0x7d: {  	_ =	shalt  }
0x7e: {  	_ =	shalt  }
0x7f: {  	_ =	shalt  }
0x80: {  	_ =	shalt  }
0x81: {  	_ =	shalt  }
0x82: {  	_ =	shalt  }
0x83: {  	_ =	shalt  }
0x84: {  	_ =	shalt  }
0x85: {  	_ =	shalt  }
0x86: {  	_ =	shalt  }
0x87: {  	_ =	shalt  }
.Lfunc_end0:
.L_simem_size_0:
called_computation_lowered:
.L_overlay_start_0:
0x88: {  	s2 =	sld [smem:$0x3FD9]  }
0x89: {  	s3 =	sld [smem:$0x3FFE];
	_ =	sdelay $0x1  }
0x8a: {  	s1 =	srdreg.scid  }
0x8b: {  	s0 =	sand.u32 $0x1, s1  }
0x8c: {  	s17 =	sshll.u32 s0, $0xA;
	s2 =	sadd.s32 s3, s2  }
0x8d: {  	s2 =	sadd.s32 s2, s17  }
0x8e: {  	[smem:$0x3FBD] =	sst s2  }
0x8f: {  	_ = 	snop  }
0x90: {  	s2 =	sld [smem:$0x3FD0];
	(tm) =	ssettm $0x1  }
0x91: {  	s18 =	sld [smem:$0x3FFB];
	_ =	sdelay $0x3  }
0x92: {  	_ =	strace s18  }
0x93: {  	s3 =	sld [smem:$0x3FFC];
	_ =	sdelay $0x3  }
0x94: {  	_ =	strace s3  }
0x95: {  	s3 =	sld [smem:$0x3FFD];
	_ =	sdelay $0x3  }
0x96: {  	_ =	strace s3  }
0x97: {  	_ =	strace $0x8FFFFFFF  }
0x98: {  	s19 =	sld [smem:$0x3FDB];
	_ =	sdelay $0x1  }
0x99: {  	s4 =	simm.s32 $_scs_section_size  }
0x9a: {  	s5 =	simm.s32 $_size__tile_overlayer_lowered;
	s6 =	simm.s32 $_tile_overlayer_lowered  }
0x9b: {  	s22 =	simm.s32 $0x1BFF;
	s21 =	sshll.u32 s6, $0x1;
	s3 =	sadd.s32 s4, s19  }
0x9c: {  	s7 =	simm.s32 $0x0;
	s20 =	sshll.u32 s5, $0x1;
	s5 =	sadd.s32 s21, s3  }
0x9d: {  	[timem:s7], [sflag:s22] =	dma.local [hbm:s5], s20  }
0x9e: {  	_ =	swait.ge [sflag:s22], s20  }
0x9f: {  	s4 =	ssub.s32 $0x0, s20;
	[sflag:s22] =	ssyncset.done $0x0  }
0xa0: {  	[sflag:s22] =	ssyncadd.s32 s4;
	_ =	sdelay $0x1  }
0xa1: {  	s23 =	simm.s32 $0x1B8B  }
0xa2: {  	_ =	swait.ge [sflag:s23], $0x1  }
0xa3: {  	[sflag:s23] =	ssyncset.done $0x0  }
0xa4: {  	s25 =	simm.s32 $0x1B8E;
	s24 =	sld [smem:$0x3FFE];
	[sflag:s23] =	ssyncadd.s32 $0xFFFFFFFF  }
0xa5: {  	s26 =	simm.s32 $execute0_lowered;
	[smem:$0x3FD2] =	sst s25  }
0xa6: {  	s5 =	sshll.u32 s26, $0x1;
	_ =	strace $0x80000046;
	[dreg:$0x1] =	wrdreg $0xFFFFFFFF  }
0xa7: {  	s28 =	simm.s32 $_size_execute0_lowered;
	s3 =	sadd.s32 s3, s5;
	[dreg:$0x0] =	wrdreg $0x0  }
0xa8: {  	s5 =	sshll.u32 s28, $0x1;
	[dreg:$0x2] =	wrdreg s3  }
0xa9: {  	[dreg:$0x3] =	wrdreg s5  }
0xaa: {  	[dreg:$0x4] =	wrdreg $0xC0  }
0xab: {  	_ =	task [dreg:s7], $0x5FFFF  }
0xac: {  	[dreg:$0x1] =	wrdreg $0xFFFFFFFF  }
0xad: {  	[dreg:$0x0] =	wrdreg $0x60  }
0xae: {  	[dreg:$0x2] =	wrdreg s24  }
0xaf: {  	[dreg:$0x3] =	wrdreg s2  }
0xb0: {  	[dreg:$0x4] =	wrdreg $0x1EA00  }
0xb1: {  	[dreg:$0x5] =	wrdreg $0x9  }
0xb2: {  	_ =	task.clear_ibuf [dreg:s7], $0x6FFFF;
	_ =	strace $0x90000046  }
0xb3: {  	s29 =	simm.s32 $0x9;
	_ =	strace $0x80000048  }
0xb4: {  	_ =	swait.ge [sflag:s29], $0x1  }
0xb5: {  	[sflag:s29] =	ssyncadd.s32 $0xFFFFFFFF  }
0xb6: {  	_ =	strace $0x90000048  }
0xb7: {  	_ =	sfence  }
0xb8: {  	s30 =	sld [smem:$0x0];
	_ =	sdelay $0x2  }
0xb9: {  	s31 =	sshll.u32 s1, $0xD;
	s1 =	sshrl.u32 s1, $0x2  }
0xba: {  	s3 =	sand.u32 $0x4000, s31;
	s1 =	sadd.s32 s1, s30  }
0xbb: {  	s0 =	sor.u32 s3, s0;
	s1 =	sshll.u32 s1, $0x11  }
0xbc: {  	s0 =	sor.u32 s1, s0  }
0xbd: {  	s0 =	sadd.s32 $0x8F2B, s0  }
0xbe: {  	[sflag:s0] =	ssyncadd.remote.s32 $0x1  }
0xbf: {  	_ =	sfence.sel $0xFFFF  }
0xc0: {  	[dreg:$0x0] =	wrdreg $0xFFFFFFFF;
	(pc) =	sbr.abs _section_cstart, $3  }
0xc1: {  	[dreg:$0x1] =	wrdreg $0xFFFFFFFF  }
0xc2: {  	_ =	task.clear_ibuf [dreg:s7], $0x2FFFF;
	_ =	strace $0x9FFFFFFF  }
0xc3: {  	(tm) =	ssettm $0x7FFFFFFF  }
tec
execute0_lowered:
.L_overlay_start_1:
0x0: {  	(tag) =	ssettag $0x1  }
0x1: {  	s9 =	rddreg [dreg:$0x0]  }
0x2: {  	s1 =	rddreg [dreg:$0x1]  }
0x3: {  	s2 =	rddreg [dreg:$0x2]  }
0x4: {  	s0 =	rddreg [dreg:$0x3];
	s4 =	simm.s32 $0x0;
	s12 =	srdreg.scid  }
0x5: {  	s3 =	stileid.u32;
	s18 =	simm.s32 $0xFA0;
	s19 =	simm.s32 $0x14A0  }
0x6: {  	s20 =	simm.s32 $0x1;
	s21 =	simm.s32 $0x2;
	s22 =	simm.s32 $0x19A0  }
0x7: {  	[smem:$0x7FF] =	sst s4;
	s10 =	sand.u32 $0x1, s12;
	s13 =	smul.u32 $0xC380, s3  }
0x8: {  	s5 =	sadd.s32 $0x94800, s9;
	s6 =	sadd.s32 $0x7C000, s9;
	s7 =	sadd.s32 $0xC5600, s9  }
0x9: {  	s8 =	sadd.s32 $0x188C00, s9;
	s26 =	smul.u32 $0x30E00, s3;
	s30 =	sshll.u32 s3, $0x6  }
0xa: {  	s31 =	sshll.u32 s12, $0x2;
	s11 =	smul.u32 $0xC3800, s10;
	_ =	strace $0x80000047  }
0xb: {  	s14 =	ssub.s32 $0x2, s10;
	s15 =	smul.u32 $0xC3500, s10;
	s10 =	sor.u32 $0x1C03, s30  }
0xc: {  	s28 =	sshrl.u32 s14, $0x1;
	s29 =	sshrl.u32 s26, $0x2;
	s11 =	sadd.s32 s13, s11  }
0xd: {  	s14 =	ssub.s32 s14, s28;
	s17 =	sadd.s32 s29, s2;
	s11 =	sshrl.u32 s11, $0x3  }
0xe: {  	v0 =	vmov s31;
	s13 =	smax.u32 s14, $0x1;
	s16 =	sadd.s32 s11, s9;
	s9 =	smul.u32 $0xC350, s3  }
0xf: {  	v1 =	vlaneseq.u32;
	v0 =	vand.u32 $0x4, v0;
	s14 =	sshrl.u32 s17, $0x3;
	s17 =	simm.s32 $0x50;
	s12 =	sadd.s32 $0x1A1400, s16  }
0x10: {  	v1 =	vmul.u32 $0x10, v1;
	v0 =	vbroadcast v0, $0x0;
	s16 =	simm.s32 $0x7D0;
	s11 =	sadd.s32 s15, s9;
	s15 =	simm.s32 $0x3  }
.LBB2_1:
0x11: {  	[spmem:s14], [sflag:s10] =	dma.local [hbm:s1], $0x1870  }
0x12: {  	_ =	swait.ge [sflag:s15], $0x1870  }
0x13: {  	[sflag:s15] =	ssyncset.done $0x0  }
0x14: {  	[sflag:s15] =	ssyncadd.s32 $0xFFFFE790  }
0x15: {  	s23 =	simm.s32 $0x0;
	[bflag:$0x0] =	sbarrier.arrive $0xFFFF  }
.LBB2_2:
0x16: {  	s25 =	smul.u32 $0x7D0, s23;
	_ =	sdelay $0x1  }
0x17: {  	s24 =	sadd.s32 s11, s25  }
0x18: {  	s24 =	sshrl.u32 s24, $0x3  }
0x19: {  	s26 =	sadd.s32 s5, s24;
	s24 =	simm.s32 $0x0  }
0x1a: {  	[tilespmem:s24], [sflag:$0x3] =	stream.linear.gather [hbm4b:s26+s24], $0x7D0, $0x38;
	[tilespmem:$0xE220] =	vst v63  }
0x1b: {  	s25 =	sadd.s32 s9, s25;
	_ =	swait.ge [sflag:s15], $0x7D0  }
0x1c: {  	s25 =	sshrl.u32 s25, $0x3;
	[sflag:s15] =	ssyncset.done $0x0  }
0x1d: {  	s25 =	sadd.s32 s6, s25;
	[sflag:s15] =	ssyncadd.s32 $0xFFFFF830  }
0x1e: {  	[tilespmem:s16], [sflag:$0x3] =	stream.linear.gather [hbm4b:s25+s24], $0x7D0, $0x38;
	[tilespmem:$0xE220] =	vst v63  }
0x1f: {  	_ =	swait.ge [sflag:s15], $0x7D0  }
0x20: {  	[sflag:s15] =	ssyncset.done $0x0  }
0x21: {  	s25 =	simm.s32 $0x0;
	[sflag:s15] =	ssyncadd.s32 $0xFFFFF830  }
.LBB2_3:
0x22: {  	s26 =	smul.u32 $0x50, s25;
	_ =	sdelay $0x1  }
0x23: {  	[tilespmem:s18], [sflag:$0x1] =	stream.indirect.gather [hbm4b:s7+s17], $0x10, s26, s17, $0xb8;
	[tilespmem:$0xE220] =	vst v63  }
0x24: {  	v2 =	vmov s24;
	s26 =	sadd.s32 $0x7D0, s26  }
0x25: {  	v2 =	vshll.u32 v2, $0x4;
	[tilespmem:s19], [sflag:$0x2] =	stream.indirect.gather [hbm4b:s8+s17], $0x10, s26, s17, $0xb8;
	[tilespmem:$0xE220] =	vst v63  }
0x26: {  	v2 =	vor.u32 v1, v2;
	_ =	swait.ge [sflag:s20], $0x500  }
0x27: {  	v3 =	vor.u32 $0x8, v2;
	[sflag:s20] =	ssyncset.done $0x0  }
0x28: {  	v4 =	vor.u32 v0, v2;
	[sflag:s20] =	ssyncadd.s32 $0xFFFFFB00  }
0x29: {  	_ =	swait.ge [sflag:s21], $0x500  }
0x2a: {  	[sflag:s21] =	ssyncset.done $0x0  }
0x2b: {  	[sflag:s21] =	ssyncadd.s32 $0xFFFFFB00  }
0x2c: {  	v5 =	vld.idx.msk [tilespmem:v3+s18+$0x0], $0xffff  }
0x2d: {  	v4 =	vld.idx.msk [tilespmem:v4+s19+$0x0], $0xffff;
	_ =	sdelay $0x4  }
0x2e: {  	v4 =	vadd.f32 v4, v5;
	_ =	sdelay $0x1  }
0x2f: {  	v5 =	vmul.f32 $2.000000030e-01, v4;
	_ =	sdelay $0x1  }
0x30: {  	v4 =	vmax.f32 v4, v5  }
0x31: {  	v4 =	vmul.f32 $1.442695020e+00, v4;
	_ =	sdelay $0x1  }
0x32: {  	(erf) = vpow2.f32 v4;
	_ =	sdelay $0x8  }
0x33: {  	v6 =	vpop (erf)  }
0x34: {  	[tilespmem:v3+s22+$0x0] =	vst.idx.msk $0xffff, v6  }
0x35: {  	v3 =	vld.idx.msk [tilespmem:v2+s18+$0x0], $0xffff;
	_ =	sdelay $0x2  }
0x36: {  	v4 =	vor.u32 $0x1, v2;
	_ =	sdelay $0x1  }
0x37: {  	v3 =	vmul.f32 v6, v3;
	_ =	sdelay $0x1  }
0x38: {  	[tilespmem:v2+s22+$0x0] =	vst.idx.msk $0xffff, v3  }
0x39: {  	v3 =	vld.idx.msk [tilespmem:v4+s18+$0x0], $0xffff;
	_ =	sdelay $0x2  }
0x3a: {  	v5 =	vor.u32 $0x2, v2;
	_ =	sdelay $0x1  }
0x3b: {  	v3 =	vmul.f32 v6, v3;
	_ =	sdelay $0x1  }
0x3c: {  	[tilespmem:v4+s22+$0x0] =	vst.idx.msk $0xffff, v3  }
0x3d: {  	v3 =	vld.idx.msk [tilespmem:v5+s18+$0x0], $0xffff;
	_ =	sdelay $0x2  }
0x3e: {  	v4 =	vor.u32 $0x3, v2;
	_ =	sdelay $0x1  }
0x3f: {  	v3 =	vmul.f32 v3, v6;
	_ =	sdelay $0x1  }
0x40: {  	[tilespmem:v5+s22+$0x0] =	vst.idx.msk $0xffff, v3  }
0x41: {  	v3 =	vld.idx.msk [tilespmem:v4+s18+$0x0], $0xffff;
	_ =	sdelay $0x2  }
0x42: {  	v5 =	vor.u32 $0x4, v2;
	_ =	sdelay $0x1  }
0x43: {  	v3 =	vmul.f32 v3, v6;
	_ =	sdelay $0x1  }
0x44: {  	[tilespmem:v4+s22+$0x0] =	vst.idx.msk $0xffff, v3  }
0x45: {  	v3 =	vld.idx.msk [tilespmem:v5+s18+$0x0], $0xffff;
	_ =	sdelay $0x2  }
0x46: {  	v4 =	vor.u32 $0x5, v2;
	_ =	sdelay $0x1  }
0x47: {  	v3 =	vmul.f32 v3, v6;
	_ =	sdelay $0x1  }
0x48: {  	[tilespmem:v5+s22+$0x0] =	vst.idx.msk $0xffff, v3  }
0x49: {  	v3 =	vld.idx.msk [tilespmem:v4+s18+$0x0], $0xffff;
	_ =	sdelay $0x2  }
0x4a: {  	v5 =	vor.u32 $0x6, v2;
	_ =	sdelay $0x1  }
0x4b: {  	v3 =	vmul.f32 v3, v6;
	_ =	sdelay $0x1  }
0x4c: {  	[tilespmem:v4+s22+$0x0] =	vst.idx.msk $0xffff, v3  }
0x4d: {  	v3 =	vld.idx.msk [tilespmem:v5+s18+$0x0], $0xffff;
	_ =	sdelay $0x2  }
0x4e: {  	v4 =	vor.u32 $0x7, v2;
	_ =	sdelay $0x1  }
0x4f: {  	v2 =	vmul.f32 v3, v6;
	_ =	sdelay $0x1  }
0x50: {  	s28 =	simm.s32 $0x10;
	[tilespmem:v5+s22+$0x0] =	vst.idx.msk $0xffff, v2  }
0x51: {  	v2 =	vmov s28;
	v7 =	vld.idx.msk [tilespmem:v4+s18+$0x0], $0xffff  }
0x52: {  	v2 =	vshll.u32 v2, $0x4  }
0x53: {  	v2 =	vor.u32 v1, v2  }
0x54: {  	v3 =	vor.u32 $0x8, v2  }
0x55: {  	v5 =	vor.u32 v0, v2  }
0x56: {  	s28 =	simm.s32 $0x20;
	v6 =	vmul.f32 v7, v6  }
.LBB2_4:
0x57: {  	p0 =	sne.s32 s28, $0x40;
	s29 =	smov.u32 s28;
	s28 =	sadd.s32 $0x10, s28  }
0x58: {  	[tilespmem:v4+s22+$0x0] =	vst.idx.msk $0xffff, v6  }
0x59: {  	v4 =	vld.idx.msk [tilespmem:v3+s18+$0x0], $0xffff  }
0x5a: {  	v5 =	vld.idx.msk [tilespmem:v5+s19+$0x0], $0xffff;
	_ =	sdelay $0x5  }
0x5b: {  	v4 =	vadd.f32 v5, v4;
	_ =	sdelay $0x1  }
0x5c: {  	v5 =	vmul.f32 $2.000000030e-01, v4;
	_ =	sdelay $0x1  }
0x5d: {  	v4 =	vmax.f32 v4, v5  }
0x5e: {  	v4 =	vmul.f32 $1.442695020e+00, v4;
	_ =	sdelay $0x1  }
0x5f: {  	(erf) = vpow2.f32 v4;
	_ =	sdelay $0x8  }
0x60: {  	v6 =	vpop (erf)  }
0x61: {  	[tilespmem:v3+s22+$0x0] =	vst.idx.msk $0xffff, v6  }
0x62: {  	v3 =	vld.idx.msk [tilespmem:v2+s18+$0x0], $0xffff;
	_ =	sdelay $0x2  }
0x63: {  	v4 =	vor.u32 $0x1, v2;
	_ =	sdelay $0x2  }
0x64: {  	v3 =	vmul.f32 v6, v3;
	_ =	sdelay $0x1  }
0x65: {  	[tilespmem:v2+s22+$0x0] =	vst.idx.msk $0xffff, v3  }
0x66: {  	v3 =	vld.idx.msk [tilespmem:v4+s18+$0x0], $0xffff;
	_ =	sdelay $0x2  }
0x67: {  	v5 =	vor.u32 $0x2, v2;
	_ =	sdelay $0x2  }
0x68: {  	v3 =	vmul.f32 v6, v3;
	_ =	sdelay $0x1  }
0x69: {  	[tilespmem:v4+s22+$0x0] =	vst.idx.msk $0xffff, v3  }
0x6a: {  	v3 =	vld.idx.msk [tilespmem:v5+s18+$0x0], $0xffff;
	_ =	sdelay $0x2  }
0x6b: {  	v4 =	vor.u32 $0x3, v2;
	_ =	sdelay $0x2  }
0x6c: {  	v3 =	vmul.f32 v3, v6;
	_ =	sdelay $0x1  }
0x6d: {  	[tilespmem:v5+s22+$0x0] =	vst.idx.msk $0xffff, v3  }
0x6e: {  	v3 =	vld.idx.msk [tilespmem:v4+s18+$0x0], $0xffff;
	_ =	sdelay $0x2  }
0x6f: {  	v5 =	vor.u32 $0x4, v2;
	_ =	sdelay $0x2  }
0x70: {  	v3 =	vmul.f32 v3, v6;
	_ =	sdelay $0x1  }
0x71: {  	[tilespmem:v4+s22+$0x0] =	vst.idx.msk $0xffff, v3  }
0x72: {  	v3 =	vld.idx.msk [tilespmem:v5+s18+$0x0], $0xffff;
	_ =	sdelay $0x2  }
0x73: {  	v4 =	vor.u32 $0x5, v2;
	_ =	sdelay $0x2  }
0x74: {  	v3 =	vmul.f32 v3, v6;
	_ =	sdelay $0x1  }
0x75: {  	[tilespmem:v5+s22+$0x0] =	vst.idx.msk $0xffff, v3  }
0x76: {  	v3 =	vld.idx.msk [tilespmem:v4+s18+$0x0], $0xffff;
	_ =	sdelay $0x2  }
0x77: {  	v5 =	vor.u32 $0x6, v2;
	_ =	sdelay $0x2  }
0x78: {  	v3 =	vmul.f32 v3, v6;
	_ =	sdelay $0x1  }
0x79: {  	[tilespmem:v4+s22+$0x0] =	vst.idx.msk $0xffff, v3  }
0x7a: {  	v3 =	vld.idx.msk [tilespmem:v5+s18+$0x0], $0xffff;
	_ =	sdelay $0x2  }
0x7b: {  	v4 =	vor.u32 $0x7, v2;
	_ =	sdelay $0x2  }
0x7c: {  	v2 =	vmul.f32 v3, v6;
	_ =	sdelay $0x1  }
0x7d: {  	[tilespmem:v5+s22+$0x0] =	vst.idx.msk $0xffff, v2  }
0x7e: {  	v7 =	vld.idx.msk [tilespmem:v4+s18+$0x0], $0xffff  }
0x7f: {  	v2 =	vmov s29  }
.Ltmp0:
0x80: {  	v2 =	vshll.u32 v2, $0x4;
	(pc) =	sbr.rel @p0 .LBB2_4-.Ltmp0, $3  }
0x81: {  	v2 =	vor.u32 v1, v2  }
0x82: {  	v3 =	vor.u32 $0x8, v2;
	v5 =	vor.u32 v0, v2;
	_ =	sdelay $0x1  }
0x83: {  	v6 =	vmul.f32 v7, v6  }
0x84: {  	_ =	sdelay $0x3  }
0x85: {  	[tilespmem:v4+s22+$0x0] =	vst.idx.msk $0xffff, v6  }
0x86: {  	v4 =	vld.idx.msk [tilespmem:v3+s18+$0x0], $0xffff  }
0x87: {  	v5 =	vld.idx.msk [tilespmem:v5+s19+$0x0], $0xffff;
	_ =	sdelay $0x4  }
0x88: {  	v4 =	vadd.f32 v5, v4;
	_ =	sdelay $0x1  }
0x89: {  	v5 =	vmul.f32 $2.000000030e-01, v4;
	_ =	sdelay $0x1  }
0x8a: {  	v4 =	vmax.f32 v4, v5  }
0x8b: {  	v4 =	vmul.f32 $1.442695020e+00, v4;
	_ =	sdelay $0x1  }
0x8c: {  	(erf) = vpow2.f32 v4;
	_ =	sdelay $0x8  }
0x8d: {  	v4 =	vpop (erf)  }
0x8e: {  	[tilespmem:v3+s22+$0x0] =	vst.idx.msk $0xffff, v4  }
0x8f: {  	v3 =	vld.idx.msk [tilespmem:v2+s18+$0x0], $0xffff;
	_ =	sdelay $0x2  }
0x90: {  	v58 =	vor.u32 $0x1, v2;
	_ =	sdelay $0x1  }
0x91: {  	v3 =	vmul.f32 v4, v3;
	_ =	sdelay $0x1  }
0x92: {  	[tilespmem:v2+s22+$0x0] =	vst.idx.msk $0xffff, v3  }
0x93: {  	v3 =	vld.idx.msk [tilespmem:v58+s18+$0x0], $0xffff;
	_ =	sdelay $0x2  }
0x94: {  	v59 =	vor.u32 $0x2, v2;
	_ =	sdelay $0x1  }
0x95: {  	v3 =	vmul.f32 v4, v3;
	_ =	sdelay $0x1  }
0x96: {  	[tilespmem:v58+s22+$0x0] =	vst.idx.msk $0xffff, v3  }
0x97: {  	v3 =	vld.idx.msk [tilespmem:v59+s18+$0x0], $0xffff;
	_ =	sdelay $0x2  }
0x98: {  	v60 =	vor.u32 $0x3, v2;
	_ =	sdelay $0x1  }
0x99: {  	v3 =	vmul.f32 v3, v4;
	_ =	sdelay $0x1  }
0x9a: {  	[tilespmem:v59+s22+$0x0] =	vst.idx.msk $0xffff, v3  }
0x9b: {  	v3 =	vld.idx.msk [tilespmem:v60+s18+$0x0], $0xffff;
	_ =	sdelay $0x2  }
0x9c: {  	v61 =	vor.u32 $0x4, v2;
	_ =	sdelay $0x1  }
0x9d: {  	v3 =	vmul.f32 v3, v4;
	_ =	sdelay $0x1  }
0x9e: {  	[tilespmem:v60+s22+$0x0] =	vst.idx.msk $0xffff, v3  }
0x9f: {  	v3 =	vld.idx.msk [tilespmem:v61+s18+$0x0], $0xffff;
	_ =	sdelay $0x2  }
0xa0: {  	v62 =	vor.u32 $0x5, v2;
	_ =	sdelay $0x1  }
0xa1: {  	v3 =	vmul.f32 v3, v4;
	_ =	sdelay $0x1  }
0xa2: {  	[tilespmem:v61+s22+$0x0] =	vst.idx.msk $0xffff, v3  }
0xa3: {  	v3 =	vld.idx.msk [tilespmem:v62+s18+$0x0], $0xffff;
	_ =	sdelay $0x2  }
0xa4: {  	v63 =	vor.u32 $0x6, v2;
	_ =	sdelay $0x1  }
0xa5: {  	v3 =	vmul.f32 v3, v4;
	_ =	sdelay $0x1  }
0xa6: {  	[tilespmem:v62+s22+$0x0] =	vst.idx.msk $0xffff, v3  }
0xa7: {  	v3 =	vld.idx.msk [tilespmem:v63+s18+$0x0], $0xffff;
	_ =	sdelay $0x2  }
0xa8: {  	v2 =	vor.u32 $0x7, v2;
	_ =	sdelay $0x1  }
0xa9: {  	v3 =	vmul.f32 v3, v4;
	_ =	sdelay $0x1  }
0xaa: {  	[tilespmem:v63+s22+$0x0] =	vst.idx.msk $0xffff, v3  }
0xab: {  	v3 =	vld.idx.msk [tilespmem:v2+s18+$0x0], $0xffff;
	_ =	sdelay $0x4  }
0xac: {  	s25 =	sadd.s32 $0x1, s25;
	v3 =	vmul.f32 v3, v4  }
0xad: {  	p0 =	sne.s32 s25, $0x19  }
.Ltmp1:
0xae: {  	[tilespmem:v2+s22+$0x0] =	vst.idx.msk $0xffff, v3;
	(pc) =	sbr.rel @p0 .LBB2_3-.Ltmp1, $4  }
0xaf: {  	[spmem:s2] =	stream.indirect.scatter.add.f32 [tilespmem:s22], [sflag:$0x3], $0x10, s26, s17, $0xb8;
	[tilespmem:$0xE220] =	vst v63  }
0xb0: {  	_ =	swait.ge [sflag:s15], $0x500  }
0xb1: {  	[sflag:s15] =	ssyncset.done $0x0  }
0xb2: {  	[sflag:s15] =	ssyncadd.s32 $0xFFFFFB00  }
0xb3: {  	s23 =	sadd.s32 $0x1, s23  }
0xb4: {  	p0 =	sne.s32 s23, $0x19  }
.Ltmp2:
0xb5: {  	_ = 	snop;
	(pc) =	sbr.rel @p0 .LBB2_2-.Ltmp2, $1  }
0xb6: {  	_ =	sdelay $0x3  }
0xb7: {  	s4 =	sadd.s32 $0x1, s4  }
0xb8: {  	p0 =	sne.s32 s4, s13  }
.Ltmp3:
0xb9: {  	[bflag:$0x0] =	sbarrier.arrive $0xFFFF;
	(pc) =	sbr.rel @p0 .LBB2_1-.Ltmp3, $4  }
0xba: {  	[hbm:s12], [sflag:s10] =	dma.local [spmem:s14], $0x1870  }
0xbb: {  	_ =	swait.ge [sflag:s15], $0x1870  }
0xbc: {  	[sflag:s15] =	ssyncset.done $0x0  }
0xbd: {  	[sflag:s15] =	ssyncadd.s32 $0xFFFFE790  }
0xbe: {  	_ =	sfence.sel $0x180000  }
0xbf: {  	[bflag:$0x0] =	sbarrier.arrive $0xFFFF  }
0xc0: {  	p0 =	sne.s32 s3, $0x0;
	_ =	strace $0x90000047  }
0xc1: {  	s0 =	sadd.s32 @!p0 $0x100000, s0;
	[bflag:$0x2] =	sbarrier.arrive $0xFFFF  }
0xc2: {  	[sflag:s0] =	ssyncadd.tile.s32 @!p0 $0x1;
	_ =	shalt  }
.Lfunc_end2:
_tile_overlayer_lowered:
.L_overlay_start_2:
0xc3: {  	(tag) =	ssettag $0x2  }
0xc4: {  	s0 =	rddreg [dreg:$0x0];
	s2 =	stileid.u32  }
0xc5: {  	s1 =	rddreg [dreg:$0x1];
	p0 =	sne.s32 s2, $0x0  }
0xc6: {  	s3 =	rddreg [dreg:$0x2];
	[bflag:$0x3] =	sbarrier.arrive $0xFFFF;
	s2 =	simm.s32 @!p0 $0x1C03  }
0xc7: {  	[timem:s3], [sflag:s2] =	dma.local @!p0 [hbm:s0], s1  }
0xc8: {  	s0 =	simm.s32 @!p0 $0x3  }
0xc9: {  	_ =	swait.ge @!p0 [sflag:s0], s1  }
0xca: {  	s1 =	ssub.s32 @!p0 $0x0, s1;
	[sflag:s0] =	ssyncset.done @!p0 $0x0  }
0xcb: {  	[sflag:s0] =	ssyncadd.s32 @!p0 s1  }
0xcc: {  	[bflag:$0x3] =	sbarrier.arrive $0xFFFF  }
0xcd: {  	_ =	shalt  }

</sc_bundles>
